<compile_context>
chip_gen: v7x
topology: tpu7x:2x2x1
jax: 0.10.2.dev20260603
libtpu: 0.0.44.dev20260713+nightly
codegen_flags: <defaults>
</compile_context>

<pallas_src>
import functools

import jax
import jax.numpy as jnp
from jax import lax
from jax.experimental import pallas as pl
from jax.experimental.pallas import tpu as pltpu
from jax.experimental.pallas import tpu_sc as plsc

N = 10000
E = 320000
D = 128
NC = 2
NS = 16
NW = NC * NS
EPW = E // NW
K = 40
NCH = EPW // K
NP = 10240
RPS = NP // NS


def _tables_body(x_ref, wab_ref, bab_ref, wc_ref, bc_ref, wd_ref, bd_ref,
                 ab_ref, c_ref, d_ref):
    xb = x_ref[...]
    ab_ref[...] = jnp.dot(xb, wab_ref[...],
                          preferred_element_type=jnp.float32) + bab_ref[...]
    c_ref[...] = jnp.dot(xb, wc_ref[...],
                         preferred_element_type=jnp.float32) + bc_ref[...]
    d_ref[...] = jnp.dot(xb, wd_ref[...],
                         preferred_element_type=jnp.float32) + bd_ref[...]


def _node_tables(x, Wab, bab, Wc, bc, Wd, bd):
    blk = 2000
    grid = N // blk
    return pl.pallas_call(
        _tables_body,
        grid=(grid,),
        in_specs=[
            pl.BlockSpec((blk, D), lambda i: (i, 0)),
            pl.BlockSpec((D, 2 * D), lambda i: (0, 0)),
            pl.BlockSpec((1, 2 * D), lambda i: (0, 0)),
            pl.BlockSpec((D, D), lambda i: (0, 0)),
            pl.BlockSpec((1, D), lambda i: (0, 0)),
            pl.BlockSpec((D, D), lambda i: (0, 0)),
            pl.BlockSpec((1, D), lambda i: (0, 0)),
        ],
        out_specs=[
            pl.BlockSpec((blk, 2 * D), lambda i: (i, 0)),
            pl.BlockSpec((blk, D), lambda i: (i, 0)),
            pl.BlockSpec((blk, D), lambda i: (i, 0)),
        ],
        out_shape=[
            jax.ShapeDtypeStruct((N, 2 * D), jnp.float32),
            jax.ShapeDtypeStruct((N, D), jnp.float32),
            jax.ShapeDtypeStruct((N, D), jnp.float32),
        ],
    )(x, Wab, bab, Wc, bc, Wd, bd)


def _ex_body(ea_ref, we_ref, be_ref, out_ref):
    out_ref[...] = jnp.dot(ea_ref[...], we_ref[...],
                           preferred_element_type=jnp.float32) + be_ref[...]


def _edge_proj(edge_attr, We, be):
    blk = 10000
    grid = E // blk
    return pl.pallas_call(
        _ex_body,
        grid=(grid,),
        in_specs=[
            pl.BlockSpec((blk, 16), lambda i: (i, 0)),
            pl.BlockSpec((16, D), lambda i: (0, 0)),
            pl.BlockSpec((1, D), lambda i: (0, 0)),
        ],
        out_specs=pl.BlockSpec((blk, D), lambda i: (i, 0)),
        out_shape=jax.ShapeDtypeStruct((E, D), jnp.float32),
    )(edge_attr, We, be)


def _sc_edge_body(ab_hbm, c_hbm, ex_hbm, src_hbm, dst_hbm, zero_hbm,
                  out_hbm,
                  sidx0, sidx1, didx0, didx1, abv0, abv1, cv0, cv1,
                  exv0, exv1,
                  acc, semi0, semi1, semg0, semg1):
    cid = lax.axis_index("c")
    sid = lax.axis_index("s")
    wid = cid * NS + sid
    base = wid * EPW
    sidx = (sidx0, sidx1)
    didx = (didx0, didx1)
    abv = (abv0, abv1)
    cv = (cv0, cv1)
    exv = (exv0, exv1)
    semi = (semi0, semi1)
    semg = (semg0, semg1)

    r0 = sid * RPS
    pltpu.sync_copy(zero_hbm.at[pl.ds(r0, RPS)], acc.at[pl.ds(r0, RPS)])
    plsc.subcore_barrier()

    def _start_idx(ci, s):
        eb = base + ci * K
        pltpu.make_async_copy(src_hbm.at[pl.ds(eb, K)], sidx[s],
                              semi[s]).start()
        pltpu.make_async_copy(dst_hbm.at[pl.ds(eb, K)], didx[s],
                              semi[s]).start()

    def _wait_idx(s):
        pltpu.make_async_copy(src_hbm.at[pl.ds(0, K)], sidx[s],
                              semi[s]).wait()
        pltpu.make_async_copy(dst_hbm.at[pl.ds(0, K)], didx[s],
                              semi[s]).wait()

    def _start_gathers(ci, s):
        eb = base + ci * K
        pltpu.make_async_copy(ab_hbm.at[sidx[s]], abv[s], semg[s]).start()
        pltpu.make_async_copy(c_hbm.at[didx[s]], cv[s], semg[s]).start()
        pltpu.make_async_copy(ex_hbm.at[pl.ds(eb, K)], exv[s],
                              semg[s]).start()

    def _wait_gathers(s):
        pltpu.make_async_copy(ab_hbm.at[sidx[s]], abv[s], semg[s]).wait()
        pltpu.make_async_copy(c_hbm.at[didx[s]], cv[s], semg[s]).wait()
        pltpu.make_async_copy(ex_hbm.at[pl.ds(0, K)], exv[s],
                              semg[s]).wait()

    def _step(ci, s):
        nxt = 1 - s

        @pl.when(ci + 1 < NCH)
        def _():
            _wait_idx(nxt)
            _start_gathers(ci + 1, nxt)

        _wait_gathers(s)

        @plsc.parallel_loop(0, K, 1, unroll=2)
        def _edge_body(e):
            for j in range(D // 16):
                sl = pl.ds(j * 16, 16)
                a = abv[s][e, sl]
                b = abv[s][e, pl.ds(D + j * 16, 16)]
                t = jnp.exp(-(b + cv[s][e, sl] + exv[s][e, sl]))
                cv[s][e, sl] = a / (1.0 + t)

        pltpu.sync_copy(cv[s], acc.at[didx[s]], add=True)

        @pl.when(ci + 2 < NCH)
        def _():
            _start_idx(ci + 2, s)

    _start_idx(0, 0)
    _start_idx(1, 1)
    _wait_idx(0)
    _start_gathers(0, 0)

    def outer(i, carry):
        _step(2 * i, 0)
        _step(2 * i + 1, 1)
        return carry

    lax.fori_loop(0, NCH // 2, outer, 0)

    plsc.subcore_barrier()
    pltpu.sync_copy(acc.at[pl.ds(r0, RPS)], out_hbm.at[cid, pl.ds(r0, RPS)])


def _sc_edge(ab, c_tab, exm, src, dst, zero):
    mesh = plsc.VectorSubcoreMesh(core_axis_name="c", subcore_axis_name="s")
    f = functools.partial(
        pl.kernel,
        mesh=mesh,
        out_type=jax.ShapeDtypeStruct((NC, NP, D), jnp.float32),
        scratch_types=(
            [pltpu.VMEM((K,), jnp.int32)] * 4
            + [
                pltpu.VMEM((K, 2 * D), jnp.float32),
                pltpu.VMEM((K, 2 * D), jnp.float32),
                pltpu.VMEM((K, D), jnp.float32),
                pltpu.VMEM((K, D), jnp.float32),
                pltpu.VMEM((K, D), jnp.float32),
                pltpu.VMEM((K, D), jnp.float32),
                pltpu.VMEM_SHARED((NP, D), jnp.float32),
            ]
            + [pltpu.SemaphoreType.DMA] * 4
        ),
    )(_sc_edge_body)
    return f(ab, c_tab, exm, src, dst, zero)


def _final_body(p_ref, d_ref, x_ref, g_ref, b_ref, out_ref):
    agg = p_ref[0, :N] + p_ref[1, :N]
    gated = jax.nn.sigmoid(d_ref[...])
    h = agg * gated + x_ref[...]
    mean = jnp.mean(h, axis=0, keepdims=True)
    var = jnp.mean((h - mean) * (h - mean), axis=0, keepdims=True)
    hn = (h - mean) * jax.lax.rsqrt(var + 1e-5) * g_ref[...] + b_ref[...]
    out_ref[...] = jnp.maximum(hn, 0.0)


def _final(partial, Dx, x, gamma, beta):
    return pl.pallas_call(
        _final_body,
        out_shape=jax.ShapeDtypeStruct((N, D), jnp.float32),
    )(partial, Dx, x, gamma.reshape(1, D), beta.reshape(1, D))


@jax.jit
def kernel(x, edge_index, edge_attr, A_w, A_b, B_w, B_b, C_w, C_b,
           D_w, D_b, E_w, E_b, gamma, beta):
    Wab = jnp.concatenate([A_w.T, B_w.T], axis=1)
    bab = jnp.concatenate([A_b, B_b]).reshape(1, 2 * D)
    ab, c_tab, d_tab = _node_tables(x, Wab, bab, C_w.T, C_b.reshape(1, D),
                                    D_w.T, D_b.reshape(1, D))
    exm = _edge_proj(edge_attr, E_w.T, E_b.reshape(1, D))
    src = edge_index[0].astype(jnp.int32)
    dst = edge_index[1].astype(jnp.int32)
    zero = jnp.zeros((NP, D), jnp.float32)
    partial = _sc_edge(ab, c_tab, exm, src, dst, zero)
    return _final(partial, d_tab, x, gamma, beta)

# --- scband reference (transcript-rebuilt; emitter-appended) ---
"""Pipeline reference for scband-gated-gcnconv-31404800868644 (READ-ONLY COPY).

The authoritative reference and input builder live on the scoring server;
editing this copy changes nothing except your own understanding.
"""

import jax, jax.numpy as jnp
import numpy as np

N = 10000
E = 320000
D_IN = 128
D_OUT = 128
D_EDGE = 16

def setup_inputs(seed: int = 0) -> dict:
    key = jax.random.key(seed)
    ks = jax.random.split(key, 20)
    x = jax.random.normal(ks[0], (N, D_IN), dtype=jnp.float32)
    edge_index = jax.random.randint(ks[1], (2, E), 0, N, dtype=jnp.int64)
    edge_attr = jax.random.normal(ks[2], (E, D_EDGE), dtype=jnp.float32)
    s = 1.0 / np.sqrt(D_IN)
    se = 1.0 / np.sqrt(D_EDGE)
    A_w = jax.random.uniform(ks[3], (D_OUT, D_IN), minval=-s, maxval=s, dtype=jnp.float32)
    A_b = jax.random.uniform(ks[4], (D_OUT,), minval=-s, maxval=s, dtype=jnp.float32)
    B_w = jax.random.uniform(ks[5], (D_OUT, D_IN), minval=-s, maxval=s, dtype=jnp.float32)
    B_b = jax.random.uniform(ks[6], (D_OUT,), minval=-s, maxval=s, dtype=jnp.float32)
    C_w = jax.random.uniform(ks[7], (D_OUT, D_IN), minval=-s, maxval=s, dtype=jnp.float32)
    C_b = jax.random.uniform(ks[8], (D_OUT,), minval=-s, maxval=s, dtype=jnp.float32)
    D_w = jax.random.uniform(ks[9], (D_OUT, D_IN), minval=-s, maxval=s, dtype=jnp.float32)
    D_b = jax.random.uniform(ks[10], (D_OUT,), minval=-s, maxval=s, dtype=jnp.float32)
    E_w = jax.random.uniform(ks[11], (D_OUT, D_EDGE), minval=-se, maxval=se, dtype=jnp.float32)
    E_b = jax.random.uniform(ks[12], (D_OUT,), minval=-se, maxval=se, dtype=jnp.float32)
    gamma = jnp.ones((D_OUT,), dtype=jnp.float32)
    beta = jnp.zeros((D_OUT,), dtype=jnp.float32)
    return {"x": x, "edge_index": edge_index, "edge_attr": edge_attr,
            "A_w": A_w, "A_b": A_b, "B_w": B_w, "B_b": B_b,
            "C_w": C_w, "C_b": C_b, "D_w": D_w, "D_b": D_b,
            "E_w": E_w, "E_b": E_b, "gamma": gamma, "beta": beta}

def reference(x, edge_index, edge_attr, A_w, A_b, B_w, B_b, C_w, C_b, D_w, D_b, E_w, E_b, gamma, beta):
    src = edge_index[0]
    dst = edge_index[1]
    Ax = x @ A_w.T + A_b
    Bx = x @ B_w.T + B_b
    Cx = x @ C_w.T + C_b
    Dx = x @ D_w.T + D_b
    Ex = edge_attr @ E_w.T + E_b
    e_ij = Bx[src] + Cx[dst] + Ex
    sigma_ij = jax.nn.sigmoid(e_ij)
    msg = Ax[src] * sigma_ij
    out = jnp.zeros_like(x).at[dst].add(msg)
    gated = jax.nn.sigmoid(Dx)
    h = out * gated + x
    # BatchNorm1d, training-mode batch statistics (biased variance)
    mean = jnp.mean(h, axis=0)
    var = jnp.var(h, axis=0)
    hn = (h - mean) / jnp.sqrt(var + 1e-5) * gamma + beta
    # dropout treated as identity (eval/deterministic)
    return jax.nn.relu(hn)

if __name__ == "__main__":
    import jax
    _d = setup_inputs()
    print(jax.jit(kernel)(*tuple(_d.values())))

</pallas_src>

<mosaic_0001>
#map = affine_map<(d0, d1) -> (0, 0)>
#map1 = affine_map<(d0, d1) -> (0)>
#map2 = affine_map<(d0, d1) -> (0, 0, 0)>
module attributes {stable_mosaic.version = 14 : i64} {
  func.func @_sc_edge_body(%arg0: i32, %arg1: i32, %arg2: memref<10000x256xf32, #tpu.memory_space<hbm>>, %arg3: memref<10000x128xf32, #tpu.memory_space<hbm>>, %arg4: memref<320000x128xf32, #tpu.memory_space<hbm>>, %arg5: memref<320000xi32, #tpu.memory_space<hbm>>, %arg6: memref<320000xi32, #tpu.memory_space<hbm>>, %arg7: memref<10240x128xf32, #tpu.memory_space<hbm>>, %arg8: memref<2x10240x128xf32, #tpu.memory_space<hbm>>, %arg9: memref<40xi32, #tpu.memory_space<vmem>>, %arg10: memref<40xi32, #tpu.memory_space<vmem>>, %arg11: memref<40xi32, #tpu.memory_space<vmem>>, %arg12: memref<40xi32, #tpu.memory_space<vmem>>, %arg13: memref<40x256xf32, #tpu.memory_space<vmem>>, %arg14: memref<40x256xf32, #tpu.memory_space<vmem>>, %arg15: memref<40x128xf32, #tpu.memory_space<vmem>>, %arg16: memref<40x128xf32, #tpu.memory_space<vmem>>, %arg17: memref<40x128xf32, #tpu.memory_space<vmem>>, %arg18: memref<40x128xf32, #tpu.memory_space<vmem>>, %arg19: memref<10240x128xf32, #tpu.memory_space<vmem_shared>>, %arg20: memref<!tpu.dma_semaphore, #tpu.memory_space<semaphore_mem>>, %arg21: memref<!tpu.dma_semaphore, #tpu.memory_space<semaphore_mem>>, %arg22: memref<!tpu.dma_semaphore, #tpu.memory_space<semaphore_mem>>, %arg23: memref<!tpu.dma_semaphore, #tpu.memory_space<semaphore_mem>>) attributes {dimension_semantics = [#tpu.dimension_semantics<core_parallel>, #tpu.dimension_semantics<subcore_parallel>], iteration_bounds = array<i64: 2, 16>, scalar_prefetch = 0 : i64, scratch_operands = 15 : i64, tpu.core_type = #tpu.core_type<sc_vector_subcore>, window_params = [{transform_indices = #map}, {transform_indices = #map}, {transform_indices = #map}, {transform_indices = #map1}, {transform_indices = #map1}, {transform_indices = #map}, {transform_indices = #map2}]} {
    %mul3A = arith.constant 16 : i32
    %mul3A_0 = arith.muli %arg0, %mul3A : i32
    %add3A = arith.addi %mul3A_0, %arg1 : i32
    %mul3A_1 = arith.constant 10000 : i32
    %mul3A_2 = arith.muli %add3A, %mul3A_1 : i32
    %mul3A_3 = arith.constant 640 : i32
    %mul3A_4 = arith.muli %arg1, %mul3A_3 : i32
    "tpu.region"() ({
      %run_scoped3A = tpu.sem_alloc : memref<!tpu.dma_semaphore, #tpu.memory_space<semaphore_mem>>
      %dma_start3A_41 = arith.constant 0 : i32
      %dma_start3A_42 = tpu.memref_slice %arg19[%mul3A_4, %dma_start3A_41] : memref<10240x128xf32, #tpu.memory_space<vmem_shared>> -> memref<640x128xf32, #tpu.memory_space<vmem_shared>>
      %dma_start3A_43 = arith.constant 0 : i32
      %dma_start3A_44 = tpu.memref_slice %arg7[%mul3A_4, %dma_start3A_43] : memref<10240x128xf32, #tpu.memory_space<hbm>> -> memref<640x128xf32, #tpu.memory_space<hbm>>
      tpu.enqueue_dma source(%dma_start3A_44 : memref<640x128xf32, #tpu.memory_space<hbm>>) target(%dma_start3A_42 : memref<640x128xf32, #tpu.memory_space<vmem_shared>>) target_semaphore(%run_scoped3A : memref<!tpu.dma_semaphore, #tpu.memory_space<semaphore_mem>>)
      %dma_wait3A_45 = arith.constant 0 : i32
      %dma_wait3A_46 = tpu.memref_slice %arg19[%mul3A_4, %dma_wait3A_45] : memref<10240x128xf32, #tpu.memory_space<vmem_shared>> -> memref<640x128xf32, #tpu.memory_space<vmem_shared>>
      %dma_wait3A_47 = arith.constant 0 : i32
      %dma_wait3A_48 = tpu.memref_slice %arg7[%mul3A_4, %dma_wait3A_47] : memref<10240x128xf32, #tpu.memory_space<hbm>> -> memref<640x128xf32, #tpu.memory_space<hbm>>
      tpu.wait_dma2 semaphore(%run_scoped3A : memref<!tpu.dma_semaphore, #tpu.memory_space<semaphore_mem>>) src(%dma_wait3A_48 : memref<640x128xf32, #tpu.memory_space<hbm>>) dst(%dma_wait3A_46 : memref<640x128xf32, #tpu.memory_space<vmem_shared>>)
      tpu.yield
    }) : () -> ()
    %barrier3A = arith.constant 0 : index
    tpu.barrier barrier_id(%barrier3A)
    %add3A_5 = arith.constant 0 : i32
    %add3A_6 = arith.addi %mul3A_2, %add3A_5 : i32
    %dma_start3A = tpu.memref_slice %arg5[%add3A_6] : memref<320000xi32, #tpu.memory_space<hbm>> -> memref<40xi32, #tpu.memory_space<hbm>>
    %dma_start3A_7 = tpu.memref_slice %arg5[%add3A_6] : memref<320000xi32, #tpu.memory_space<hbm>> -> memref<40xi32, #tpu.memory_space<hbm>>
    tpu.enqueue_dma source(%dma_start3A_7 : memref<40xi32, #tpu.memory_space<hbm>>) target(%arg9 : memref<40xi32, #tpu.memory_space<vmem>>) target_semaphore(%arg20 : memref<!tpu.dma_semaphore, #tpu.memory_space<semaphore_mem>>)
    %dma_start3A_8 = tpu.memref_slice %arg6[%add3A_6] : memref<320000xi32, #tpu.memory_space<hbm>> -> memref<40xi32, #tpu.memory_space<hbm>>
    %dma_start3A_9 = tpu.memref_slice %arg6[%add3A_6] : memref<320000xi32, #tpu.memory_space<hbm>> -> memref<40xi32, #tpu.memory_space<hbm>>
    tpu.enqueue_dma source(%dma_start3A_9 : memref<40xi32, #tpu.memory_space<hbm>>) target(%arg11 : memref<40xi32, #tpu.memory_space<vmem>>) target_semaphore(%arg20 : memref<!tpu.dma_semaphore, #tpu.memory_space<semaphore_mem>>)
    %add3A_10 = arith.constant 40 : i32
    %add3A_11 = arith.addi %mul3A_2, %add3A_10 : i32
    %dma_start3A_12 = tpu.memref_slice %arg5[%add3A_11] : memref<320000xi32, #tpu.memory_space<hbm>> -> memref<40xi32, #tpu.memory_space<hbm>>
    %dma_start3A_13 = tpu.memref_slice %arg5[%add3A_11] : memref<320000xi32, #tpu.memory_space<hbm>> -> memref<40xi32, #tpu.memory_space<hbm>>
    tpu.enqueue_dma source(%dma_start3A_13 : memref<40xi32, #tpu.memory_space<hbm>>) target(%arg10 : memref<40xi32, #tpu.memory_space<vmem>>) target_semaphore(%arg21 : memref<!tpu.dma_semaphore, #tpu.memory_space<semaphore_mem>>)
    %dma_start3A_14 = tpu.memref_slice %arg6[%add3A_11] : memref<320000xi32, #tpu.memory_space<hbm>> -> memref<40xi32, #tpu.memory_space<hbm>>
    %dma_start3A_15 = tpu.memref_slice %arg6[%add3A_11] : memref<320000xi32, #tpu.memory_space<hbm>> -> memref<40xi32, #tpu.memory_space<hbm>>
    tpu.enqueue_dma source(%dma_start3A_15 : memref<40xi32, #tpu.memory_space<hbm>>) target(%arg12 : memref<40xi32, #tpu.memory_space<vmem>>) target_semaphore(%arg21 : memref<!tpu.dma_semaphore, #tpu.memory_space<semaphore_mem>>)
    %dma_wait3A = arith.constant 0 : i32
    %dma_wait3A_16 = tpu.memref_slice %arg5[%dma_wait3A] : memref<320000xi32, #tpu.memory_space<hbm>> -> memref<40xi32, #tpu.memory_space<hbm>>
    %dma_wait3A_17 = arith.constant 0 : i32
    %dma_wait3A_18 = tpu.memref_slice %arg5[%dma_wait3A_17] : memref<320000xi32, #tpu.memory_space<hbm>> -> memref<40xi32, #tpu.memory_space<hbm>>
    tpu.wait_dma2 semaphore(%arg20 : memref<!tpu.dma_semaphore, #tpu.memory_space<semaphore_mem>>) src(%dma_wait3A_18 : memref<40xi32, #tpu.memory_space<hbm>>) dst(%arg9 : memref<40xi32, #tpu.memory_space<vmem>>)
    %dma_wait3A_19 = arith.constant 0 : i32
    %dma_wait3A_20 = tpu.memref_slice %arg6[%dma_wait3A_19] : memref<320000xi32, #tpu.memory_space<hbm>> -> memref<40xi32, #tpu.memory_space<hbm>>
    %dma_wait3A_21 = arith.constant 0 : i32
    %dma_wait3A_22 = tpu.memref_slice %arg6[%dma_wait3A_21] : memref<320000xi32, #tpu.memory_space<hbm>> -> memref<40xi32, #tpu.memory_space<hbm>>
    tpu.wait_dma2 semaphore(%arg20 : memref<!tpu.dma_semaphore, #tpu.memory_space<semaphore_mem>>) src(%dma_wait3A_22 : memref<40xi32, #tpu.memory_space<hbm>>) dst(%arg11 : memref<40xi32, #tpu.memory_space<vmem>>)
    %add3A_23 = arith.constant 0 : i32
    %add3A_24 = arith.addi %mul3A_2, %add3A_23 : i32
    %dma_start3A_25 = arith.constant 0 : i32
    %dma_start3A_26 = arith.constant 0 : i32
    %dma_start3A_27 = tpu.memref_slice %arg2[%dma_start3A_25, %dma_start3A_26] : memref<10000x256xf32, #tpu.memory_space<hbm>> -> memref<10000x256xf32, #tpu.memory_space<hbm>>
    tpu.enqueue_indirect_dma source(%dma_start3A_27 : memref<10000x256xf32, #tpu.memory_space<hbm>>) target(%arg13 : memref<40x256xf32, #tpu.memory_space<vmem>>) offsets(%arg9 : memref<40xi32, #tpu.memory_space<vmem>>) semaphore(%arg22 : memref<!tpu.dma_semaphore, #tpu.memory_space<semaphore_mem>>)
    %dma_start3A_28 = arith.constant 0 : i32
    %dma_start3A_29 = arith.constant 0 : i32
    %dma_start3A_30 = tpu.memref_slice %arg3[%dma_start3A_28, %dma_start3A_29] : memref<10000x128xf32, #tpu.memory_space<hbm>> -> memref<10000x128xf32, #tpu.memory_space<hbm>>
    tpu.enqueue_indirect_dma source(%dma_start3A_30 : memref<10000x128xf32, #tpu.memory_space<hbm>>) target(%arg15 : memref<40x128xf32, #tpu.memory_space<vmem>>) offsets(%arg11 : memref<40xi32, #tpu.memory_space<vmem>>) semaphore(%arg22 : memref<!tpu.dma_semaphore, #tpu.memory_space<semaphore_mem>>)
    %dma_start3A_31 = arith.constant 0 : i32
    %dma_start3A_32 = tpu.memref_slice %arg4[%add3A_24, %dma_start3A_31] : memref<320000x128xf32, #tpu.memory_space<hbm>> -> memref<40x128xf32, #tpu.memory_space<hbm>>
    %dma_start3A_33 = arith.constant 0 : i32
    %dma_start3A_34 = tpu.memref_slice %arg4[%add3A_24, %dma_start3A_33] : memref<320000x128xf32, #tpu.memory_space<hbm>> -> memref<40x128xf32, #tpu.memory_space<hbm>>
    tpu.enqueue_dma source(%dma_start3A_34 : memref<40x128xf32, #tpu.memory_space<hbm>>) target(%arg17 : memref<40x128xf32, #tpu.memory_space<vmem>>) target_semaphore(%arg22 : memref<!tpu.dma_semaphore, #tpu.memory_space<semaphore_mem>>)
    %scan3A = arith.constant 0 : i32
    %scan3A_35 = arith.constant 0 : i32
    %scan3A_36 = arith.constant 125 : i32
    %scan3A_37 = arith.addi %scan3A_35, %scan3A_36 : i32
    %scan3A_38 = arith.constant 1 : i32
    scf.for %scan3A_41 = %scan3A_35 to %scan3A_37 step %scan3A_38  : i32 {
      %mul3A_42 = arith.constant 2 : i32
      %mul3A_43 = arith.muli %mul3A_42, %scan3A_41 : i32
      %add3A_44 = arith.constant 1 : i32
      %add3A_45 = arith.addi %mul3A_43, %add3A_44 : i32
      %lt3A = arith.constant 250 : i32
      %lt3A_46 = arith.cmpi slt, %add3A_45, %lt3A : i32
      %convert_element_type3A = arith.extui %lt3A_46 : i1 to i32
      %cond3A = arith.constant 0 : i32
      %cond3A_47 = arith.cmpi ne, %convert_element_type3A, %cond3A : i32
      scf.if %cond3A_47 {
        %dma_wait3A_102 = arith.constant 0 : i32
        %dma_wait3A_103 = tpu.memref_slice %arg5[%dma_wait3A_102] : memref<320000xi32, #tpu.memory_space<hbm>> -> memref<40xi32, #tpu.memory_space<hbm>>
        %dma_wait3A_104 = arith.constant 0 : i32
        %dma_wait3A_105 = tpu.memref_slice %arg5[%dma_wait3A_104] : memref<320000xi32, #tpu.memory_space<hbm>> -> memref<40xi32, #tpu.memory_space<hbm>>
        tpu.wait_dma2 semaphore(%arg21 : memref<!tpu.dma_semaphore, #tpu.memory_space<semaphore_mem>>) src(%dma_wait3A_105 : memref<40xi32, #tpu.memory_space<hbm>>) dst(%arg10 : memref<40xi32, #tpu.memory_space<vmem>>)
        %dma_wait3A_106 = arith.constant 0 : i32
        %dma_wait3A_107 = tpu.memref_slice %arg6[%dma_wait3A_106] : memref<320000xi32, #tpu.memory_space<hbm>> -> memref<40xi32, #tpu.memory_space<hbm>>
        %dma_wait3A_108 = arith.constant 0 : i32
        %dma_wait3A_109 = tpu.memref_slice %arg6[%dma_wait3A_108] : memref<320000xi32, #tpu.memory_space<hbm>> -> memref<40xi32, #tpu.memory_space<hbm>>
        tpu.wait_dma2 semaphore(%arg21 : memref<!tpu.dma_semaphore, #tpu.memory_space<semaphore_mem>>) src(%dma_wait3A_109 : memref<40xi32, #tpu.memory_space<hbm>>) dst(%arg12 : memref<40xi32, #tpu.memory_space<vmem>>)
        %add3A_110 = arith.constant 1 : i32
        %add3A_111 = arith.addi %mul3A_43, %add3A_110 : i32
        %mul3A_112 = arith.constant 40 : i32
        %mul3A_113 = arith.muli %add3A_111, %mul3A_112 : i32
        %add3A_114 = arith.addi %mul3A_2, %mul3A_113 : i32
        %dma_start3A_115 = arith.constant 0 : i32
        %dma_start3A_116 = arith.constant 0 : i32
        %dma_start3A_117 = tpu.memref_slice %arg2[%dma_start3A_115, %dma_start3A_116] : memref<10000x256xf32, #tpu.memory_space<hbm>> -> memref<10000x256xf32, #tpu.memory_space<hbm>>
        tpu.enqueue_indirect_dma source(%dma_start3A_117 : memref<10000x256xf32, #tpu.memory_space<hbm>>) target(%arg14 : memref<40x256xf32, #tpu.memory_space<vmem>>) offsets(%arg10 : memref<40xi32, #tpu.memory_space<vmem>>) semaphore(%arg23 : memref<!tpu.dma_semaphore, #tpu.memory_space<semaphore_mem>>)
        %dma_start3A_118 = arith.constant 0 : i32
        %dma_start3A_119 = arith.constant 0 : i32
        %dma_start3A_120 = tpu.memref_slice %arg3[%dma_start3A_118, %dma_start3A_119] : memref<10000x128xf32, #tpu.memory_space<hbm>> -> memref<10000x128xf32, #tpu.memory_space<hbm>>
        tpu.enqueue_indirect_dma source(%dma_start3A_120 : memref<10000x128xf32, #tpu.memory_space<hbm>>) target(%arg16 : memref<40x128xf32, #tpu.memory_space<vmem>>) offsets(%arg12 : memref<40xi32, #tpu.memory_space<vmem>>) semaphore(%arg23 : memref<!tpu.dma_semaphore, #tpu.memory_space<semaphore_mem>>)
        %dma_start3A_121 = arith.constant 0 : i32
        %dma_start3A_122 = tpu.memref_slice %arg4[%add3A_114, %dma_start3A_121] : memref<320000x128xf32, #tpu.memory_space<hbm>> -> memref<40x128xf32, #tpu.memory_space<hbm>>
        %dma_start3A_123 = arith.constant 0 : i32
        %dma_start3A_124 = tpu.memref_slice %arg4[%add3A_114, %dma_start3A_123] : memref<320000x128xf32, #tpu.memory_space<hbm>> -> memref<40x128xf32, #tpu.memory_space<hbm>>
        tpu.enqueue_dma source(%dma_start3A_124 : memref<40x128xf32, #tpu.memory_space<hbm>>) target(%arg18 : memref<40x128xf32, #tpu.memory_space<vmem>>) target_semaphore(%arg23 : memref<!tpu.dma_semaphore, #tpu.memory_space<semaphore_mem>>)
      } else {
      }
      %dma_wait3A_48 = arith.constant 0 : i32
      %dma_wait3A_49 = arith.constant 0 : i32
      %dma_wait3A_50 = tpu.memref_slice %arg2[%dma_wait3A_48, %dma_wait3A_49] : memref<10000x256xf32, #tpu.memory_space<hbm>> -> memref<10000x256xf32, #tpu.memory_space<hbm>>
      tpu.wait_indirect_dma semaphore(%arg22 : memref<!tpu.dma_semaphore, #tpu.memory_space<semaphore_mem>>) src(%dma_wait3A_50 : memref<10000x256xf32, #tpu.memory_space<hbm>>) dst(%arg13 : memref<40x256xf32, #tpu.memory_space<vmem>>)
      %dma_wait3A_51 = arith.constant 0 : i32
      %dma_wait3A_52 = arith.constant 0 : i32
      %dma_wait3A_53 = tpu.memref_slice %arg3[%dma_wait3A_51, %dma_wait3A_52] : memref<10000x128xf32, #tpu.memory_space<hbm>> -> memref<10000x128xf32, #tpu.memory_space<hbm>>
      tpu.wait_indirect_dma semaphore(%arg22 : memref<!tpu.dma_semaphore, #tpu.memory_space<semaphore_mem>>) src(%dma_wait3A_53 : memref<10000x128xf32, #tpu.memory_space<hbm>>) dst(%arg15 : memref<40x128xf32, #tpu.memory_space<vmem>>)
      %dma_wait3A_54 = arith.constant 0 : i32
      %dma_wait3A_55 = arith.constant 0 : i32
      %dma_wait3A_56 = tpu.memref_slice %arg4[%dma_wait3A_54, %dma_wait3A_55] : memref<320000x128xf32, #tpu.memory_space<hbm>> -> memref<40x128xf32, #tpu.memory_space<hbm>>
      %dma_wait3A_57 = arith.constant 0 : i32
      %dma_wait3A_58 = arith.constant 0 : i32
      %dma_wait3A_59 = tpu.memref_slice %arg4[%dma_wait3A_57, %dma_wait3A_58] : memref<320000x128xf32, #tpu.memory_space<hbm>> -> memref<40x128xf32, #tpu.memory_space<hbm>>
      tpu.wait_dma2 semaphore(%arg22 : memref<!tpu.dma_semaphore, #tpu.memory_space<semaphore_mem>>) src(%dma_wait3A_59 : memref<40x128xf32, #tpu.memory_space<hbm>>) dst(%arg17 : memref<40x128xf32, #tpu.memory_space<vmem>>)
      %parallel_loop3A = arith.constant 0 : i32
      %parallel_loop3A_60 = arith.constant 40 : i32
      %parallel_loop3A_61 = arith.constant 1 : i32
      scf.for %parallel_loop3A_102 = %parallel_loop3A to %parallel_loop3A_60 step %parallel_loop3A_61  : i32 {
        %parallel_loop3A_103 = arith.index_cast %parallel_loop3A_102 : i32 to index
        %parallel_loop3A_104 = arith.constant 0 : index
        %parallel_loop3A_105 = tpu.vector_load %arg13[%parallel_loop3A_103, %parallel_loop3A_104] {strides = array<i32>} : memref<40x256xf32, #tpu.memory_space<vmem>>, vector<1x16xf32>,
        %parallel_loop3A_106 = vector.shape_cast %parallel_loop3A_105 : vector<1x16xf32> to vector<16xf32>
        %parallel_loop3A_107 = arith.index_cast %parallel_loop3A_102 : i32 to index
        %parallel_loop3A_108 = arith.constant 128 : index
        %parallel_loop3A_109 = tpu.vector_load %arg13[%parallel_loop3A_107, %parallel_loop3A_108] {strides = array<i32>} : memref<40x256xf32, #tpu.memory_space<vmem>>, vector<1x16xf32>,
        %parallel_loop3A_110 = vector.shape_cast %parallel_loop3A_109 : vector<1x16xf32> to vector<16xf32>
        %parallel_loop3A_111 = arith.index_cast %parallel_loop3A_102 : i32 to index
        %parallel_loop3A_112 = arith.constant 0 : index
        %parallel_loop3A_113 = tpu.vector_load %arg15[%parallel_loop3A_111, %parallel_loop3A_112] {strides = array<i32>} : memref<40x128xf32, #tpu.memory_space<vmem>>, vector<1x16xf32>,
        %parallel_loop3A_114 = vector.shape_cast %parallel_loop3A_113 : vector<1x16xf32> to vector<16xf32>
        %parallel_loop3A_115 = arith.addf %parallel_loop3A_110, %parallel_loop3A_114 : vector<16xf32>
        %parallel_loop3A_116 = arith.index_cast %parallel_loop3A_102 : i32 to index
        %parallel_loop3A_117 = arith.constant 0 : index
        %parallel_loop3A_118 = tpu.vector_load %arg17[%parallel_loop3A_116, %parallel_loop3A_117] {strides = array<i32>} : memref<40x128xf32, #tpu.memory_space<vmem>>, vector<1x16xf32>,
        %parallel_loop3A_119 = vector.shape_cast %parallel_loop3A_118 : vector<1x16xf32> to vector<16xf32>
        %parallel_loop3A_120 = arith.addf %parallel_loop3A_115, %parallel_loop3A_119 : vector<16xf32>
        %parallel_loop3A_121 = arith.constant 0.000000e+00 : f32
        %parallel_loop3A_122 = vector.broadcast %parallel_loop3A_121 : f32 to vector<16xf32>
        %parallel_loop3A_123 = arith.subf %parallel_loop3A_122, %parallel_loop3A_120 : vector<16xf32>
        %parallel_loop3A_124 = math.exp %parallel_loop3A_123 : vector<16xf32>
        %parallel_loop3A_125 = arith.constant 1.000000e+00 : f32
        %parallel_loop3A_126 = vector.broadcast %parallel_loop3A_125 : f32 to vector<16xf32>
        %parallel_loop3A_127 = arith.addf %parallel_loop3A_126, %parallel_loop3A_124 : vector<16xf32>
        %parallel_loop3A_128 = arith.divf %parallel_loop3A_106, %parallel_loop3A_127 : vector<16xf32>
        %parallel_loop3A_129 = arith.index_cast %parallel_loop3A_102 : i32 to index
        %parallel_loop3A_130 = arith.constant 0 : index
        %parallel_loop3A_131 = tpu.vector_load %arg15[%parallel_loop3A_129, %parallel_loop3A_130] {strides = array<i32>} : memref<40x128xf32, #tpu.memory_space<vmem>>, vector<1x16xf32>,
        %parallel_loop3A_132 = vector.shape_cast %parallel_loop3A_131 : vector<1x16xf32> to vector<16xf32>
        %parallel_loop3A_133 = vector.shape_cast %parallel_loop3A_128 : vector<16xf32> to vector<1x16xf32>
        tpu.vector_store %arg15[%parallel_loop3A_129, %parallel_loop3A_130], %parallel_loop3A_133 {strides = array<i32>} : memref<40x128xf32, #tpu.memory_space<vmem>>, vector<1x16xf32>,
        %parallel_loop3A_134 = arith.index_cast %parallel_loop3A_102 : i32 to index
        %parallel_loop3A_135 = arith.constant 16 : index
        %parallel_loop3A_136 = tpu.vector_load %arg13[%parallel_loop3A_134, %parallel_loop3A_135] {strides = array<i32>} : memref<40x256xf32, #tpu.memory_space<vmem>>, vector<1x16xf32>,
        %parallel_loop3A_137 = vector.shape_cast %parallel_loop3A_136 : vector<1x16xf32> to vector<16xf32>
        %parallel_loop3A_138 = arith.index_cast %parallel_loop3A_102 : i32 to index
        %parallel_loop3A_139 = arith.constant 144 : index
        %parallel_loop3A_140 = tpu.vector_load %arg13[%parallel_loop3A_138, %parallel_loop3A_139] {strides = array<i32>} : memref<40x256xf32, #tpu.memory_space<vmem>>, vector<1x16xf32>,
        %parallel_loop3A_141 = vector.shape_cast %parallel_loop3A_140 : vector<1x16xf32> to vector<16xf32>
        %parallel_loop3A_142 = arith.index_cast %parallel_loop3A_102 : i32 to index
        %parallel_loop3A_143 = arith.constant 16 : index
        %parallel_loop3A_144 = tpu.vector_load %arg15[%parallel_loop3A_142, %parallel_loop3A_143] {strides = array<i32>} : memref<40x128xf32, #tpu.memory_space<vmem>>, vector<1x16xf32>,
        %parallel_loop3A_145 = vector.shape_cast %parallel_loop3A_144 : vector<1x16xf32> to vector<16xf32>
        %parallel_loop3A_146 = arith.addf %parallel_loop3A_141, %parallel_loop3A_145 : vector<16xf32>
        %parallel_loop3A_147 = arith.index_cast %parallel_loop3A_102 : i32 to index
        %parallel_loop3A_148 = arith.constant 16 : index
        %parallel_loop3A_149 = tpu.vector_load %arg17[%parallel_loop3A_147, %parallel_loop3A_148] {strides = array<i32>} : memref<40x128xf32, #tpu.memory_space<vmem>>, vector<1x16xf32>,
        %parallel_loop3A_150 = vector.shape_cast %parallel_loop3A_149 : vector<1x16xf32> to vector<16xf32>
        %parallel_loop3A_151 = arith.addf %parallel_loop3A_146, %parallel_loop3A_150 : vector<16xf32>
        %parallel_loop3A_152 = arith.constant 0.000000e+00 : f32
        %parallel_loop3A_153 = vector.broadcast %parallel_loop3A_152 : f32 to vector<16xf32>
        %parallel_loop3A_154 = arith.subf %parallel_loop3A_153, %parallel_loop3A_151 : vector<16xf32>
        %parallel_loop3A_155 = math.exp %parallel_loop3A_154 : vector<16xf32>
        %parallel_loop3A_156 = arith.constant 1.000000e+00 : f32
        %parallel_loop3A_157 = vector.broadcast %parallel_loop3A_156 : f32 to vector<16xf32>
        %parallel_loop3A_158 = arith.addf %parallel_loop3A_157, %parallel_loop3A_155 : vector<16xf32>
        %parallel_loop3A_159 = arith.divf %parallel_loop3A_137, %parallel_loop3A_158 : vector<16xf32>
        %parallel_loop3A_160 = arith.index_cast %parallel_loop3A_102 : i32 to index
        %parallel_loop3A_161 = arith.constant 16 : index
        %parallel_loop3A_162 = tpu.vector_load %arg15[%parallel_loop3A_160, %parallel_loop3A_161] {strides = array<i32>} : memref<40x128xf32, #tpu.memory_space<vmem>>, vector<1x16xf32>,
        %parallel_loop3A_163 = vector.shape_cast %parallel_loop3A_162 : vector<1x16xf32> to vector<16xf32>
        %parallel_loop3A_164 = vector.shape_cast %parallel_loop3A_159 : vector<16xf32> to vector<1x16xf32>
        tpu.vector_store %arg15[%parallel_loop3A_160, %parallel_loop3A_161], %parallel_loop3A_164 {strides = array<i32>} : memref<40x128xf32, #tpu.memory_space<vmem>>, vector<1x16xf32>,
        %parallel_loop3A_165 = arith.index_cast %parallel_loop3A_102 : i32 to index
        %parallel_loop3A_166 = arith.constant 32 : index
        %parallel_loop3A_167 = tpu.vector_load %arg13[%parallel_loop3A_165, %parallel_loop3A_166] {strides = array<i32>} : memref<40x256xf32, #tpu.memory_space<vmem>>, vector<1x16xf32>,
        %parallel_loop3A_168 = vector.shape_cast %parallel_loop3A_167 : vector<1x16xf32> to vector<16xf32>
        %parallel_loop3A_169 = arith.index_cast %parallel_loop3A_102 : i32 to index
        %parallel_loop3A_170 = arith.constant 160 : index
        %parallel_loop3A_171 = tpu.vector_load %arg13[%parallel_loop3A_169, %parallel_loop3A_170] {strides = array<i32>} : memref<40x256xf32, #tpu.memory_space<vmem>>, vector<1x16xf32>,
        %parallel_loop3A_172 = vector.shape_cast %parallel_loop3A_171 : vector<1x16xf32> to vector<16xf32>
        %parallel_loop3A_173 = arith.index_cast %parallel_loop3A_102 : i32 to index
        %parallel_loop3A_174 = arith.constant 32 : index
        %parallel_loop3A_175 = tpu.vector_load %arg15[%parallel_loop3A_173, %parallel_loop3A_174] {strides = array<i32>} : memref<40x128xf32, #tpu.memory_space<vmem>>, vector<1x16xf32>,
        %parallel_loop3A_176 = vector.shape_cast %parallel_loop3A_175 : vector<1x16xf32> to vector<16xf32>
        %parallel_loop3A_177 = arith.addf %parallel_loop3A_172, %parallel_loop3A_176 : vector<16xf32>
        %parallel_loop3A_178 = arith.index_cast %parallel_loop3A_102 : i32 to index
        %parallel_loop3A_179 = arith.constant 32 : index
        %parallel_loop3A_180 = tpu.vector_load %arg17[%parallel_loop3A_178, %parallel_loop3A_179] {strides = array<i32>} : memref<40x128xf32, #tpu.memory_space<vmem>>, vector<1x16xf32>,
        %parallel_loop3A_181 = vector.shape_cast %parallel_loop3A_180 : vector<1x16xf32> to vector<16xf32>
        %parallel_loop3A_182 = arith.addf %parallel_loop3A_177, %parallel_loop3A_181 : vector<16xf32>
        %parallel_loop3A_183 = arith.constant 0.000000e+00 : f32
        %parallel_loop3A_184 = vector.broadcast %parallel_loop3A_183 : f32 to vector<16xf32>
        %parallel_loop3A_185 = arith.subf %parallel_loop3A_184, %parallel_loop3A_182 : vector<16xf32>
        %parallel_loop3A_186 = math.exp %parallel_loop3A_185 : vector<16xf32>
        %parallel_loop3A_187 = arith.constant 1.000000e+00 : f32
        %parallel_loop3A_188 = vector.broadcast %parallel_loop3A_187 : f32 to vector<16xf32>
        %parallel_loop3A_189 = arith.addf %parallel_loop3A_188, %parallel_loop3A_186 : vector<16xf32>
        %parallel_loop3A_190 = arith.divf %parallel_loop3A_168, %parallel_loop3A_189 : vector<16xf32>
        %parallel_loop3A_191 = arith.index_cast %parallel_loop3A_102 : i32 to index
        %parallel_loop3A_192 = arith.constant 32 : index
        %parallel_loop3A_193 = tpu.vector_load %arg15[%parallel_loop3A_191, %parallel_loop3A_192] {strides = array<i32>} : memref<40x128xf32, #tpu.memory_space<vmem>>, vector<1x16xf32>,
        %parallel_loop3A_194 = vector.shape_cast %parallel_loop3A_193 : vector<1x16xf32> to vector<16xf32>
        %parallel_loop3A_195 = vector.shape_cast %parallel_loop3A_190 : vector<16xf32> to vector<1x16xf32>
        tpu.vector_store %arg15[%parallel_loop3A_191, %parallel_loop3A_192], %parallel_loop3A_195 {strides = array<i32>} : memref<40x128xf32, #tpu.memory_space<vmem>>, vector<1x16xf32>,
        %parallel_loop3A_196 = arith.index_cast %parallel_loop3A_102 : i32 to index
        %parallel_loop3A_197 = arith.constant 48 : index
        %parallel_loop3A_198 = tpu.vector_load %arg13[%parallel_loop3A_196, %parallel_loop3A_197] {strides = array<i32>} : memref<40x256xf32, #tpu.memory_space<vmem>>, vector<1x16xf32>,
        %parallel_loop3A_199 = vector.shape_cast %parallel_loop3A_198 : vector<1x16xf32> to vector<16xf32>
        %parallel_loop3A_200 = arith.index_cast %parallel_loop3A_102 : i32 to index
        %parallel_loop3A_201 = arith.constant 176 : index
        %parallel_loop3A_202 = tpu.vector_load %arg13[%parallel_loop3A_200, %parallel_loop3A_201] {strides = array<i32>} : memref<40x256xf32, #tpu.memory_space<vmem>>, vector<1x16xf32>,
        %parallel_loop3A_203 = vector.shape_cast %parallel_loop3A_202 : vector<1x16xf32> to vector<16xf32>
        %parallel_loop3A_204 = arith.index_cast %parallel_loop3A_102 : i32 to index
        %parallel_loop3A_205 = arith.constant 48 : index
        %parallel_loop3A_206 = tpu.vector_load %arg15[%parallel_loop3A_204, %parallel_loop3A_205] {strides = array<i32>} : memref<40x128xf32, #tpu.memory_space<vmem>>, vector<1x16xf32>,
        %parallel_loop3A_207 = vector.shape_cast %parallel_loop3A_206 : vector<1x16xf32> to vector<16xf32>
        %parallel_loop3A_208 = arith.addf %parallel_loop3A_203, %parallel_loop3A_207 : vector<16xf32>
        %parallel_loop3A_209 = arith.index_cast %parallel_loop3A_102 : i32 to index
        %parallel_loop3A_210 = arith.constant 48 : index
        %parallel_loop3A_211 = tpu.vector_load %arg17[%parallel_loop3A_209, %parallel_loop3A_210] {strides = array<i32>} : memref<40x128xf32, #tpu.memory_space<vmem>>, vector<1x16xf32>,
        %parallel_loop3A_212 = vector.shape_cast %parallel_loop3A_211 : vector<1x16xf32> to vector<16xf32>
        %parallel_loop3A_213 = arith.addf %parallel_loop3A_208, %parallel_loop3A_212 : vector<16xf32>
        %parallel_loop3A_214 = arith.constant 0.000000e+00 : f32
        %parallel_loop3A_215 = vector.broadcast %parallel_loop3A_214 : f32 to vector<16xf32>
        %parallel_loop3A_216 = arith.subf %parallel_loop3A_215, %parallel_loop3A_213 : vector<16xf32>
        %parallel_loop3A_217 = math.exp %parallel_loop3A_216 : vector<16xf32>
        %parallel_loop3A_218 = arith.constant 1.000000e+00 : f32
        %parallel_loop3A_219 = vector.broadcast %parallel_loop3A_218 : f32 to vector<16xf32>
        %parallel_loop3A_220 = arith.addf %parallel_loop3A_219, %parallel_loop3A_217 : vector<16xf32>
        %parallel_loop3A_221 = arith.divf %parallel_loop3A_199, %parallel_loop3A_220 : vector<16xf32>
        %parallel_loop3A_222 = arith.index_cast %parallel_loop3A_102 : i32 to index
        %parallel_loop3A_223 = arith.constant 48 : index
        %parallel_loop3A_224 = tpu.vector_load %arg15[%parallel_loop3A_222, %parallel_loop3A_223] {strides = array<i32>} : memref<40x128xf32, #tpu.memory_space<vmem>>, vector<1x16xf32>,
        %parallel_loop3A_225 = vector.shape_cast %parallel_loop3A_224 : vector<1x16xf32> to vector<16xf32>
        %parallel_loop3A_226 = vector.shape_cast %parallel_loop3A_221 : vector<16xf32> to vector<1x16xf32>
        tpu.vector_store %arg15[%parallel_loop3A_222, %parallel_loop3A_223], %parallel_loop3A_226 {strides = array<i32>} : memref<40x128xf32, #tpu.memory_space<vmem>>, vector<1x16xf32>,
        %parallel_loop3A_227 = arith.index_cast %parallel_loop3A_102 : i32 to index
        %parallel_loop3A_228 = arith.constant 64 : index
        %parallel_loop3A_229 = tpu.vector_load %arg13[%parallel_loop3A_227, %parallel_loop3A_228] {strides = array<i32>} : memref<40x256xf32, #tpu.memory_space<vmem>>, vector<1x16xf32>,
        %parallel_loop3A_230 = vector.shape_cast %parallel_loop3A_229 : vector<1x16xf32> to vector<16xf32>
        %parallel_loop3A_231 = arith.index_cast %parallel_loop3A_102 : i32 to index
        %parallel_loop3A_232 = arith.constant 192 : index
        %parallel_loop3A_233 = tpu.vector_load %arg13[%parallel_loop3A_231, %parallel_loop3A_232] {strides = array<i32>} : memref<40x256xf32, #tpu.memory_space<vmem>>, vector<1x16xf32>,
        %parallel_loop3A_234 = vector.shape_cast %parallel_loop3A_233 : vector<1x16xf32> to vector<16xf32>
        %parallel_loop3A_235 = arith.index_cast %parallel_loop3A_102 : i32 to index
        %parallel_loop3A_236 = arith.constant 64 : index
        %parallel_loop3A_237 = tpu.vector_load %arg15[%parallel_loop3A_235, %parallel_loop3A_236] {strides = array<i32>} : memref<40x128xf32, #tpu.memory_space<vmem>>, vector<1x16xf32>,
        %parallel_loop3A_238 = vector.shape_cast %parallel_loop3A_237 : vector<1x16xf32> to vector<16xf32>
        %parallel_loop3A_239 = arith.addf %parallel_loop3A_234, %parallel_loop3A_238 : vector<16xf32>
        %parallel_loop3A_240 = arith.index_cast %parallel_loop3A_102 : i32 to index
        %parallel_loop3A_241 = arith.constant 64 : index
        %parallel_loop3A_242 = tpu.vector_load %arg17[%parallel_loop3A_240, %parallel_loop3A_241] {strides = array<i32>} : memref<40x128xf32, #tpu.memory_space<vmem>>, vector<1x16xf32>,
        %parallel_loop3A_243 = vector.shape_cast %parallel_loop3A_242 : vector<1x16xf32> to vector<16xf32>
        %parallel_loop3A_244 = arith.addf %parallel_loop3A_239, %parallel_loop3A_243 : vector<16xf32>
        %parallel_loop3A_245 = arith.constant 0.000000e+00 : f32
        %parallel_loop3A_246 = vector.broadcast %parallel_loop3A_245 : f32 to vector<16xf32>
        %parallel_loop3A_247 = arith.subf %parallel_loop3A_246, %parallel_loop3A_244 : vector<16xf32>
        %parallel_loop3A_248 = math.exp %parallel_loop3A_247 : vector<16xf32>
        %parallel_loop3A_249 = arith.constant 1.000000e+00 : f32
        %parallel_loop3A_250 = vector.broadcast %parallel_loop3A_249 : f32 to vector<16xf32>
        %parallel_loop3A_251 = arith.addf %parallel_loop3A_250, %parallel_loop3A_248 : vector<16xf32>
        %parallel_loop3A_252 = arith.divf %parallel_loop3A_230, %parallel_loop3A_251 : vector<16xf32>
        %parallel_loop3A_253 = arith.index_cast %parallel_loop3A_102 : i32 to index
        %parallel_loop3A_254 = arith.constant 64 : index
        %parallel_loop3A_255 = tpu.vector_load %arg15[%parallel_loop3A_253, %parallel_loop3A_254] {strides = array<i32>} : memref<40x128xf32, #tpu.memory_space<vmem>>, vector<1x16xf32>,
        %parallel_loop3A_256 = vector.shape_cast %parallel_loop3A_255 : vector<1x16xf32> to vector<16xf32>
        %parallel_loop3A_257 = vector.shape_cast %parallel_loop3A_252 : vector<16xf32> to vector<1x16xf32>
        tpu.vector_store %arg15[%parallel_loop3A_253, %parallel_loop3A_254], %parallel_loop3A_257 {strides = array<i32>} : memref<40x128xf32, #tpu.memory_space<vmem>>, vector<1x16xf32>,
        %parallel_loop3A_258 = arith.index_cast %parallel_loop3A_102 : i32 to index
        %parallel_loop3A_259 = arith.constant 80 : index
        %parallel_loop3A_260 = tpu.vector_load %arg13[%parallel_loop3A_258, %parallel_loop3A_259] {strides = array<i32>} : memref<40x256xf32, #tpu.memory_space<vmem>>, vector<1x16xf32>,
        %parallel_loop3A_261 = vector.shape_cast %parallel_loop3A_260 : vector<1x16xf32> to vector<16xf32>
        %parallel_loop3A_262 = arith.index_cast %parallel_loop3A_102 : i32 to index
        %parallel_loop3A_263 = arith.constant 208 : index
        %parallel_loop3A_264 = tpu.vector_load %arg13[%parallel_loop3A_262, %parallel_loop3A_263] {strides = array<i32>} : memref<40x256xf32, #tpu.memory_space<vmem>>, vector<1x16xf32>,
        %parallel_loop3A_265 = vector.shape_cast %parallel_loop3A_264 : vector<1x16xf32> to vector<16xf32>
        %parallel_loop3A_266 = arith.index_cast %parallel_loop3A_102 : i32 to index
        %parallel_loop3A_267 = arith.constant 80 : index
        %parallel_loop3A_268 = tpu.vector_load %arg15[%parallel_loop3A_266, %parallel_loop3A_267] {strides = array<i32>} : memref<40x128xf32, #tpu.memory_space<vmem>>, vector<1x16xf32>,
        %parallel_loop3A_269 = vector.shape_cast %parallel_loop3A_268 : vector<1x16xf32> to vector<16xf32>
        %parallel_loop3A_270 = arith.addf %parallel_loop3A_265, %parallel_loop3A_269 : vector<16xf32>
        %parallel_loop3A_271 = arith.index_cast %parallel_loop3A_102 : i32 to index
        %parallel_loop3A_272 = arith.constant 80 : index
        %parallel_loop3A_273 = tpu.vector_load %arg17[%parallel_loop3A_271, %parallel_loop3A_272] {strides = array<i32>} : memref<40x128xf32, #tpu.memory_space<vmem>>, vector<1x16xf32>,
        %parallel_loop3A_274 = vector.shape_cast %parallel_loop3A_273 : vector<1x16xf32> to vector<16xf32>
        %parallel_loop3A_275 = arith.addf %parallel_loop3A_270, %parallel_loop3A_274 : vector<16xf32>
        %parallel_loop3A_276 = arith.constant 0.000000e+00 : f32
        %parallel_loop3A_277 = vector.broadcast %parallel_loop3A_276 : f32 to vector<16xf32>
        %parallel_loop3A_278 = arith.subf %parallel_loop3A_277, %parallel_loop3A_275 : vector<16xf32>
        %parallel_loop3A_279 = math.exp %parallel_loop3A_278 : vector<16xf32>
        %parallel_loop3A_280 = arith.constant 1.000000e+00 : f32
        %parallel_loop3A_281 = vector.broadcast %parallel_loop3A_280 : f32 to vector<16xf32>
        %parallel_loop3A_282 = arith.addf %parallel_loop3A_281, %parallel_loop3A_279 : vector<16xf32>
        %parallel_loop3A_283 = arith.divf %parallel_loop3A_261, %parallel_loop3A_282 : vector<16xf32>
        %parallel_loop3A_284 = arith.index_cast %parallel_loop3A_102 : i32 to index
        %parallel_loop3A_285 = arith.constant 80 : index
        %parallel_loop3A_286 = tpu.vector_load %arg15[%parallel_loop3A_284, %parallel_loop3A_285] {strides = array<i32>} : memref<40x128xf32, #tpu.memory_space<vmem>>, vector<1x16xf32>,
        %parallel_loop3A_287 = vector.shape_cast %parallel_loop3A_286 : vector<1x16xf32> to vector<16xf32>
        %parallel_loop3A_288 = vector.shape_cast %parallel_loop3A_283 : vector<16xf32> to vector<1x16xf32>
        tpu.vector_store %arg15[%parallel_loop3A_284, %parallel_loop3A_285], %parallel_loop3A_288 {strides = array<i32>} : memref<40x128xf32, #tpu.memory_space<vmem>>, vector<1x16xf32>,
        %parallel_loop3A_289 = arith.index_cast %parallel_loop3A_102 : i32 to index
        %parallel_loop3A_290 = arith.constant 96 : index
        %parallel_loop3A_291 = tpu.vector_load %arg13[%parallel_loop3A_289, %parallel_loop3A_290] {strides = array<i32>} : memref<40x256xf32, #tpu.memory_space<vmem>>, vector<1x16xf32>,
        %parallel_loop3A_292 = vector.shape_cast %parallel_loop3A_291 : vector<1x16xf32> to vector<16xf32>
        %parallel_loop3A_293 = arith.index_cast %parallel_loop3A_102 : i32 to index
        %parallel_loop3A_294 = arith.constant 224 : index
        %parallel_loop3A_295 = tpu.vector_load %arg13[%parallel_loop3A_293, %parallel_loop3A_294] {strides = array<i32>} : memref<40x256xf32, #tpu.memory_space<vmem>>, vector<1x16xf32>,
        %parallel_loop3A_296 = vector.shape_cast %parallel_loop3A_295 : vector<1x16xf32> to vector<16xf32>
        %parallel_loop3A_297 = arith.index_cast %parallel_loop3A_102 : i32 to index
        %parallel_loop3A_298 = arith.constant 96 : index
        %parallel_loop3A_299 = tpu.vector_load %arg15[%parallel_loop3A_297, %parallel_loop3A_298] {strides = array<i32>} : memref<40x128xf32, #tpu.memory_space<vmem>>, vector<1x16xf32>,
        %parallel_loop3A_300 = vector.shape_cast %parallel_loop3A_299 : vector<1x16xf32> to vector<16xf32>
        %parallel_loop3A_301 = arith.addf %parallel_loop3A_296, %parallel_loop3A_300 : vector<16xf32>
        %parallel_loop3A_302 = arith.index_cast %parallel_loop3A_102 : i32 to index
        %parallel_loop3A_303 = arith.constant 96 : index
        %parallel_loop3A_304 = tpu.vector_load %arg17[%parallel_loop3A_302, %parallel_loop3A_303] {strides = array<i32>} : memref<40x128xf32, #tpu.memory_space<vmem>>, vector<1x16xf32>,
        %parallel_loop3A_305 = vector.shape_cast %parallel_loop3A_304 : vector<1x16xf32> to vector<16xf32>
        %parallel_loop3A_306 = arith.addf %parallel_loop3A_301, %parallel_loop3A_305 : vector<16xf32>
        %parallel_loop3A_307 = arith.constant 0.000000e+00 : f32
        %parallel_loop3A_308 = vector.broadcast %parallel_loop3A_307 : f32 to vector<16xf32>
        %parallel_loop3A_309 = arith.subf %parallel_loop3A_308, %parallel_loop3A_306 : vector<16xf32>
        %parallel_loop3A_310 = math.exp %parallel_loop3A_309 : vector<16xf32>
        %parallel_loop3A_311 = arith.constant 1.000000e+00 : f32
        %parallel_loop3A_312 = vector.broadcast %parallel_loop3A_311 : f32 to vector<16xf32>
        %parallel_loop3A_313 = arith.addf %parallel_loop3A_312, %parallel_loop3A_310 : vector<16xf32>
        %parallel_loop3A_314 = arith.divf %parallel_loop3A_292, %parallel_loop3A_313 : vector<16xf32>
        %parallel_loop3A_315 = arith.index_cast %parallel_loop3A_102 : i32 to index
        %parallel_loop3A_316 = arith.constant 96 : index
        %parallel_loop3A_317 = tpu.vector_load %arg15[%parallel_loop3A_315, %parallel_loop3A_316] {strides = array<i32>} : memref<40x128xf32, #tpu.memory_space<vmem>>, vector<1x16xf32>,
        %parallel_loop3A_318 = vector.shape_cast %parallel_loop3A_317 : vector<1x16xf32> to vector<16xf32>
        %parallel_loop3A_319 = vector.shape_cast %parallel_loop3A_314 : vector<16xf32> to vector<1x16xf32>
        tpu.vector_store %arg15[%parallel_loop3A_315, %parallel_loop3A_316], %parallel_loop3A_319 {strides = array<i32>} : memref<40x128xf32, #tpu.memory_space<vmem>>, vector<1x16xf32>,
        %parallel_loop3A_320 = arith.index_cast %parallel_loop3A_102 : i32 to index
        %parallel_loop3A_321 = arith.constant 112 : index
        %parallel_loop3A_322 = tpu.vector_load %arg13[%parallel_loop3A_320, %parallel_loop3A_321] {strides = array<i32>} : memref<40x256xf32, #tpu.memory_space<vmem>>, vector<1x16xf32>,
        %parallel_loop3A_323 = vector.shape_cast %parallel_loop3A_322 : vector<1x16xf32> to vector<16xf32>
        %parallel_loop3A_324 = arith.index_cast %parallel_loop3A_102 : i32 to index
        %parallel_loop3A_325 = arith.constant 240 : index
        %parallel_loop3A_326 = tpu.vector_load %arg13[%parallel_loop3A_324, %parallel_loop3A_325] {strides = array<i32>} : memref<40x256xf32, #tpu.memory_space<vmem>>, vector<1x16xf32>,
        %parallel_loop3A_327 = vector.shape_cast %parallel_loop3A_326 : vector<1x16xf32> to vector<16xf32>
        %parallel_loop3A_328 = arith.index_cast %parallel_loop3A_102 : i32 to index
        %parallel_loop3A_329 = arith.constant 112 : index
        %parallel_loop3A_330 = tpu.vector_load %arg15[%parallel_loop3A_328, %parallel_loop3A_329] {strides = array<i32>} : memref<40x128xf32, #tpu.memory_space<vmem>>, vector<1x16xf32>,
        %parallel_loop3A_331 = vector.shape_cast %parallel_loop3A_330 : vector<1x16xf32> to vector<16xf32>
        %parallel_loop3A_332 = arith.addf %parallel_loop3A_327, %parallel_loop3A_331 : vector<16xf32>
        %parallel_loop3A_333 = arith.index_cast %parallel_loop3A_102 : i32 to index
        %parallel_loop3A_334 = arith.constant 112 : index
        %parallel_loop3A_335 = tpu.vector_load %arg17[%parallel_loop3A_333, %parallel_loop3A_334] {strides = array<i32>} : memref<40x128xf32, #tpu.memory_space<vmem>>, vector<1x16xf32>,
        %parallel_loop3A_336 = vector.shape_cast %parallel_loop3A_335 : vector<1x16xf32> to vector<16xf32>
        %parallel_loop3A_337 = arith.addf %parallel_loop3A_332, %parallel_loop3A_336 : vector<16xf32>
        %parallel_loop3A_338 = arith.constant 0.000000e+00 : f32
        %parallel_loop3A_339 = vector.broadcast %parallel_loop3A_338 : f32 to vector<16xf32>
        %parallel_loop3A_340 = arith.subf %parallel_loop3A_339, %parallel_loop3A_337 : vector<16xf32>
        %parallel_loop3A_341 = math.exp %parallel_loop3A_340 : vector<16xf32>
        %parallel_loop3A_342 = arith.constant 1.000000e+00 : f32
        %parallel_loop3A_343 = vector.broadcast %parallel_loop3A_342 : f32 to vector<16xf32>
        %parallel_loop3A_344 = arith.addf %parallel_loop3A_343, %parallel_loop3A_341 : vector<16xf32>
        %parallel_loop3A_345 = arith.divf %parallel_loop3A_323, %parallel_loop3A_344 : vector<16xf32>
        %parallel_loop3A_346 = arith.index_cast %parallel_loop3A_102 : i32 to index
        %parallel_loop3A_347 = arith.constant 112 : index
        %parallel_loop3A_348 = tpu.vector_load %arg15[%parallel_loop3A_346, %parallel_loop3A_347] {strides = array<i32>} : memref<40x128xf32, #tpu.memory_space<vmem>>, vector<1x16xf32>,
        %parallel_loop3A_349 = vector.shape_cast %parallel_loop3A_348 : vector<1x16xf32> to vector<16xf32>
        %parallel_loop3A_350 = vector.shape_cast %parallel_loop3A_345 : vector<16xf32> to vector<1x16xf32>
        tpu.vector_store %arg15[%parallel_loop3A_346, %parallel_loop3A_347], %parallel_loop3A_350 {strides = array<i32>} : memref<40x128xf32, #tpu.memory_space<vmem>>, vector<1x16xf32>,
      } {sc.loop_unroll_factor = 2 : i64, sc.parallel_access}
      "tpu.region"() ({
        %run_scoped3A = tpu.sem_alloc : memref<!tpu.dma_semaphore, #tpu.memory_space<semaphore_mem>>
        %dma_start3A_102 = arith.constant 0 : i32
        %dma_start3A_103 = arith.constant 0 : i32
        %dma_start3A_104 = tpu.memref_slice %arg19[%dma_start3A_102, %dma_start3A_103] : memref<10240x128xf32, #tpu.memory_space<vmem_shared>> -> memref<10240x128xf32, #tpu.memory_space<vmem_shared>>
        tpu.enqueue_indirect_dma source(%arg15 : memref<40x128xf32, #tpu.memory_space<vmem>>) target(%dma_start3A_104 : memref<10240x128xf32, #tpu.memory_space<vmem_shared>>) offsets(%arg11 : memref<40xi32, #tpu.memory_space<vmem>>) semaphore(%run_scoped3A : memref<!tpu.dma_semaphore, #tpu.memory_space<semaphore_mem>>) {add = true}
        %dma_wait3A_105 = arith.constant 0 : i32
        %dma_wait3A_106 = arith.constant 0 : i32
        %dma_wait3A_107 = tpu.memref_slice %arg19[%dma_wait3A_105, %dma_wait3A_106] : memref<10240x128xf32, #tpu.memory_space<vmem_shared>> -> memref<10240x128xf32, #tpu.memory_space<vmem_shared>>
        tpu.wait_indirect_dma semaphore(%run_scoped3A : memref<!tpu.dma_semaphore, #tpu.memory_space<semaphore_mem>>) src(%arg15 : memref<40x128xf32, #tpu.memory_space<vmem>>) dst(%dma_wait3A_107 : memref<10240x128xf32, #tpu.memory_space<vmem_shared>>)
        tpu.yield
      }) : () -> ()
      %add3A_62 = arith.constant 2 : i32
      %add3A_63 = arith.addi %mul3A_43, %add3A_62 : i32
      %lt3A_64 = arith.constant 250 : i32
      %lt3A_65 = arith.cmpi slt, %add3A_63, %lt3A_64 : i32
      %convert_element_type3A_66 = arith.extui %lt3A_65 : i1 to i32
      %cond3A_67 = arith.constant 0 : i32
      %cond3A_68 = arith.cmpi ne, %convert_element_type3A_66, %cond3A_67 : i32
      scf.if %cond3A_68 {
        %add3A_102 = arith.constant 2 : i32
        %add3A_103 = arith.addi %mul3A_43, %add3A_102 : i32
        %mul3A_104 = arith.constant 40 : i32
        %mul3A_105 = arith.muli %add3A_103, %mul3A_104 : i32
        %add3A_106 = arith.addi %mul3A_2, %mul3A_105 : i32
        %dma_start3A_107 = tpu.memref_slice %arg5[%add3A_106] : memref<320000xi32, #tpu.memory_space<hbm>> -> memref<40xi32, #tpu.memory_space<hbm>>
        %dma_start3A_108 = tpu.memref_slice %arg5[%add3A_106] : memref<320000xi32, #tpu.memory_space<hbm>> -> memref<40xi32, #tpu.memory_space<hbm>>
        tpu.enqueue_dma source(%dma_start3A_108 : memref<40xi32, #tpu.memory_space<hbm>>) target(%arg9 : memref<40xi32, #tpu.memory_space<vmem>>) target_semaphore(%arg20 : memref<!tpu.dma_semaphore, #tpu.memory_space<semaphore_mem>>)
        %dma_start3A_109 = tpu.memref_slice %arg6[%add3A_106] : memref<320000xi32, #tpu.memory_space<hbm>> -> memref<40xi32, #tpu.memory_space<hbm>>
        %dma_start3A_110 = tpu.memref_slice %arg6[%add3A_106] : memref<320000xi32, #tpu.memory_space<hbm>> -> memref<40xi32, #tpu.memory_space<hbm>>
        tpu.enqueue_dma source(%dma_start3A_110 : memref<40xi32, #tpu.memory_space<hbm>>) target(%arg11 : memref<40xi32, #tpu.memory_space<vmem>>) target_semaphore(%arg20 : memref<!tpu.dma_semaphore, #tpu.memory_space<semaphore_mem>>)
      } else {
      }
      %mul3A_69 = arith.constant 2 : i32
      %mul3A_70 = arith.muli %mul3A_69, %scan3A_41 : i32
      %add3A_71 = arith.constant 1 : i32
      %add3A_72 = arith.addi %mul3A_70, %add3A_71 : i32
      %add3A_73 = arith.constant 1 : i32
      %add3A_74 = arith.addi %add3A_72, %add3A_73 : i32
      %lt3A_75 = arith.constant 250 : i32
      %lt3A_76 = arith.cmpi slt, %add3A_74, %lt3A_75 : i32
      %convert_element_type3A_77 = arith.extui %lt3A_76 : i1 to i32
      %cond3A_78 = arith.constant 0 : i32
      %cond3A_79 = arith.cmpi ne, %convert_element_type3A_77, %cond3A_78 : i32
      scf.if %cond3A_79 {
        %dma_wait3A_102 = arith.constant 0 : i32
        %dma_wait3A_103 = tpu.memref_slice %arg5[%dma_wait3A_102] : memref<320000xi32, #tpu.memory_space<hbm>> -> memref<40xi32, #tpu.memory_space<hbm>>
        %dma_wait3A_104 = arith.constant 0 : i32
        %dma_wait3A_105 = tpu.memref_slice %arg5[%dma_wait3A_104] : memref<320000xi32, #tpu.memory_space<hbm>> -> memref<40xi32, #tpu.memory_space<hbm>>
        tpu.wait_dma2 semaphore(%arg20 : memref<!tpu.dma_semaphore, #tpu.memory_space<semaphore_mem>>) src(%dma_wait3A_105 : memref<40xi32, #tpu.memory_space<hbm>>) dst(%arg9 : memref<40xi32, #tpu.memory_space<vmem>>)
        %dma_wait3A_106 = arith.constant 0 : i32
        %dma_wait3A_107 = tpu.memref_slice %arg6[%dma_wait3A_106] : memref<320000xi32, #tpu.memory_space<hbm>> -> memref<40xi32, #tpu.memory_space<hbm>>
        %dma_wait3A_108 = arith.constant 0 : i32
        %dma_wait3A_109 = tpu.memref_slice %arg6[%dma_wait3A_108] : memref<320000xi32, #tpu.memory_space<hbm>> -> memref<40xi32, #tpu.memory_space<hbm>>
        tpu.wait_dma2 semaphore(%arg20 : memref<!tpu.dma_semaphore, #tpu.memory_space<semaphore_mem>>) src(%dma_wait3A_109 : memref<40xi32, #tpu.memory_space<hbm>>) dst(%arg11 : memref<40xi32, #tpu.memory_space<vmem>>)
        %add3A_110 = arith.constant 1 : i32
        %add3A_111 = arith.addi %add3A_72, %add3A_110 : i32
        %mul3A_112 = arith.constant 40 : i32
        %mul3A_113 = arith.muli %add3A_111, %mul3A_112 : i32
        %add3A_114 = arith.addi %mul3A_2, %mul3A_113 : i32
        %dma_start3A_115 = arith.constant 0 : i32
        %dma_start3A_116 = arith.constant 0 : i32
        %dma_start3A_117 = tpu.memref_slice %arg2[%dma_start3A_115, %dma_start3A_116] : memref<10000x256xf32, #tpu.memory_space<hbm>> -> memref<10000x256xf32, #tpu.memory_space<hbm>>
        tpu.enqueue_indirect_dma source(%dma_start3A_117 : memref<10000x256xf32, #tpu.memory_space<hbm>>) target(%arg13 : memref<40x256xf32, #tpu.memory_space<vmem>>) offsets(%arg9 : memref<40xi32, #tpu.memory_space<vmem>>) semaphore(%arg22 : memref<!tpu.dma_semaphore, #tpu.memory_space<semaphore_mem>>)
        %dma_start3A_118 = arith.constant 0 : i32
        %dma_start3A_119 = arith.constant 0 : i32
        %dma_start3A_120 = tpu.memref_slice %arg3[%dma_start3A_118, %dma_start3A_119] : memref<10000x128xf32, #tpu.memory_space<hbm>> -> memref<10000x128xf32, #tpu.memory_space<hbm>>
        tpu.enqueue_indirect_dma source(%dma_start3A_120 : memref<10000x128xf32, #tpu.memory_space<hbm>>) target(%arg15 : memref<40x128xf32, #tpu.memory_space<vmem>>) offsets(%arg11 : memref<40xi32, #tpu.memory_space<vmem>>) semaphore(%arg22 : memref<!tpu.dma_semaphore, #tpu.memory_space<semaphore_mem>>)
        %dma_start3A_121 = arith.constant 0 : i32
        %dma_start3A_122 = tpu.memref_slice %arg4[%add3A_114, %dma_start3A_121] : memref<320000x128xf32, #tpu.memory_space<hbm>> -> memref<40x128xf32, #tpu.memory_space<hbm>>
        %dma_start3A_123 = arith.constant 0 : i32
        %dma_start3A_124 = tpu.memref_slice %arg4[%add3A_114, %dma_start3A_123] : memref<320000x128xf32, #tpu.memory_space<hbm>> -> memref<40x128xf32, #tpu.memory_space<hbm>>
        tpu.enqueue_dma source(%dma_start3A_124 : memref<40x128xf32, #tpu.memory_space<hbm>>) target(%arg17 : memref<40x128xf32, #tpu.memory_space<vmem>>) target_semaphore(%arg22 : memref<!tpu.dma_semaphore, #tpu.memory_space<semaphore_mem>>)
      } else {
      }
      %dma_wait3A_80 = arith.constant 0 : i32
      %dma_wait3A_81 = arith.constant 0 : i32
      %dma_wait3A_82 = tpu.memref_slice %arg2[%dma_wait3A_80, %dma_wait3A_81] : memref<10000x256xf32, #tpu.memory_space<hbm>> -> memref<10000x256xf32, #tpu.memory_space<hbm>>
      tpu.wait_indirect_dma semaphore(%arg23 : memref<!tpu.dma_semaphore, #tpu.memory_space<semaphore_mem>>) src(%dma_wait3A_82 : memref<10000x256xf32, #tpu.memory_space<hbm>>) dst(%arg14 : memref<40x256xf32, #tpu.memory_space<vmem>>)
      %dma_wait3A_83 = arith.constant 0 : i32
      %dma_wait3A_84 = arith.constant 0 : i32
      %dma_wait3A_85 = tpu.memref_slice %arg3[%dma_wait3A_83, %dma_wait3A_84] : memref<10000x128xf32, #tpu.memory_space<hbm>> -> memref<10000x128xf32, #tpu.memory_space<hbm>>
      tpu.wait_indirect_dma semaphore(%arg23 : memref<!tpu.dma_semaphore, #tpu.memory_space<semaphore_mem>>) src(%dma_wait3A_85 : memref<10000x128xf32, #tpu.memory_space<hbm>>) dst(%arg16 : memref<40x128xf32, #tpu.memory_space<vmem>>)
      %dma_wait3A_86 = arith.constant 0 : i32
      %dma_wait3A_87 = arith.constant 0 : i32
      %dma_wait3A_88 = tpu.memref_slice %arg4[%dma_wait3A_86, %dma_wait3A_87] : memref<320000x128xf32, #tpu.memory_space<hbm>> -> memref<40x128xf32, #tpu.memory_space<hbm>>
      %dma_wait3A_89 = arith.constant 0 : i32
      %dma_wait3A_90 = arith.constant 0 : i32
      %dma_wait3A_91 = tpu.memref_slice %arg4[%dma_wait3A_89, %dma_wait3A_90] : memref<320000x128xf32, #tpu.memory_space<hbm>> -> memref<40x128xf32, #tpu.memory_space<hbm>>
      tpu.wait_dma2 semaphore(%arg23 : memref<!tpu.dma_semaphore, #tpu.memory_space<semaphore_mem>>) src(%dma_wait3A_91 : memref<40x128xf32, #tpu.memory_space<hbm>>) dst(%arg18 : memref<40x128xf32, #tpu.memory_space<vmem>>)
      %parallel_loop3A_92 = arith.constant 0 : i32
      %parallel_loop3A_93 = arith.constant 40 : i32
      %parallel_loop3A_94 = arith.constant 1 : i32
      scf.for %parallel_loop3A_102 = %parallel_loop3A_92 to %parallel_loop3A_93 step %parallel_loop3A_94  : i32 {
        %parallel_loop3A_103 = arith.index_cast %parallel_loop3A_102 : i32 to index
        %parallel_loop3A_104 = arith.constant 0 : index
        %parallel_loop3A_105 = tpu.vector_load %arg14[%parallel_loop3A_103, %parallel_loop3A_104] {strides = array<i32>} : memref<40x256xf32, #tpu.memory_space<vmem>>, vector<1x16xf32>,
        %parallel_loop3A_106 = vector.shape_cast %parallel_loop3A_105 : vector<1x16xf32> to vector<16xf32>
        %parallel_loop3A_107 = arith.index_cast %parallel_loop3A_102 : i32 to index
        %parallel_loop3A_108 = arith.constant 128 : index
        %parallel_loop3A_109 = tpu.vector_load %arg14[%parallel_loop3A_107, %parallel_loop3A_108] {strides = array<i32>} : memref<40x256xf32, #tpu.memory_space<vmem>>, vector<1x16xf32>,
        %parallel_loop3A_110 = vector.shape_cast %parallel_loop3A_109 : vector<1x16xf32> to vector<16xf32>
        %parallel_loop3A_111 = arith.index_cast %parallel_loop3A_102 : i32 to index
        %parallel_loop3A_112 = arith.constant 0 : index
        %parallel_loop3A_113 = tpu.vector_load %arg16[%parallel_loop3A_111, %parallel_loop3A_112] {strides = array<i32>} : memref<40x128xf32, #tpu.memory_space<vmem>>, vector<1x16xf32>,
        %parallel_loop3A_114 = vector.shape_cast %parallel_loop3A_113 : vector<1x16xf32> to vector<16xf32>
        %parallel_loop3A_115 = arith.addf %parallel_loop3A_110, %parallel_loop3A_114 : vector<16xf32>
        %parallel_loop3A_116 = arith.index_cast %parallel_loop3A_102 : i32 to index
        %parallel_loop3A_117 = arith.constant 0 : index
        %parallel_loop3A_118 = tpu.vector_load %arg18[%parallel_loop3A_116, %parallel_loop3A_117] {strides = array<i32>} : memref<40x128xf32, #tpu.memory_space<vmem>>, vector<1x16xf32>,
        %parallel_loop3A_119 = vector.shape_cast %parallel_loop3A_118 : vector<1x16xf32> to vector<16xf32>
        %parallel_loop3A_120 = arith.addf %parallel_loop3A_115, %parallel_loop3A_119 : vector<16xf32>
        %parallel_loop3A_121 = arith.constant 0.000000e+00 : f32
        %parallel_loop3A_122 = vector.broadcast %parallel_loop3A_121 : f32 to vector<16xf32>
        %parallel_loop3A_123 = arith.subf %parallel_loop3A_122, %parallel_loop3A_120 : vector<16xf32>
        %parallel_loop3A_124 = math.exp %parallel_loop3A_123 : vector<16xf32>
        %parallel_loop3A_125 = arith.constant 1.000000e+00 : f32
        %parallel_loop3A_126 = vector.broadcast %parallel_loop3A_125 : f32 to vector<16xf32>
        %parallel_loop3A_127 = arith.addf %parallel_loop3A_126, %parallel_loop3A_124 : vector<16xf32>
        %parallel_loop3A_128 = arith.divf %parallel_loop3A_106, %parallel_loop3A_127 : vector<16xf32>
        %parallel_loop3A_129 = arith.index_cast %parallel_loop3A_102 : i32 to index
        %parallel_loop3A_130 = arith.constant 0 : index
        %parallel_loop3A_131 = tpu.vector_load %arg16[%parallel_loop3A_129, %parallel_loop3A_130] {strides = array<i32>} : memref<40x128xf32, #tpu.memory_space<vmem>>, vector<1x16xf32>,
        %parallel_loop3A_132 = vector.shape_cast %parallel_loop3A_131 : vector<1x16xf32> to vector<16xf32>
        %parallel_loop3A_133 = vector.shape_cast %parallel_loop3A_128 : vector<16xf32> to vector<1x16xf32>
        tpu.vector_store %arg16[%parallel_loop3A_129, %parallel_loop3A_130], %parallel_loop3A_133 {strides = array<i32>} : memref<40x128xf32, #tpu.memory_space<vmem>>, vector<1x16xf32>,
        %parallel_loop3A_134 = arith.index_cast %parallel_loop3A_102 : i32 to index
        %parallel_loop3A_135 = arith.constant 16 : index
        %parallel_loop3A_136 = tpu.vector_load %arg14[%parallel_loop3A_134, %parallel_loop3A_135] {strides = array<i32>} : memref<40x256xf32, #tpu.memory_space<vmem>>, vector<1x16xf32>,
        %parallel_loop3A_137 = vector.shape_cast %parallel_loop3A_136 : vector<1x16xf32> to vector<16xf32>
        %parallel_loop3A_138 = arith.index_cast %parallel_loop3A_102 : i32 to index
        %parallel_loop3A_139 = arith.constant 144 : index
        %parallel_loop3A_140 = tpu.vector_load %arg14[%parallel_loop3A_138, %parallel_loop3A_139] {strides = array<i32>} : memref<40x256xf32, #tpu.memory_space<vmem>>, vector<1x16xf32>,
        %parallel_loop3A_141 = vector.shape_cast %parallel_loop3A_140 : vector<1x16xf32> to vector<16xf32>
        %parallel_loop3A_142 = arith.index_cast %parallel_loop3A_102 : i32 to index
        %parallel_loop3A_143 = arith.constant 16 : index
        %parallel_loop3A_144 = tpu.vector_load %arg16[%parallel_loop3A_142, %parallel_loop3A_143] {strides = array<i32>} : memref<40x128xf32, #tpu.memory_space<vmem>>, vector<1x16xf32>,
        %parallel_loop3A_145 = vector.shape_cast %parallel_loop3A_144 : vector<1x16xf32> to vector<16xf32>
        %parallel_loop3A_146 = arith.addf %parallel_loop3A_141, %parallel_loop3A_145 : vector<16xf32>
        %parallel_loop3A_147 = arith.index_cast %parallel_loop3A_102 : i32 to index
        %parallel_loop3A_148 = arith.constant 16 : index
        %parallel_loop3A_149 = tpu.vector_load %arg18[%parallel_loop3A_147, %parallel_loop3A_148] {strides = array<i32>} : memref<40x128xf32, #tpu.memory_space<vmem>>, vector<1x16xf32>,
        %parallel_loop3A_150 = vector.shape_cast %parallel_loop3A_149 : vector<1x16xf32> to vector<16xf32>
        %parallel_loop3A_151 = arith.addf %parallel_loop3A_146, %parallel_loop3A_150 : vector<16xf32>
        %parallel_loop3A_152 = arith.constant 0.000000e+00 : f32
        %parallel_loop3A_153 = vector.broadcast %parallel_loop3A_152 : f32 to vector<16xf32>
        %parallel_loop3A_154 = arith.subf %parallel_loop3A_153, %parallel_loop3A_151 : vector<16xf32>
        %parallel_loop3A_155 = math.exp %parallel_loop3A_154 : vector<16xf32>
        %parallel_loop3A_156 = arith.constant 1.000000e+00 : f32
        %parallel_loop3A_157 = vector.broadcast %parallel_loop3A_156 : f32 to vector<16xf32>
        %parallel_loop3A_158 = arith.addf %parallel_loop3A_157, %parallel_loop3A_155 : vector<16xf32>
        %parallel_loop3A_159 = arith.divf %parallel_loop3A_137, %parallel_loop3A_158 : vector<16xf32>
        %parallel_loop3A_160 = arith.index_cast %parallel_loop3A_102 : i32 to index
        %parallel_loop3A_161 = arith.constant 16 : index
        %parallel_loop3A_162 = tpu.vector_load %arg16[%parallel_loop3A_160, %parallel_loop3A_161] {strides = array<i32>} : memref<40x128xf32, #tpu.memory_space<vmem>>, vector<1x16xf32>,
        %parallel_loop3A_163 = vector.shape_cast %parallel_loop3A_162 : vector<1x16xf32> to vector<16xf32>
        %parallel_loop3A_164 = vector.shape_cast %parallel_loop3A_159 : vector<16xf32> to vector<1x16xf32>
        tpu.vector_store %arg16[%parallel_loop3A_160, %parallel_loop3A_161], %parallel_loop3A_164 {strides = array<i32>} : memref<40x128xf32, #tpu.memory_space<vmem>>, vector<1x16xf32>,
        %parallel_loop3A_165 = arith.index_cast %parallel_loop3A_102 : i32 to index
        %parallel_loop3A_166 = arith.constant 32 : index
        %parallel_loop3A_167 = tpu.vector_load %arg14[%parallel_loop3A_165, %parallel_loop3A_166] {strides = array<i32>} : memref<40x256xf32, #tpu.memory_space<vmem>>, vector<1x16xf32>,
        %parallel_loop3A_168 = vector.shape_cast %parallel_loop3A_167 : vector<1x16xf32> to vector<16xf32>
        %parallel_loop3A_169 = arith.index_cast %parallel_loop3A_102 : i32 to index
        %parallel_loop3A_170 = arith.constant 160 : index
        %parallel_loop3A_171 = tpu.vector_load %arg14[%parallel_loop3A_169, %parallel_loop3A_170] {strides = array<i32>} : memref<40x256xf32, #tpu.memory_space<vmem>>, vector<1x16xf32>,
        %parallel_loop3A_172 = vector.shape_cast %parallel_loop3A_171 : vector<1x16xf32> to vector<16xf32>
        %parallel_loop3A_173 = arith.index_cast %parallel_loop3A_102 : i32 to index
        %parallel_loop3A_174 = arith.constant 32 : index
        %parallel_loop3A_175 = tpu.vector_load %arg16[%parallel_loop3A_173, %parallel_loop3A_174] {strides = array<i32>} : memref<40x128xf32, #tpu.memory_space<vmem>>, vector<1x16xf32>,
        %parallel_loop3A_176 = vector.shape_cast %parallel_loop3A_175 : vector<1x16xf32> to vector<16xf32>
        %parallel_loop3A_177 = arith.addf %parallel_loop3A_172, %parallel_loop3A_176 : vector<16xf32>
        %parallel_loop3A_178 = arith.index_cast %parallel_loop3A_102 : i32 to index
        %parallel_loop3A_179 = arith.constant 32 : index
        %parallel_loop3A_180 = tpu.vector_load %arg18[%parallel_loop3A_178, %parallel_loop3A_179] {strides = array<i32>} : memref<40x128xf32, #tpu.memory_space<vmem>>, vector<1x16xf32>,
        %parallel_loop3A_181 = vector.shape_cast %parallel_loop3A_180 : vector<1x16xf32> to vector<16xf32>
        %parallel_loop3A_182 = arith.addf %parallel_loop3A_177, %parallel_loop3A_181 : vector<16xf32>
        %parallel_loop3A_183 = arith.constant 0.000000e+00 : f32
        %parallel_loop3A_184 = vector.broadcast %parallel_loop3A_183 : f32 to vector<16xf32>
        %parallel_loop3A_185 = arith.subf %parallel_loop3A_184, %parallel_loop3A_182 : vector<16xf32>
        %parallel_loop3A_186 = math.exp %parallel_loop3A_185 : vector<16xf32>
        %parallel_loop3A_187 = arith.constant 1.000000e+00 : f32
        %parallel_loop3A_188 = vector.broadcast %parallel_loop3A_187 : f32 to vector<16xf32>
        %parallel_loop3A_189 = arith.addf %parallel_loop3A_188, %parallel_loop3A_186 : vector<16xf32>
        %parallel_loop3A_190 = arith.divf %parallel_loop3A_168, %parallel_loop3A_189 : vector<16xf32>
        %parallel_loop3A_191 = arith.index_cast %parallel_loop3A_102 : i32 to index
        %parallel_loop3A_192 = arith.constant 32 : index
        %parallel_loop3A_193 = tpu.vector_load %arg16[%parallel_loop3A_191, %parallel_loop3A_192] {strides = array<i32>} : memref<40x128xf32, #tpu.memory_space<vmem>>, vector<1x16xf32>,
        %parallel_loop3A_194 = vector.shape_cast %parallel_loop3A_193 : vector<1x16xf32> to vector<16xf32>
        %parallel_loop3A_195 = vector.shape_cast %parallel_loop3A_190 : vector<16xf32> to vector<1x16xf32>
        tpu.vector_store %arg16[%parallel_loop3A_191, %parallel_loop3A_192], %parallel_loop3A_195 {strides = array<i32>} : memref<40x128xf32, #tpu.memory_space<vmem>>, vector<1x16xf32>,
        %parallel_loop3A_196 = arith.index_cast %parallel_loop3A_102 : i32 to index
        %parallel_loop3A_197 = arith.constant 48 : index
        %parallel_loop3A_198 = tpu.vector_load %arg14[%parallel_loop3A_196, %parallel_loop3A_197] {strides = array<i32>} : memref<40x256xf32, #tpu.memory_space<vmem>>, vector<1x16xf32>,
        %parallel_loop3A_199 = vector.shape_cast %parallel_loop3A_198 : vector<1x16xf32> to vector<16xf32>
        %parallel_loop3A_200 = arith.index_cast %parallel_loop3A_102 : i32 to index
        %parallel_loop3A_201 = arith.constant 176 : index
        %parallel_loop3A_202 = tpu.vector_load %arg14[%parallel_loop3A_200, %parallel_loop3A_201] {strides = array<i32>} : memref<40x256xf32, #tpu.memory_space<vmem>>, vector<1x16xf32>,
        %parallel_loop3A_203 = vector.shape_cast %parallel_loop3A_202 : vector<1x16xf32> to vector<16xf32>
        %parallel_loop3A_204 = arith.index_cast %parallel_loop3A_102 : i32 to index
        %parallel_loop3A_205 = arith.constant 48 : index
        %parallel_loop3A_206 = tpu.vector_load %arg16[%parallel_loop3A_204, %parallel_loop3A_205] {strides = array<i32>} : memref<40x128xf32, #tpu.memory_space<vmem>>, vector<1x16xf32>,
        %parallel_loop3A_207 = vector.shape_cast %parallel_loop3A_206 : vector<1x16xf32> to vector<16xf32>
        %parallel_loop3A_208 = arith.addf %parallel_loop3A_203, %parallel_loop3A_207 : vector<16xf32>
        %parallel_loop3A_209 = arith.index_cast %parallel_loop3A_102 : i32 to index
        %parallel_loop3A_210 = arith.constant 48 : index
        %parallel_loop3A_211 = tpu.vector_load %arg18[%parallel_loop3A_209, %parallel_loop3A_210] {strides = array<i32>} : memref<40x128xf32, #tpu.memory_space<vmem>>, vector<1x16xf32>,
        %parallel_loop3A_212 = vector.shape_cast %parallel_loop3A_211 : vector<1x16xf32> to vector<16xf32>
        %parallel_loop3A_213 = arith.addf %parallel_loop3A_208, %parallel_loop3A_212 : vector<16xf32>
        %parallel_loop3A_214 = arith.constant 0.000000e+00 : f32
        %parallel_loop3A_215 = vector.broadcast %parallel_loop3A_214 : f32 to vector<16xf32>
        %parallel_loop3A_216 = arith.subf %parallel_loop3A_215, %parallel_loop3A_213 : vector<16xf32>
        %parallel_loop3A_217 = math.exp %parallel_loop3A_216 : vector<16xf32>
        %parallel_loop3A_218 = arith.constant 1.000000e+00 : f32
        %parallel_loop3A_219 = vector.broadcast %parallel_loop3A_218 : f32 to vector<16xf32>
        %parallel_loop3A_220 = arith.addf %parallel_loop3A_219, %parallel_loop3A_217 : vector<16xf32>
        %parallel_loop3A_221 = arith.divf %parallel_loop3A_199, %parallel_loop3A_220 : vector<16xf32>
        %parallel_loop3A_222 = arith.index_cast %parallel_loop3A_102 : i32 to index
        %parallel_loop3A_223 = arith.constant 48 : index
        %parallel_loop3A_224 = tpu.vector_load %arg16[%parallel_loop3A_222, %parallel_loop3A_223] {strides = array<i32>} : memref<40x128xf32, #tpu.memory_space<vmem>>, vector<1x16xf32>,
        %parallel_loop3A_225 = vector.shape_cast %parallel_loop3A_224 : vector<1x16xf32> to vector<16xf32>
        %parallel_loop3A_226 = vector.shape_cast %parallel_loop3A_221 : vector<16xf32> to vector<1x16xf32>
        tpu.vector_store %arg16[%parallel_loop3A_222, %parallel_loop3A_223], %parallel_loop3A_226 {strides = array<i32>} : memref<40x128xf32, #tpu.memory_space<vmem>>, vector<1x16xf32>,
        %parallel_loop3A_227 = arith.index_cast %parallel_loop3A_102 : i32 to index
        %parallel_loop3A_228 = arith.constant 64 : index
        %parallel_loop3A_229 = tpu.vector_load %arg14[%parallel_loop3A_227, %parallel_loop3A_228] {strides = array<i32>} : memref<40x256xf32, #tpu.memory_space<vmem>>, vector<1x16xf32>,
        %parallel_loop3A_230 = vector.shape_cast %parallel_loop3A_229 : vector<1x16xf32> to vector<16xf32>
        %parallel_loop3A_231 = arith.index_cast %parallel_loop3A_102 : i32 to index
        %parallel_loop3A_232 = arith.constant 192 : index
        %parallel_loop3A_233 = tpu.vector_load %arg14[%parallel_loop3A_231, %parallel_loop3A_232] {strides = array<i32>} : memref<40x256xf32, #tpu.memory_space<vmem>>, vector<1x16xf32>,
        %parallel_loop3A_234 = vector.shape_cast %parallel_loop3A_233 : vector<1x16xf32> to vector<16xf32>
        %parallel_loop3A_235 = arith.index_cast %parallel_loop3A_102 : i32 to index
        %parallel_loop3A_236 = arith.constant 64 : index
        %parallel_loop3A_237 = tpu.vector_load %arg16[%parallel_loop3A_235, %parallel_loop3A_236] {strides = array<i32>} : memref<40x128xf32, #tpu.memory_space<vmem>>, vector<1x16xf32>,
        %parallel_loop3A_238 = vector.shape_cast %parallel_loop3A_237 : vector<1x16xf32> to vector<16xf32>
        %parallel_loop3A_239 = arith.addf %parallel_loop3A_234, %parallel_loop3A_238 : vector<16xf32>
        %parallel_loop3A_240 = arith.index_cast %parallel_loop3A_102 : i32 to index
        %parallel_loop3A_241 = arith.constant 64 : index
        %parallel_loop3A_242 = tpu.vector_load %arg18[%parallel_loop3A_240, %parallel_loop3A_241] {strides = array<i32>} : memref<40x128xf32, #tpu.memory_space<vmem>>, vector<1x16xf32>,
        %parallel_loop3A_243 = vector.shape_cast %parallel_loop3A_242 : vector<1x16xf32> to vector<16xf32>
        %parallel_loop3A_244 = arith.addf %parallel_loop3A_239, %parallel_loop3A_243 : vector<16xf32>
        %parallel_loop3A_245 = arith.constant 0.000000e+00 : f32
        %parallel_loop3A_246 = vector.broadcast %parallel_loop3A_245 : f32 to vector<16xf32>
        %parallel_loop3A_247 = arith.subf %parallel_loop3A_246, %parallel_loop3A_244 : vector<16xf32>
        %parallel_loop3A_248 = math.exp %parallel_loop3A_247 : vector<16xf32>
        %parallel_loop3A_249 = arith.constant 1.000000e+00 : f32
        %parallel_loop3A_250 = vector.broadcast %parallel_loop3A_249 : f32 to vector<16xf32>
        %parallel_loop3A_251 = arith.addf %parallel_loop3A_250, %parallel_loop3A_248 : vector<16xf32>
        %parallel_loop3A_252 = arith.divf %parallel_loop3A_230, %parallel_loop3A_251 : vector<16xf32>
        %parallel_loop3A_253 = arith.index_cast %parallel_loop3A_102 : i32 to index
        %parallel_loop3A_254 = arith.constant 64 : index
        %parallel_loop3A_255 = tpu.vector_load %arg16[%parallel_loop3A_253, %parallel_loop3A_254] {strides = array<i32>} : memref<40x128xf32, #tpu.memory_space<vmem>>, vector<1x16xf32>,
        %parallel_loop3A_256 = vector.shape_cast %parallel_loop3A_255 : vector<1x16xf32> to vector<16xf32>
        %parallel_loop3A_257 = vector.shape_cast %parallel_loop3A_252 : vector<16xf32> to vector<1x16xf32>
        tpu.vector_store %arg16[%parallel_loop3A_253, %parallel_loop3A_254], %parallel_loop3A_257 {strides = array<i32>} : memref<40x128xf32, #tpu.memory_space<vmem>>, vector<1x16xf32>,
        %parallel_loop3A_258 = arith.index_cast %parallel_loop3A_102 : i32 to index
        %parallel_loop3A_259 = arith.constant 80 : index
        %parallel_loop3A_260 = tpu.vector_load %arg14[%parallel_loop3A_258, %parallel_loop3A_259] {strides = array<i32>} : memref<40x256xf32, #tpu.memory_space<vmem>>, vector<1x16xf32>,
        %parallel_loop3A_261 = vector.shape_cast %parallel_loop3A_260 : vector<1x16xf32> to vector<16xf32>
        %parallel_loop3A_262 = arith.index_cast %parallel_loop3A_102 : i32 to index
        %parallel_loop3A_263 = arith.constant 208 : index
        %parallel_loop3A_264 = tpu.vector_load %arg14[%parallel_loop3A_262, %parallel_loop3A_263] {strides = array<i32>} : memref<40x256xf32, #tpu.memory_space<vmem>>, vector<1x16xf32>,
        %parallel_loop3A_265 = vector.shape_cast %parallel_loop3A_264 : vector<1x16xf32> to vector<16xf32>
        %parallel_loop3A_266 = arith.index_cast %parallel_loop3A_102 : i32 to index
        %parallel_loop3A_267 = arith.constant 80 : index
        %parallel_loop3A_268 = tpu.vector_load %arg16[%parallel_loop3A_266, %parallel_loop3A_267] {strides = array<i32>} : memref<40x128xf32, #tpu.memory_space<vmem>>, vector<1x16xf32>,
        %parallel_loop3A_269 = vector.shape_cast %parallel_loop3A_268 : vector<1x16xf32> to vector<16xf32>
        %parallel_loop3A_270 = arith.addf %parallel_loop3A_265, %parallel_loop3A_269 : vector<16xf32>
        %parallel_loop3A_271 = arith.index_cast %parallel_loop3A_102 : i32 to index
        %parallel_loop3A_272 = arith.constant 80 : index
        %parallel_loop3A_273 = tpu.vector_load %arg18[%parallel_loop3A_271, %parallel_loop3A_272] {strides = array<i32>} : memref<40x128xf32, #tpu.memory_space<vmem>>, vector<1x16xf32>,
        %parallel_loop3A_274 = vector.shape_cast %parallel_loop3A_273 : vector<1x16xf32> to vector<16xf32>
        %parallel_loop3A_275 = arith.addf %parallel_loop3A_270, %parallel_loop3A_274 : vector<16xf32>
        %parallel_loop3A_276 = arith.constant 0.000000e+00 : f32
        %parallel_loop3A_277 = vector.broadcast %parallel_loop3A_276 : f32 to vector<16xf32>
        %parallel_loop3A_278 = arith.subf %parallel_loop3A_277, %parallel_loop3A_275 : vector<16xf32>
        %parallel_loop3A_279 = math.exp %parallel_loop3A_278 : vector<16xf32>
        %parallel_loop3A_280 = arith.constant 1.000000e+00 : f32
        %parallel_loop3A_281 = vector.broadcast %parallel_loop3A_280 : f32 to vector<16xf32>
        %parallel_loop3A_282 = arith.addf %parallel_loop3A_281, %parallel_loop3A_279 : vector<16xf32>
        %parallel_loop3A_283 = arith.divf %parallel_loop3A_261, %parallel_loop3A_282 : vector<16xf32>
        %parallel_loop3A_284 = arith.index_cast %parallel_loop3A_102 : i32 to index
        %parallel_loop3A_285 = arith.constant 80 : index
        %parallel_loop3A_286 = tpu.vector_load %arg16[%parallel_loop3A_284, %parallel_loop3A_285] {strides = array<i32>} : memref<40x128xf32, #tpu.memory_space<vmem>>, vector<1x16xf32>,
        %parallel_loop3A_287 = vector.shape_cast %parallel_loop3A_286 : vector<1x16xf32> to vector<16xf32>
        %parallel_loop3A_288 = vector.shape_cast %parallel_loop3A_283 : vector<16xf32> to vector<1x16xf32>
        tpu.vector_store %arg16[%parallel_loop3A_284, %parallel_loop3A_285], %parallel_loop3A_288 {strides = array<i32>} : memref<40x128xf32, #tpu.memory_space<vmem>>, vector<1x16xf32>,
        %parallel_loop3A_289 = arith.index_cast %parallel_loop3A_102 : i32 to index
        %parallel_loop3A_290 = arith.constant 96 : index
        %parallel_loop3A_291 = tpu.vector_load %arg14[%parallel_loop3A_289, %parallel_loop3A_290] {strides = array<i32>} : memref<40x256xf32, #tpu.memory_space<vmem>>, vector<1x16xf32>,
        %parallel_loop3A_292 = vector.shape_cast %parallel_loop3A_291 : vector<1x16xf32> to vector<16xf32>
        %parallel_loop3A_293 = arith.index_cast %parallel_loop3A_102 : i32 to index
        %parallel_loop3A_294 = arith.constant 224 : index
        %parallel_loop3A_295 = tpu.vector_load %arg14[%parallel_loop3A_293, %parallel_loop3A_294] {strides = array<i32>} : memref<40x256xf32, #tpu.memory_space<vmem>>, vector<1x16xf32>,
        %parallel_loop3A_296 = vector.shape_cast %parallel_loop3A_295 : vector<1x16xf32> to vector<16xf32>
        %parallel_loop3A_297 = arith.index_cast %parallel_loop3A_102 : i32 to index
        %parallel_loop3A_298 = arith.constant 96 : index
        %parallel_loop3A_299 = tpu.vector_load %arg16[%parallel_loop3A_297, %parallel_loop3A_298] {strides = array<i32>} : memref<40x128xf32, #tpu.memory_space<vmem>>, vector<1x16xf32>,
        %parallel_loop3A_300 = vector.shape_cast %parallel_loop3A_299 : vector<1x16xf32> to vector<16xf32>
        %parallel_loop3A_301 = arith.addf %parallel_loop3A_296, %parallel_loop3A_300 : vector<16xf32>
        %parallel_loop3A_302 = arith.index_cast %parallel_loop3A_102 : i32 to index
        %parallel_loop3A_303 = arith.constant 96 : index
        %parallel_loop3A_304 = tpu.vector_load %arg18[%parallel_loop3A_302, %parallel_loop3A_303] {strides = array<i32>} : memref<40x128xf32, #tpu.memory_space<vmem>>, vector<1x16xf32>,
        %parallel_loop3A_305 = vector.shape_cast %parallel_loop3A_304 : vector<1x16xf32> to vector<16xf32>
        %parallel_loop3A_306 = arith.addf %parallel_loop3A_301, %parallel_loop3A_305 : vector<16xf32>
        %parallel_loop3A_307 = arith.constant 0.000000e+00 : f32
        %parallel_loop3A_308 = vector.broadcast %parallel_loop3A_307 : f32 to vector<16xf32>
        %parallel_loop3A_309 = arith.subf %parallel_loop3A_308, %parallel_loop3A_306 : vector<16xf32>
        %parallel_loop3A_310 = math.exp %parallel_loop3A_309 : vector<16xf32>
        %parallel_loop3A_311 = arith.constant 1.000000e+00 : f32
        %parallel_loop3A_312 = vector.broadcast %parallel_loop3A_311 : f32 to vector<16xf32>
        %parallel_loop3A_313 = arith.addf %parallel_loop3A_312, %parallel_loop3A_310 : vector<16xf32>
        %parallel_loop3A_314 = arith.divf %parallel_loop3A_292, %parallel_loop3A_313 : vector<16xf32>
        %parallel_loop3A_315 = arith.index_cast %parallel_loop3A_102 : i32 to index
        %parallel_loop3A_316 = arith.constant 96 : index
        %parallel_loop3A_317 = tpu.vector_load %arg16[%parallel_loop3A_315, %parallel_loop3A_316] {strides = array<i32>} : memref<40x128xf32, #tpu.memory_space<vmem>>, vector<1x16xf32>,
        %parallel_loop3A_318 = vector.shape_cast %parallel_loop3A_317 : vector<1x16xf32> to vector<16xf32>
        %parallel_loop3A_319 = vector.shape_cast %parallel_loop3A_314 : vector<16xf32> to vector<1x16xf32>
        tpu.vector_store %arg16[%parallel_loop3A_315, %parallel_loop3A_316], %parallel_loop3A_319 {strides = array<i32>} : memref<40x128xf32, #tpu.memory_space<vmem>>, vector<1x16xf32>,
        %parallel_loop3A_320 = arith.index_cast %parallel_loop3A_102 : i32 to index
        %parallel_loop3A_321 = arith.constant 112 : index
        %parallel_loop3A_322 = tpu.vector_load %arg14[%parallel_loop3A_320, %parallel_loop3A_321] {strides = array<i32>} : memref<40x256xf32, #tpu.memory_space<vmem>>, vector<1x16xf32>,
        %parallel_loop3A_323 = vector.shape_cast %parallel_loop3A_322 : vector<1x16xf32> to vector<16xf32>
        %parallel_loop3A_324 = arith.index_cast %parallel_loop3A_102 : i32 to index
        %parallel_loop3A_325 = arith.constant 240 : index
        %parallel_loop3A_326 = tpu.vector_load %arg14[%parallel_loop3A_324, %parallel_loop3A_325] {strides = array<i32>} : memref<40x256xf32, #tpu.memory_space<vmem>>, vector<1x16xf32>,
        %parallel_loop3A_327 = vector.shape_cast %parallel_loop3A_326 : vector<1x16xf32> to vector<16xf32>
        %parallel_loop3A_328 = arith.index_cast %parallel_loop3A_102 : i32 to index
        %parallel_loop3A_329 = arith.constant 112 : index
        %parallel_loop3A_330 = tpu.vector_load %arg16[%parallel_loop3A_328, %parallel_loop3A_329] {strides = array<i32>} : memref<40x128xf32, #tpu.memory_space<vmem>>, vector<1x16xf32>,
        %parallel_loop3A_331 = vector.shape_cast %parallel_loop3A_330 : vector<1x16xf32> to vector<16xf32>
        %parallel_loop3A_332 = arith.addf %parallel_loop3A_327, %parallel_loop3A_331 : vector<16xf32>
        %parallel_loop3A_333 = arith.index_cast %parallel_loop3A_102 : i32 to index
        %parallel_loop3A_334 = arith.constant 112 : index
        %parallel_loop3A_335 = tpu.vector_load %arg18[%parallel_loop3A_333, %parallel_loop3A_334] {strides = array<i32>} : memref<40x128xf32, #tpu.memory_space<vmem>>, vector<1x16xf32>,
        %parallel_loop3A_336 = vector.shape_cast %parallel_loop3A_335 : vector<1x16xf32> to vector<16xf32>
        %parallel_loop3A_337 = arith.addf %parallel_loop3A_332, %parallel_loop3A_336 : vector<16xf32>
        %parallel_loop3A_338 = arith.constant 0.000000e+00 : f32
        %parallel_loop3A_339 = vector.broadcast %parallel_loop3A_338 : f32 to vector<16xf32>
        %parallel_loop3A_340 = arith.subf %parallel_loop3A_339, %parallel_loop3A_337 : vector<16xf32>
        %parallel_loop3A_341 = math.exp %parallel_loop3A_340 : vector<16xf32>
        %parallel_loop3A_342 = arith.constant 1.000000e+00 : f32
        %parallel_loop3A_343 = vector.broadcast %parallel_loop3A_342 : f32 to vector<16xf32>
        %parallel_loop3A_344 = arith.addf %parallel_loop3A_343, %parallel_loop3A_341 : vector<16xf32>
        %parallel_loop3A_345 = arith.divf %parallel_loop3A_323, %parallel_loop3A_344 : vector<16xf32>
        %parallel_loop3A_346 = arith.index_cast %parallel_loop3A_102 : i32 to index
        %parallel_loop3A_347 = arith.constant 112 : index
        %parallel_loop3A_348 = tpu.vector_load %arg16[%parallel_loop3A_346, %parallel_loop3A_347] {strides = array<i32>} : memref<40x128xf32, #tpu.memory_space<vmem>>, vector<1x16xf32>,
        %parallel_loop3A_349 = vector.shape_cast %parallel_loop3A_348 : vector<1x16xf32> to vector<16xf32>
        %parallel_loop3A_350 = vector.shape_cast %parallel_loop3A_345 : vector<16xf32> to vector<1x16xf32>
        tpu.vector_store %arg16[%parallel_loop3A_346, %parallel_loop3A_347], %parallel_loop3A_350 {strides = array<i32>} : memref<40x128xf32, #tpu.memory_space<vmem>>, vector<1x16xf32>,
      } {sc.loop_unroll_factor = 2 : i64, sc.parallel_access}
      "tpu.region"() ({
        %run_scoped3A = tpu.sem_alloc : memref<!tpu.dma_semaphore, #tpu.memory_space<semaphore_mem>>
        %dma_start3A_102 = arith.constant 0 : i32
        %dma_start3A_103 = arith.constant 0 : i32
        %dma_start3A_104 = tpu.memref_slice %arg19[%dma_start3A_102, %dma_start3A_103] : memref<10240x128xf32, #tpu.memory_space<vmem_shared>> -> memref<10240x128xf32, #tpu.memory_space<vmem_shared>>
        tpu.enqueue_indirect_dma source(%arg16 : memref<40x128xf32, #tpu.memory_space<vmem>>) target(%dma_start3A_104 : memref<10240x128xf32, #tpu.memory_space<vmem_shared>>) offsets(%arg12 : memref<40xi32, #tpu.memory_space<vmem>>) semaphore(%run_scoped3A : memref<!tpu.dma_semaphore, #tpu.memory_space<semaphore_mem>>) {add = true}
        %dma_wait3A_105 = arith.constant 0 : i32
        %dma_wait3A_106 = arith.constant 0 : i32
        %dma_wait3A_107 = tpu.memref_slice %arg19[%dma_wait3A_105, %dma_wait3A_106] : memref<10240x128xf32, #tpu.memory_space<vmem_shared>> -> memref<10240x128xf32, #tpu.memory_space<vmem_shared>>
        tpu.wait_indirect_dma semaphore(%run_scoped3A : memref<!tpu.dma_semaphore, #tpu.memory_space<semaphore_mem>>) src(%arg16 : memref<40x128xf32, #tpu.memory_space<vmem>>) dst(%dma_wait3A_107 : memref<10240x128xf32, #tpu.memory_space<vmem_shared>>)
        tpu.yield
      }) : () -> ()
      %add3A_95 = arith.constant 2 : i32
      %add3A_96 = arith.addi %add3A_72, %add3A_95 : i32
      %lt3A_97 = arith.constant 250 : i32
      %lt3A_98 = arith.cmpi slt, %add3A_96, %lt3A_97 : i32
      %convert_element_type3A_99 = arith.extui %lt3A_98 : i1 to i32
      %cond3A_100 = arith.constant 0 : i32
      %cond3A_101 = arith.cmpi ne, %convert_element_type3A_99, %cond3A_100 : i32
      scf.if %cond3A_101 {
        %add3A_102 = arith.constant 2 : i32
        %add3A_103 = arith.addi %add3A_72, %add3A_102 : i32
        %mul3A_104 = arith.constant 40 : i32
        %mul3A_105 = arith.muli %add3A_103, %mul3A_104 : i32
        %add3A_106 = arith.addi %mul3A_2, %mul3A_105 : i32
        %dma_start3A_107 = tpu.memref_slice %arg5[%add3A_106] : memref<320000xi32, #tpu.memory_space<hbm>> -> memref<40xi32, #tpu.memory_space<hbm>>
        %dma_start3A_108 = tpu.memref_slice %arg5[%add3A_106] : memref<320000xi32, #tpu.memory_space<hbm>> -> memref<40xi32, #tpu.memory_space<hbm>>
        tpu.enqueue_dma source(%dma_start3A_108 : memref<40xi32, #tpu.memory_space<hbm>>) target(%arg10 : memref<40xi32, #tpu.memory_space<vmem>>) target_semaphore(%arg21 : memref<!tpu.dma_semaphore, #tpu.memory_space<semaphore_mem>>)
        %dma_start3A_109 = tpu.memref_slice %arg6[%add3A_106] : memref<320000xi32, #tpu.memory_space<hbm>> -> memref<40xi32, #tpu.memory_space<hbm>>
        %dma_start3A_110 = tpu.memref_slice %arg6[%add3A_106] : memref<320000xi32, #tpu.memory_space<hbm>> -> memref<40xi32, #tpu.memory_space<hbm>>
        tpu.enqueue_dma source(%dma_start3A_110 : memref<40xi32, #tpu.memory_space<hbm>>) target(%arg12 : memref<40xi32, #tpu.memory_space<vmem>>) target_semaphore(%arg21 : memref<!tpu.dma_semaphore, #tpu.memory_space<semaphore_mem>>)
      } else {
      }
    }
    %scan3A_39 = arith.constant 125 : i32
    %barrier3A_40 = arith.constant 0 : index
    tpu.barrier barrier_id(%barrier3A_40)
    "tpu.region"() ({
      %run_scoped3A = tpu.sem_alloc : memref<!tpu.dma_semaphore, #tpu.memory_space<semaphore_mem>>
      %dma_start3A_41 = arith.constant 0 : i32
      %dma_start3A_42 = tpu.memref_slice %arg8[%arg0, %mul3A_4, %dma_start3A_41] : memref<2x10240x128xf32, #tpu.memory_space<hbm>> -> memref<1x640x128xf32, #tpu.memory_space<hbm>>
      %dma_start3A_43 = tpu.memref_squeeze %dma_start3A_42 : memref<1x640x128xf32, #tpu.memory_space<hbm>> -> memref<640x128xf32, #tpu.memory_space<hbm>>
      %dma_start3A_44 = arith.constant 0 : i32
      %dma_start3A_45 = tpu.memref_slice %arg19[%mul3A_4, %dma_start3A_44] : memref<10240x128xf32, #tpu.memory_space<vmem_shared>> -> memref<640x128xf32, #tpu.memory_space<vmem_shared>>
      tpu.enqueue_dma source(%dma_start3A_45 : memref<640x128xf32, #tpu.memory_space<vmem_shared>>) target(%dma_start3A_43 : memref<640x128xf32, #tpu.memory_space<hbm>>) target_semaphore(%run_scoped3A : memref<!tpu.dma_semaphore, #tpu.memory_space<semaphore_mem>>)
      %dma_wait3A_46 = arith.constant 0 : i32
      %dma_wait3A_47 = tpu.memref_slice %arg8[%arg0, %mul3A_4, %dma_wait3A_46] : memref<2x10240x128xf32, #tpu.memory_space<hbm>> -> memref<1x640x128xf32, #tpu.memory_space<hbm>>
      %dma_wait3A_48 = tpu.memref_squeeze %dma_wait3A_47 : memref<1x640x128xf32, #tpu.memory_space<hbm>> -> memref<640x128xf32, #tpu.memory_space<hbm>>
      %dma_wait3A_49 = arith.constant 0 : i32
      %dma_wait3A_50 = tpu.memref_slice %arg19[%mul3A_4, %dma_wait3A_49] : memref<10240x128xf32, #tpu.memory_space<vmem_shared>> -> memref<640x128xf32, #tpu.memory_space<vmem_shared>>
      tpu.wait_dma2 semaphore(%run_scoped3A : memref<!tpu.dma_semaphore, #tpu.memory_space<semaphore_mem>>) src(%dma_wait3A_50 : memref<640x128xf32, #tpu.memory_space<vmem_shared>>) dst(%dma_wait3A_48 : memref<640x128xf32, #tpu.memory_space<hbm>>)
      tpu.yield
    }) : () -> ()
    return
  }
}

module attributes {stable_mosaic.version = 14 : i64} {
  func.func @_tables_body(%arg0: i32, %arg1: memref<2000x128xf32, #tpu.memory_space<vmem>>, %arg2: memref<128x256xf32, #tpu.memory_space<vmem>>, %arg3: memref<1x256xf32, #tpu.memory_space<vmem>>, %arg4: memref<128x128xf32, #tpu.memory_space<vmem>>, %arg5: memref<1x128xf32, #tpu.memory_space<vmem>>, %arg6: memref<128x128xf32, #tpu.memory_space<vmem>>, %arg7: memref<1x128xf32, #tpu.memory_space<vmem>>, %arg8: memref<2000x256xf32, #tpu.memory_space<vmem>>, %arg9: memref<2000x128xf32, #tpu.memory_space<vmem>>, %arg10: memref<2000x128xf32, #tpu.memory_space<vmem>>) attributes {dimension_semantics = [#tpu.dimension_semantics<arbitrary>], iteration_bounds = array<i64: 5>, scalar_prefetch = 0 : i64, scratch_operands = 0 : i64, tpu.core_type = #tpu.core_type<tc>, window_params = [{transform_indices = @transform_0, window_bounds = array<i64: 2000, 128>}, {pipeline_mode = #tpu.pipeline_mode<synchronous>, transform_indices = @transform_1, window_bounds = array<i64: 128, 256>}, {pipeline_mode = #tpu.pipeline_mode<synchronous>, transform_indices = @transform_2, window_bounds = array<i64: 1, 256>}, {pipeline_mode = #tpu.pipeline_mode<synchronous>, transform_indices = @transform_3, window_bounds = array<i64: 128, 128>}, {pipeline_mode = #tpu.pipeline_mode<synchronous>, transform_indices = @transform_4, window_bounds = array<i64: 1, 128>}, {pipeline_mode = #tpu.pipeline_mode<synchronous>, transform_indices = @transform_5, window_bounds = array<i64: 128, 128>}, {pipeline_mode = #tpu.pipeline_mode<synchronous>, transform_indices = @transform_6, window_bounds = array<i64: 1, 128>}, {transform_indices = @transform_7, window_bounds = array<i64: 2000, 256>}, {transform_indices = @transform_8, window_bounds = array<i64: 2000, 128>}, {transform_indices = @transform_9, window_bounds = array<i64: 2000, 128>}]} {
    %get3A = arith.constant 0 : index
    %get3A_0 = arith.constant 0 : index
    %get3A_1 = vector.load %arg1[%get3A, %get3A_0] : memref<2000x128xf32, #tpu.memory_space<vmem>>, vector<2000x128xf32>
    %get3A_2 = arith.constant 0 : index
    %get3A_3 = arith.constant 0 : index
    %get3A_4 = vector.load %arg2[%get3A_2, %get3A_3] : memref<128x256xf32, #tpu.memory_space<vmem>>, vector<128x256xf32>
    %dot_general3A = arith.constant dense<0.000000e+00> : vector<2000x256xf32>
    %dot_general3A_5 = tpu.matmul %get3A_1, %get3A_4, %dot_general3A {dimension_numbers = #tpu.dot_dimension_numbers<[1], [0], [0], [1], [0, 0, 1, 1], [], []>, transpose_lhs_hint = false} : vector<2000x128xf32>, vector<128x256xf32>, vector<2000x256xf32> -> vector<2000x256xf32>
    %get3A_6 = arith.constant 0 : index
    %get3A_7 = arith.constant 0 : index
    %get3A_8 = vector.load %arg3[%get3A_6, %get3A_7] : memref<1x256xf32, #tpu.memory_space<vmem>>, vector<1x256xf32>
    %add3A = vector.broadcast %get3A_8 : vector<1x256xf32> to vector<2000x256xf32>
    %add3A_9 = arith.addf %dot_general3A_5, %add3A : vector<2000x256xf32>
    %swap3A = arith.constant 0 : index
    %swap3A_10 = arith.constant 0 : index
    %swap3A_11 = vector.load %arg8[%swap3A, %swap3A_10] : memref<2000x256xf32, #tpu.memory_space<vmem>>, vector<2000x256xf32>
    tpu.vector_store %arg8[%swap3A, %swap3A_10], %add3A_9 {strides = array<i32>} : memref<2000x256xf32, #tpu.memory_space<vmem>>, vector<2000x256xf32>,
    %get3A_12 = arith.constant 0 : index
    %get3A_13 = arith.constant 0 : index
    %get3A_14 = vector.load %arg4[%get3A_12, %get3A_13] : memref<128x128xf32, #tpu.memory_space<vmem>>, vector<128x128xf32>
    %dot_general3A_15 = arith.constant dense<0.000000e+00> : vector<2000x128xf32>
    %dot_general3A_16 = tpu.matmul %get3A_1, %get3A_14, %dot_general3A_15 {dimension_numbers = #tpu.dot_dimension_numbers<[1], [0], [0], [1], [0, 0, 1, 1], [], []>, transpose_lhs_hint = false} : vector<2000x128xf32>, vector<128x128xf32>, vector<2000x128xf32> -> vector<2000x128xf32>
    %get3A_17 = arith.constant 0 : index
    %get3A_18 = arith.constant 0 : index
    %get3A_19 = vector.load %arg5[%get3A_17, %get3A_18] : memref<1x128xf32, #tpu.memory_space<vmem>>, vector<1x128xf32>
    %add3A_20 = vector.broadcast %get3A_19 : vector<1x128xf32> to vector<2000x128xf32>
    %add3A_21 = arith.addf %dot_general3A_16, %add3A_20 : vector<2000x128xf32>
    %swap3A_22 = arith.constant 0 : index
    %swap3A_23 = arith.constant 0 : index
    %swap3A_24 = vector.load %arg9[%swap3A_22, %swap3A_23] : memref<2000x128xf32, #tpu.memory_space<vmem>>, vector<2000x128xf32>
    tpu.vector_store %arg9[%swap3A_22, %swap3A_23], %add3A_21 {strides = array<i32>} : memref<2000x128xf32, #tpu.memory_space<vmem>>, vector<2000x128xf32>,
    %get3A_25 = arith.constant 0 : index
    %get3A_26 = arith.constant 0 : index
    %get3A_27 = vector.load %arg6[%get3A_25, %get3A_26] : memref<128x128xf32, #tpu.memory_space<vmem>>, vector<128x128xf32>
    %dot_general3A_28 = arith.constant dense<0.000000e+00> : vector<2000x128xf32>
    %dot_general3A_29 = tpu.matmul %get3A_1, %get3A_27, %dot_general3A_28 {dimension_numbers = #tpu.dot_dimension_numbers<[1], [0], [0], [1], [0, 0, 1, 1], [], []>, transpose_lhs_hint = false} : vector<2000x128xf32>, vector<128x128xf32>, vector<2000x128xf32> -> vector<2000x128xf32>
    %get3A_30 = arith.constant 0 : index
    %get3A_31 = arith.constant 0 : index
    %get3A_32 = vector.load %arg7[%get3A_30, %get3A_31] : memref<1x128xf32, #tpu.memory_space<vmem>>, vector<1x128xf32>
    %add3A_33 = vector.broadcast %get3A_32 : vector<1x128xf32> to vector<2000x128xf32>
    %add3A_34 = arith.addf %dot_general3A_29, %add3A_33 : vector<2000x128xf32>
    %swap3A_35 = arith.constant 0 : index
    %swap3A_36 = arith.constant 0 : index
    %swap3A_37 = vector.load %arg10[%swap3A_35, %swap3A_36] : memref<2000x128xf32, #tpu.memory_space<vmem>>, vector<2000x128xf32>
    tpu.vector_store %arg10[%swap3A_35, %swap3A_36], %add3A_34 {strides = array<i32>} : memref<2000x128xf32, #tpu.memory_space<vmem>>, vector<2000x128xf32>,
    return
  }
  func.func @transform_0(%arg0: i32) -> (i32, i32) {
    %c0_i32 = arith.constant 0 : i32
    %c0_i32_0 = arith.constant 0 : i32
    return %arg0, %c0_i32 : i32, i32
  }
  func.func @transform_1(%arg0: i32) -> (i32, i32) {
    %c0_i32 = arith.constant 0 : i32
    %c0_i32_0 = arith.constant 0 : i32
    %c0_i32_1 = arith.constant 0 : i32
    return %c0_i32, %c0_i32_0 : i32, i32
  }
  func.func @transform_2(%arg0: i32) -> (i32, i32) {
    %c0_i32 = arith.constant 0 : i32
    %c0_i32_0 = arith.constant 0 : i32
    %c0_i32_1 = arith.constant 0 : i32
    return %c0_i32, %c0_i32_0 : i32, i32
  }
  func.func @transform_3(%arg0: i32) -> (i32, i32) {
    %c0_i32 = arith.constant 0 : i32
    %c0_i32_0 = arith.constant 0 : i32
    %c0_i32_1 = arith.constant 0 : i32
    return %c0_i32, %c0_i32_0 : i32, i32
  }
  func.func @transform_4(%arg0: i32) -> (i32, i32) {
    %c0_i32 = arith.constant 0 : i32
    %c0_i32_0 = arith.constant 0 : i32
    %c0_i32_1 = arith.constant 0 : i32
    return %c0_i32, %c0_i32_0 : i32, i32
  }
  func.func @transform_5(%arg0: i32) -> (i32, i32) {
    %c0_i32 = arith.constant 0 : i32
    %c0_i32_0 = arith.constant 0 : i32
    %c0_i32_1 = arith.constant 0 : i32
    return %c0_i32, %c0_i32_0 : i32, i32
  }
  func.func @transform_6(%arg0: i32) -> (i32, i32) {
    %c0_i32 = arith.constant 0 : i32
    %c0_i32_0 = arith.constant 0 : i32
    %c0_i32_1 = arith.constant 0 : i32
    return %c0_i32, %c0_i32_0 : i32, i32
  }
  func.func @transform_7(%arg0: i32) -> (i32, i32) {
    %c0_i32 = arith.constant 0 : i32
    %c0_i32_0 = arith.constant 0 : i32
    return %arg0, %c0_i32 : i32, i32
  }
  func.func @transform_8(%arg0: i32) -> (i32, i32) {
    %c0_i32 = arith.constant 0 : i32
    %c0_i32_0 = arith.constant 0 : i32
    return %arg0, %c0_i32 : i32, i32
  }
  func.func @transform_9(%arg0: i32) -> (i32, i32) {
    %c0_i32 = arith.constant 0 : i32
    %c0_i32_0 = arith.constant 0 : i32
    return %arg0, %c0_i32 : i32, i32
  }
}

module attributes {stable_mosaic.version = 14 : i64} {
  func.func @_ex_body(%arg0: i32, %arg1: memref<10000x16xf32, #tpu.memory_space<vmem>>, %arg2: memref<16x128xf32, #tpu.memory_space<vmem>>, %arg3: memref<1x128xf32, #tpu.memory_space<vmem>>, %arg4: memref<10000x128xf32, #tpu.memory_space<vmem>>) attributes {dimension_semantics = [#tpu.dimension_semantics<arbitrary>], iteration_bounds = array<i64: 32>, scalar_prefetch = 0 : i64, scratch_operands = 0 : i64, tpu.core_type = #tpu.core_type<tc>, window_params = [{transform_indices = @transform_0, window_bounds = array<i64: 10000, 16>}, {pipeline_mode = #tpu.pipeline_mode<synchronous>, transform_indices = @transform_1, window_bounds = array<i64: 16, 128>}, {pipeline_mode = #tpu.pipeline_mode<synchronous>, transform_indices = @transform_2, window_bounds = array<i64: 1, 128>}, {transform_indices = @transform_3, window_bounds = array<i64: 10000, 128>}]} {
    %get3A = arith.constant 0 : index
    %get3A_0 = arith.constant 0 : index
    %get3A_1 = vector.load %arg1[%get3A, %get3A_0] : memref<10000x16xf32, #tpu.memory_space<vmem>>, vector<10000x16xf32>
    %get3A_2 = arith.constant 0 : index
    %get3A_3 = arith.constant 0 : index
    %get3A_4 = vector.load %arg2[%get3A_2, %get3A_3] : memref<16x128xf32, #tpu.memory_space<vmem>>, vector<16x128xf32>
    %dot_general3A = arith.constant dense<0.000000e+00> : vector<10000x128xf32>
    %dot_general3A_5 = tpu.matmul %get3A_1, %get3A_4, %dot_general3A {dimension_numbers = #tpu.dot_dimension_numbers<[1], [0], [0], [1], [0, 0, 1, 1], [], []>, transpose_lhs_hint = false} : vector<10000x16xf32>, vector<16x128xf32>, vector<10000x128xf32> -> vector<10000x128xf32>
    %get3A_6 = arith.constant 0 : index
    %get3A_7 = arith.constant 0 : index
    %get3A_8 = vector.load %arg3[%get3A_6, %get3A_7] : memref<1x128xf32, #tpu.memory_space<vmem>>, vector<1x128xf32>
    %add3A = vector.broadcast %get3A_8 : vector<1x128xf32> to vector<10000x128xf32>
    %add3A_9 = arith.addf %dot_general3A_5, %add3A : vector<10000x128xf32>
    %swap3A = arith.constant 0 : index
    %swap3A_10 = arith.constant 0 : index
    %swap3A_11 = vector.load %arg4[%swap3A, %swap3A_10] : memref<10000x128xf32, #tpu.memory_space<vmem>>, vector<10000x128xf32>
    tpu.vector_store %arg4[%swap3A, %swap3A_10], %add3A_9 {strides = array<i32>} : memref<10000x128xf32, #tpu.memory_space<vmem>>, vector<10000x128xf32>,
    return
  }
  func.func @transform_0(%arg0: i32) -> (i32, i32) {
    %c0_i32 = arith.constant 0 : i32
    %c0_i32_0 = arith.constant 0 : i32
    return %arg0, %c0_i32 : i32, i32
  }
  func.func @transform_1(%arg0: i32) -> (i32, i32) {
    %c0_i32 = arith.constant 0 : i32
    %c0_i32_0 = arith.constant 0 : i32
    %c0_i32_1 = arith.constant 0 : i32
    return %c0_i32, %c0_i32_0 : i32, i32
  }
  func.func @transform_2(%arg0: i32) -> (i32, i32) {
    %c0_i32 = arith.constant 0 : i32
    %c0_i32_0 = arith.constant 0 : i32
    %c0_i32_1 = arith.constant 0 : i32
    return %c0_i32, %c0_i32_0 : i32, i32
  }
  func.func @transform_3(%arg0: i32) -> (i32, i32) {
    %c0_i32 = arith.constant 0 : i32
    %c0_i32_0 = arith.constant 0 : i32
    return %arg0, %c0_i32 : i32, i32
  }
}

module attributes {stable_mosaic.version = 14 : i64} {
  func.func @_final_body(%arg0: memref<2x10240x128xf32, #tpu.memory_space<vmem>>, %arg1: memref<10000x128xf32, #tpu.memory_space<vmem>>, %arg2: memref<10000x128xf32, #tpu.memory_space<vmem>>, %arg3: memref<1x128xf32, #tpu.memory_space<vmem>>, %arg4: memref<1x128xf32, #tpu.memory_space<vmem>>, %arg5: memref<10000x128xf32, #tpu.memory_space<vmem>>) attributes {dimension_semantics = [], scalar_prefetch = 0 : i64, scratch_operands = 0 : i64, tpu.core_type = #tpu.core_type<tc>} {
    %get3A = arith.constant 0 : index
    %get3A_0 = arith.constant 0 : index
    %get3A_1 = arith.constant 0 : index
    %get3A_2 = vector.load %arg0[%get3A, %get3A_0, %get3A_1] : memref<2x10240x128xf32, #tpu.memory_space<vmem>>, vector<1x10000x128xf32>
    %get3A_3 = vector.shape_cast %get3A_2 : vector<1x10000x128xf32> to vector<10000x128xf32>
    %get3A_4 = arith.constant 1 : index
    %get3A_5 = arith.constant 0 : index
    %get3A_6 = arith.constant 0 : index
    %get3A_7 = vector.load %arg0[%get3A_4, %get3A_5, %get3A_6] : memref<2x10240x128xf32, #tpu.memory_space<vmem>>, vector<1x10000x128xf32>
    %get3A_8 = vector.shape_cast %get3A_7 : vector<1x10000x128xf32> to vector<10000x128xf32>
    %add3A = arith.addf %get3A_3, %get3A_8 : vector<10000x128xf32>
    %get3A_9 = arith.constant 0 : index
    %get3A_10 = arith.constant 0 : index
    %get3A_11 = vector.load %arg1[%get3A_9, %get3A_10] : memref<10000x128xf32, #tpu.memory_space<vmem>>, vector<10000x128xf32>
    %logistic3A = arith.negf %get3A_11 : vector<10000x128xf32>
    %logistic3A_12 = math.exp %logistic3A : vector<10000x128xf32>
    %logistic3A_13 = arith.constant 1.000000e+00 : f32
    %logistic3A_14 = vector.broadcast %logistic3A_13 : f32 to vector<10000x128xf32>
    %logistic3A_15 = arith.addf %logistic3A_14, %logistic3A_12 : vector<10000x128xf32>
    %logistic3A_16 = arith.divf %logistic3A_14, %logistic3A_15 : vector<10000x128xf32>
    %mul3A = arith.mulf %add3A, %logistic3A_16 : vector<10000x128xf32>
    %get3A_17 = arith.constant 0 : index
    %get3A_18 = arith.constant 0 : index
    %get3A_19 = vector.load %arg2[%get3A_17, %get3A_18] : memref<10000x128xf32, #tpu.memory_space<vmem>>, vector<10000x128xf32>
    %add3A_20 = arith.addf %mul3A, %get3A_19 : vector<10000x128xf32>
    %reduce_sum3A = arith.constant dense<0.000000e+00> : vector<128xf32>
    %reduce_sum3A_21 = vector.multi_reduction <add>, %add3A_20, %reduce_sum3A [0] : vector<10000x128xf32> to vector<128xf32>
    %broadcast_in_dim3A = vector.shape_cast %reduce_sum3A_21 : vector<128xf32> to vector<1x128xf32>
    %div3A = arith.constant 1.000000e+04 : f32
    %div3A_22 = vector.broadcast %div3A : f32 to vector<1x128xf32>
    %div3A_23 = arith.divf %broadcast_in_dim3A, %div3A_22 : vector<1x128xf32>
    %sub3A = vector.broadcast %div3A_23 : vector<1x128xf32> to vector<10000x128xf32>
    %sub3A_24 = arith.subf %add3A_20, %sub3A : vector<10000x128xf32>
    %sub3A_25 = vector.broadcast %div3A_23 : vector<1x128xf32> to vector<10000x128xf32>
    %sub3A_26 = arith.subf %add3A_20, %sub3A_25 : vector<10000x128xf32>
    %mul3A_27 = arith.mulf %sub3A_24, %sub3A_26 : vector<10000x128xf32>
    %reduce_sum3A_28 = arith.constant dense<0.000000e+00> : vector<128xf32>
    %reduce_sum3A_29 = vector.multi_reduction <add>, %mul3A_27, %reduce_sum3A_28 [0] : vector<10000x128xf32> to vector<128xf32>
    %broadcast_in_dim3A_30 = vector.shape_cast %reduce_sum3A_29 : vector<128xf32> to vector<1x128xf32>
    %div3A_31 = arith.constant 1.000000e+04 : f32
    %div3A_32 = vector.broadcast %div3A_31 : f32 to vector<1x128xf32>
    %div3A_33 = arith.divf %broadcast_in_dim3A_30, %div3A_32 : vector<1x128xf32>
    %sub3A_34 = vector.broadcast %div3A_23 : vector<1x128xf32> to vector<10000x128xf32>
    %sub3A_35 = arith.subf %add3A_20, %sub3A_34 : vector<10000x128xf32>
    %add3A_36 = arith.constant 9.99999974E-6 : f32
    %add3A_37 = vector.broadcast %add3A_36 : f32 to vector<1x128xf32>
    %add3A_38 = arith.addf %div3A_33, %add3A_37 : vector<1x128xf32>
    %rsqrt3A = math.rsqrt %add3A_38 : vector<1x128xf32>
    %mul3A_39 = vector.broadcast %rsqrt3A : vector<1x128xf32> to vector<10000x128xf32>
    %mul3A_40 = arith.mulf %sub3A_35, %mul3A_39 : vector<10000x128xf32>
    %get3A_41 = arith.constant 0 : index
    %get3A_42 = arith.constant 0 : index
    %get3A_43 = vector.load %arg3[%get3A_41, %get3A_42] : memref<1x128xf32, #tpu.memory_space<vmem>>, vector<1x128xf32>
    %mul3A_44 = vector.broadcast %get3A_43 : vector<1x128xf32> to vector<10000x128xf32>
    %mul3A_45 = arith.mulf %mul3A_40, %mul3A_44 : vector<10000x128xf32>
    %get3A_46 = arith.constant 0 : index
    %get3A_47 = arith.constant 0 : index
    %get3A_48 = vector.load %arg4[%get3A_46, %get3A_47] : memref<1x128xf32, #tpu.memory_space<vmem>>, vector<1x128xf32>
    %add3A_49 = vector.broadcast %get3A_48 : vector<1x128xf32> to vector<10000x128xf32>
    %add3A_50 = arith.addf %mul3A_45, %add3A_49 : vector<10000x128xf32>
    %max3A = arith.constant 0.000000e+00 : f32
    %max3A_51 = vector.broadcast %max3A : f32 to vector<10000x128xf32>
    %max3A_52 = arith.maximumf %add3A_50, %max3A_51 : vector<10000x128xf32>
    %swap3A = arith.constant 0 : index
    %swap3A_53 = arith.constant 0 : index
    %swap3A_54 = vector.load %arg5[%swap3A, %swap3A_53] : memref<10000x128xf32, #tpu.memory_space<vmem>>, vector<10000x128xf32>
    tpu.vector_store %arg5[%swap3A, %swap3A_53], %max3A_52 {strides = array<i32>} : memref<10000x128xf32, #tpu.memory_space<vmem>>, vector<10000x128xf32>,
    return
  }
}

</mosaic_0001>

<sc_bundles>
// kernel: kernel.6.cloned.1.call-start
scs
__scs_entry_jumppad:
0x0: {  	(pc) =	sbr.rel $0x88, $3  }
0x1: {  	(tag) =	ssettag $0x0;
	lr =	simm.s32 $0x1  }
0x2: {  	[smem:$0x3F92] =	sst lr;
	_ =	strace $0xD0000000  }
0x3: {  	_ = 	snop  }
0x4: {  	_ = 	snop  }
0x5: {  	_ = 	snop  }
0x6: {  	_ = 	snop  }
0x7: {  	_ = 	snop  }
__scs_overlays_trampoline_lowered:
0x8: {  	[smem:$0x3FA1] =	sst s0  }
0x9: {  	[smem:$0x3FA2] =	sst s1  }
0xa: {  	[smem:$0x3FA3] =	sst s2  }
0xb: {  	[smem:$0x3FA4] =	sst s3  }
0xc: {  	[smem:$0x3FA5] =	sst s4  }
0xd: {  	[smem:$0x3FA6] =	sst s5  }
0xe: {  	[smem:$0x3FA7] =	sst s6  }
0xf: {  	[smem:$0x3FA8] =	sst s7  }
0x10: {  	[smem:$0x3FA9] =	sst s8  }
0x11: {  	[smem:$0x3FAA] =	sst s9;
	s0 =	simm.s32 @!p0 $0x0  }
0x12: {  	s1 =	sld [smem:$0x3F90];
	s0 =	simm.s32 @p0 $0x1  }
0x13: {  	[smem:$0x3FAB] =	sst s0;
	s0 =	simm.s32 @!p1 $0x0  }
0x14: {  	s2 =	sld [smem:$0x3F8F];
	s0 =	simm.s32 @p1 $0x1  }
0x15: {  	[smem:$0x3FAC] =	sst s0;
	s0 =	simm.s32 @!p2 $0x0  }
0x16: {  	s3 =	sld [smem:$0x3FDB];
	s0 =	simm.s32 @p2 $0x1  }
0x17: {  	s4 =	simm.s32 $0x1BF5;
	[smem:$0x3FAE] =	sst s0  }
0x18: {  	s0 =	sld [smem:$0x3F91];
	_ =	swait.ge [sflag:s4], $0x0  }
0x19: {  	s7 =	sld [smem:$0x3F92]  }
0x1a: {  	s8 =	sadd.s32 $0xFFFFE003, lr  }
0x1b: {  	s9 =	sadd.s32 $0xFFFFFEF7, lr;
	s5 =	simm.s32 $0xFFFFFFFF;
	p2 =	slt.u32 s8, $0xFFFFF086  }
0x1c: {  	p1 =	slt.u32 s9, $0xF7A;
	s5 =	simm.s32 @!p2 $0x0  }
0x1d: {  	s5 =	simm.s32 @p1 $0x1;
	p0 =	seq.s32 s7, s2  }
0x1e: {  	s7 =	smul.u32 @!p0 $0xF7A, s2;
	p2 =	seq.s32 @!p0 s5, $0x0  }
0x1f: {  	s9 =	smul.u32 $0xF7A, s1;
	s8 =	simm.s32 @!p0 $0x1BF5;
	p2 =	por !p2, p0  }
0x20: {  	[sflag:s8] =	ssyncset.s32 @!p0 $0xFFFFF086;
	s6 =	sadd.s32 @!p0 s3, s7;
	s7 =	simm.s32 @!p0 $0x108  }
0x21: {  	s3 =	sadd.s32 s3, s9;
	s6 =	sadd.s32 @!p0 $0x88, s6;
	s7 =	simm.s32 @p2 $0x1082  }
0x22: {  	[simem:s7], [sflag:s8] =	dma.local @!p0 [hbm:s6], $0xF7A  }
0x23: {  	s9 =	sor.u32 $0xD0000000, s2;
	s6 =	simm.s32 $0x108;
	_ =	swait.ge @!p0 [sflag:s8], $0x0  }
0x24: {  	s3 =	sadd.s32 $0x88, s3;
	s6 =	simm.s32 @!p1 $0x1082;
	[sflag:s4] =	ssyncset.s32 $0xFFFFF086  }
0x25: {  	[simem:s6], [sflag:s4] =	dma.local [hbm:s3], $0xF7A  }
0x26: {  	[smem:$0x3F92] =	sst s1;
	(tag) =	ssettag s2;
	_ =	strace s9  }
0x27: {  	s1 =	sld [smem:$0x3FA2]  }
0x28: {  	s2 =	sld [smem:$0x3FA3]  }
0x29: {  	s4 =	sld [smem:$0x3FA5]  }
0x2a: {  	p0 =	seq.s32 s5, $0x0;
	s5 =	sld [smem:$0x3FA6]  }
0x2b: {  	s6 =	sld [smem:$0x3FA7]  }
0x2c: {  	s7 =	sld [smem:$0x3FA8]  }
0x2d: {  	s3 =	simm.s32 $0x108;
	s8 =	sld [smem:$0x3FA9]  }
0x2e: {  	s3 =	simm.s32 @!p0 $0x1082;
	s9 =	sld [smem:$0x3FAA]  }
0x2f: {  	lr =	sadd.s32 s0, s3;
	s0 =	sld [smem:$0x3FA1]  }
0x30: {  	s3 =	sld [smem:$0x3FA4]  }
0x31: {  	[smem:$0x3FAD] =	sst s10  }
0x32: {  	s10 =	sld [smem:$0x3FAB];
	_ =	sdelay $0x3  }
0x33: {  	p0 =	seq.s32 s10, $0x1;
	s10 =	sld [smem:$0x3FAD];
	_ =	sdelay $0x3  }
0x34: {  	[smem:$0x3FAD] =	sst s10  }
0x35: {  	s10 =	sld [smem:$0x3FAC];
	_ =	sdelay $0x3  }
0x36: {  	p1 =	seq.s32 s10, $0x1;
	s10 =	sld [smem:$0x3FAD];
	_ =	sdelay $0x3  }
0x37: {  	[smem:$0x3FAD] =	sst s10  }
0x38: {  	s10 =	sld [smem:$0x3FAE]  }
0x39: {  	_ = 	snop;
	(pc) =	sbr.ind lr, $3  }
0x3a: {  	_ = 	snop  }
0x3b: {  	_ = 	snop  }
0x3c: {  	p2 =	seq.s32 s10, $0x1;
	s10 =	sld [smem:$0x3FAD]  }
0x3d: {  	_ =	shalt  }
0x3e: {  	_ =	shalt  }
0x3f: {  	_ =	shalt  }
0x40: {  	_ =	shalt  }
0x41: {  	_ =	shalt  }
0x42: {  	_ =	shalt  }
0x43: {  	_ =	shalt  }
0x44: {  	_ =	shalt  }
0x45: {  	_ =	shalt  }
0x46: {  	_ =	shalt  }
0x47: {  	_ =	shalt  }
0x48: {  	_ =	shalt  }
0x49: {  	_ =	shalt  }
0x4a: {  	_ =	shalt  }
0x4b: {  	_ =	shalt  }
0x4c: {  	_ =	shalt  }
0x4d: {  	_ =	shalt  }
0x4e: {  	_ =	shalt  }
0x4f: {  	_ =	shalt  }
0x50: {  	_ =	shalt  }
0x51: {  	_ =	shalt  }
0x52: {  	_ =	shalt  }
0x53: {  	_ =	shalt  }
0x54: {  	_ =	shalt  }
0x55: {  	_ =	shalt  }
0x56: {  	_ =	shalt  }
0x57: {  	_ =	shalt  }
0x58: {  	_ =	shalt  }
0x59: {  	_ =	shalt  }
0x5a: {  	_ =	shalt  }
0x5b: {  	_ =	shalt  }
0x5c: {  	_ =	shalt  }
0x5d: {  	_ =	shalt  }
0x5e: {  	_ =	shalt  }
0x5f: {  	_ =	shalt  }
0x60: {  	_ =	shalt  }
0x61: {  	_ =	shalt  }
0x62: {  	_ =	shalt  }
0x63: {  	_ =	shalt  }
0x64: {  	_ =	shalt  }
0x65: {  	_ =	shalt  }
0x66: {  	_ =	shalt  }
0x67: {  	_ =	shalt  }
0x68: {  	_ =	shalt  }
0x69: {  	_ =	shalt  }
0x6a: {  	_ =	shalt  }
0x6b: {  	_ =	shalt  }
0x6c: {  	_ =	shalt  }
0x6d: {  	_ =	shalt  }
0x6e: {  	_ =	shalt  }
0x6f: {  	_ =	shalt  }
0x70: {  	_ =	shalt  }
0x71: {  	_ =	shalt  }
0x72: {  	_ =	shalt  }
0x73: {  	_ =	shalt  }
0x74: {  	_ =	shalt  }
0x75: {  	_ =	shalt  }
0x76: {  	_ =	shalt  }
0x77: {  	_ =	shalt  }
0x78: {  	_ =	shalt  }
0x79: {  	_ =	shalt  }
0x7a: {  	_ =	shalt  }
0x7b: {  	_ =	shalt  }
0x7c: {  	_ =	shalt  }
0x7d: {  	_ =	shalt  }
0x7e: {  	_ =	shalt  }
0x7f: {  	_ =	shalt  }
0x80: {  	_ =	shalt  }
0x81: {  	_ =	shalt  }
0x82: {  	_ =	shalt  }
0x83: {  	_ =	shalt  }
0x84: {  	_ =	shalt  }
0x85: {  	_ =	shalt  }
0x86: {  	_ =	shalt  }
0x87: {  	_ =	shalt  }
.Lfunc_end0:
.L_simem_size_0:
called_computation_lowered:
.L_overlay_start_0:
0x88: {  	s2 =	sld [smem:$0x3FD9]  }
0x89: {  	s3 =	sld [smem:$0x3FFE];
	_ =	sdelay $0x1  }
0x8a: {  	s1 =	srdreg.scid  }
0x8b: {  	s0 =	sand.u32 $0x1, s1  }
0x8c: {  	s17 =	sshll.u32 s0, $0xA;
	s2 =	sadd.s32 s3, s2  }
0x8d: {  	s2 =	sadd.s32 s2, s17  }
0x8e: {  	[smem:$0x3FB9] =	sst s2  }
0x8f: {  	_ = 	snop  }
0x90: {  	s2 =	sld [smem:$0x3FD0];
	(tm) =	ssettm $0x1  }
0x91: {  	s18 =	sld [smem:$0x3FFB];
	_ =	sdelay $0x3  }
0x92: {  	_ =	strace s18  }
0x93: {  	s3 =	sld [smem:$0x3FFC];
	_ =	sdelay $0x3  }
0x94: {  	_ =	strace s3  }
0x95: {  	s3 =	sld [smem:$0x3FFD];
	_ =	sdelay $0x3  }
0x96: {  	_ =	strace s3  }
0x97: {  	_ =	strace $0x8FFFFFFF  }
0x98: {  	s19 =	sld [smem:$0x3FDB];
	_ =	sdelay $0x1  }
0x99: {  	s4 =	simm.s32 $_scs_section_size  }
0x9a: {  	s5 =	simm.s32 $_size__tile_overlayer_lowered;
	s6 =	simm.s32 $_tile_overlayer_lowered  }
0x9b: {  	s22 =	simm.s32 $0x1BFF;
	s21 =	sshll.u32 s6, $0x1;
	s3 =	sadd.s32 s4, s19  }
0x9c: {  	s7 =	simm.s32 $0x0;
	s20 =	sshll.u32 s5, $0x1;
	s5 =	sadd.s32 s21, s3  }
0x9d: {  	[timem:s7], [sflag:s22] =	dma.local [hbm:s5], s20  }
0x9e: {  	_ =	swait.ge [sflag:s22], s20  }
0x9f: {  	s4 =	ssub.s32 $0x0, s20;
	[sflag:s22] =	ssyncset.done $0x0  }
0xa0: {  	[sflag:s22] =	ssyncadd.s32 s4;
	_ =	sdelay $0x1  }
0xa1: {  	s23 =	simm.s32 $0x1B8B  }
0xa2: {  	_ =	swait.ge [sflag:s23], $0x1  }
0xa3: {  	[sflag:s23] =	ssyncset.done $0x0  }
0xa4: {  	s25 =	simm.s32 $0x1B8E;
	s24 =	sld [smem:$0x3FFE];
	[sflag:s23] =	ssyncadd.s32 $0xFFFFFFFF  }
0xa5: {  	s26 =	simm.s32 $execute0_lowered;
	[smem:$0x3FD2] =	sst s25  }
0xa6: {  	s5 =	sshll.u32 s26, $0x1;
	_ =	strace $0x80000046;
	[dreg:$0x1] =	wrdreg $0xFFFFFFFF  }
0xa7: {  	s28 =	simm.s32 $_size_execute0_lowered;
	s3 =	sadd.s32 s3, s5;
	[dreg:$0x0] =	wrdreg $0x0  }
0xa8: {  	s5 =	sshll.u32 s28, $0x1;
	[dreg:$0x2] =	wrdreg s3  }
0xa9: {  	[dreg:$0x3] =	wrdreg s5  }
0xaa: {  	[dreg:$0x4] =	wrdreg $0xC0  }
0xab: {  	_ =	task [dreg:s7], $0x5FFFF  }
0xac: {  	[dreg:$0x1] =	wrdreg $0xFFFFFFFF  }
0xad: {  	[dreg:$0x0] =	wrdreg $0x60  }
0xae: {  	[dreg:$0x2] =	wrdreg s24  }
0xaf: {  	[dreg:$0x3] =	wrdreg s2  }
0xb0: {  	[dreg:$0x4] =	wrdreg $0xA2000  }
0xb1: {  	[dreg:$0x5] =	wrdreg $0x9  }
0xb2: {  	_ =	task.clear_ibuf [dreg:s7], $0x6FFFF;
	_ =	strace $0x90000046  }
0xb3: {  	s29 =	simm.s32 $0x9;
	_ =	strace $0x80000048  }
0xb4: {  	_ =	swait.ge [sflag:s29], $0x1  }
0xb5: {  	[sflag:s29] =	ssyncadd.s32 $0xFFFFFFFF  }
0xb6: {  	_ =	strace $0x90000048  }
0xb7: {  	_ =	sfence  }
0xb8: {  	s30 =	sld [smem:$0x0];
	_ =	sdelay $0x2  }
0xb9: {  	s31 =	sshll.u32 s1, $0xD;
	s1 =	sshrl.u32 s1, $0x2  }
0xba: {  	s3 =	sand.u32 $0x4000, s31;
	s1 =	sadd.s32 s1, s30  }
0xbb: {  	s0 =	sor.u32 s3, s0;
	s1 =	sshll.u32 s1, $0x11  }
0xbc: {  	s0 =	sor.u32 s1, s0  }
0xbd: {  	s0 =	sadd.s32 $0x8F2B, s0  }
0xbe: {  	[sflag:s0] =	ssyncadd.remote.s32 $0x1  }
0xbf: {  	_ =	sfence.sel $0xFFFF  }
0xc0: {  	[dreg:$0x0] =	wrdreg $0xFFFFFFFF;
	(pc) =	sbr.abs _section_cstart, $3  }
0xc1: {  	[dreg:$0x1] =	wrdreg $0xFFFFFFFF  }
0xc2: {  	_ =	task.clear_ibuf [dreg:s7], $0x2FFFF;
	_ =	strace $0x9FFFFFFF  }
0xc3: {  	(tm) =	ssettm $0x7FFFFFFF  }
tec
execute0_lowered:
.L_overlay_start_1:
0x0: {  	(tag) =	ssettag $0x1  }
0x1: {  	s0 =	rddreg [dreg:$0x0]  }
0x2: {  	s8 =	rddreg [dreg:$0x2]  }
0x3: {  	s2 =	simm.s32 $0x0;
	s7 =	stileid.u32;
	s1 =	srdreg.scid  }
0x4: {  	s15 =	simm.s32 $0x3;
	[smem:$0x7FF] =	sst s2;
	s18 =	smul.u32 $0x14000, s7  }
0x5: {  	s1 =	sand.u32 $0x1, s1;
	s9 =	sadd.s32 $0x4F7E00, s0;
	s10 =	sadd.s32 $0x4EE000, s0  }
0x6: {  	s11 =	sadd.s32 $0x4E4200, s0;
	s6 =	smul.u32 $0x50000, s7;
	s23 =	sshll.u32 s7, $0x6  }
0x7: {  	_ =	strace $0x80000047;
	s3 =	smul.u32 $0x140000, s1;
	[dreg:$0x5] =	wrdreg s10  }
0x8: {  	s20 =	ssub.s32 $0x2, s1;
	s1 =	sshll.u32 s1, $0x4;
	[dreg:$0x6] =	wrdreg s11  }
0x9: {  	[dreg:$0x4] =	wrdreg s9;
	s4 =	sshrl.u32 s18, $0x3;
	s1 =	sor.u32 s7, s1  }
0xa: {  	s6 =	sshrl.u32 s6, $0x2;
	s2 =	sadd.s32 s18, s3;
	s19 =	sadd.s32 s4, s0  }
0xb: {  	s22 =	smul.u32 $0x2710, s1;
	s6 =	sadd.s32 s6, s8;
	s8 =	sor.u32 $0x1C05, s23  }
0xc: {  	s1 =	smul.u32 $0x27100, s1;
	s3 =	sadd.s32 $0x77600, s19;
	[dreg:$0x8] =	wrdreg s8  }
0xd: {  	s16 =	simm.s32 $0x4;
	[dreg:$0x7] =	wrdreg s3;
	s25 =	sadd.s32 $0x28, s22  }
0xe: {  	s5 =	sadd.s32 $0x2200, s0;
	s1 =	sadd.s32 s9, s1;
	[dreg:$0x9] =	wrdreg s25  }
0xf: {  	s21 =	sshrl.u32 s20, $0x1;
	s29 =	sadd.s32 $0x50, s22;
	[dreg:$0xe] =	wrdreg s1  }
0x10: {  	s24 =	sshrl.u32 s22, $0x3;
	s30 =	sadd.s32 $0x78, s22;
	[dreg:$0xf] =	wrdreg s29  }
0x11: {  	s2 =	sshrl.u32 s2, $0x3;
	s12 =	sadd.s32 s10, s24;
	[dreg:$0x10] =	wrdreg s30  }
0x12: {  	s0 =	sadd.s32 s2, s0;
	s3 =	sadd.s32 s11, s24;
	[dreg:$0xa] =	wrdreg s12  }
0x13: {  	s2 =	ssub.s32 s20, s21;
	s0 =	sadd.s32 $0x9F600, s0;
	[dreg:$0xb] =	wrdreg s3  }
.Ltmp0:
0x14: {  	s31 =	smax.u32 s2, $0x1;
	[dreg:$0x11] =	wrdreg s0;
	(pc) =	sbr.rel .LBB2_1-.Ltmp0, $4  }
0x15: {  	s7 =	sshrl.u32 s25, $0x3;
	s1 =	sshrl.u32 s6, $0x3;
	[dreg:$0x12] =	wrdreg s31  }
0x16: {  	v2 =	vlaneseq.u32;
	s4 =	simm.s32 $0x180;
	s26 =	sadd.s32 s10, s7;
	[dreg:$0x13] =	wrdreg s1  }
0x17: {  	vm0 =	vmmov $0xffff;
	v1 =	vshrl.u32 v2, $0x3;
	s2 =	simm.s32 $0x5;
	s28 =	sadd.s32 s11, s7;
	[dreg:$0xc] =	wrdreg s26  }
0x18: {  	v0 =	vand.u32 $0x7, v2;
	v2 =	vor.u32 $0x8, v2;
	v1 =	vmul.u32 $0x8, v1;
	s7 =	simm.s32 $0x6600;
	s3 =	simm.s32 $0x0;
	[dreg:$0xd] =	wrdreg s28  }
.LBB2_8:
0x19: {  	[bflag:$0x0] =	sbarrier.arrive $0xFFFF  }
0x1a: {  	s8 =	rddreg [dreg:$0x8]  }
0x1b: {  	s0 =	rddreg [dreg:$0x11]  }
0x1c: {  	s1 =	rddreg [dreg:$0x13]  }
0x1d: {  	[hbm:s0], [sflag:s8] =	dma.local [spmem:s1], $0x2800  }
0x1e: {  	_ =	swait.ge [sflag:s2], $0x2800  }
0x1f: {  	s3 =	rddreg [dreg:$0x14]  }
0x20: {  	s31 =	rddreg [dreg:$0x12];
	s3 =	sadd.s32 $0x1, s3  }
0x21: {  	p0 =	sne.s32 s3, s31  }
.Ltmp1:
0x22: {  	_ = 	snop;
	(pc) =	sbr.rel @!p0 .LBB2_9-.Ltmp1, $3  }
0x23: {  	_ =	sdelay $0x1  }
0x24: {  	[sflag:s2] =	ssyncset.done $0x0  }
0x25: {  	[sflag:s2] =	ssyncadd.s32 $0xFFFFD800  }
.LBB2_1:
0x26: {  	[dreg:$0x14] =	wrdreg s3  }
0x27: {  	s0 =	rddreg [dreg:$0x7]  }
0x28: {  	[spmem:s1], [sflag:s8] =	dma.local [hbm:s0], $0x2800  }
0x29: {  	_ =	swait.ge [sflag:s2], $0x2800  }
0x2a: {  	[sflag:s2] =	ssyncset.done $0x0  }
0x2b: {  	[sflag:s2] =	ssyncadd.s32 $0xFFFFD800  }
0x2c: {  	[bflag:$0x0] =	sbarrier.arrive $0xFFFF  }
0x2d: {  	s12 =	simm.s32 $0x0;
	s13 =	rddreg [dreg:$0xa]  }
0x2e: {  	[tilespmem:s12], [sflag:$0x1] =	stream.linear.gather [hbm4b:s13+s12], $0x28, $0x38;
	[tilespmem:$0x1E200] =	vst v63  }
0x2f: {  	s17 =	simm.s32 $0x100;
	s14 =	rddreg [dreg:$0xb]  }
0x30: {  	[tilespmem:s17], [sflag:$0x1] =	stream.linear.gather [hbm4b:s14+s12], $0x28, $0x38;
	[tilespmem:$0x1E200] =	vst v63  }
0x31: {  	s19 =	simm.s32 $0x80;
	s18 =	rddreg [dreg:$0xc]  }
0x32: {  	[tilespmem:s19], [sflag:$0x2] =	stream.linear.gather [hbm4b:s18+s12], $0x28, $0x38;
	[tilespmem:$0x1E200] =	vst v63  }
0x33: {  	s21 =	simm.s32 $0x1;
	s20 =	rddreg [dreg:$0xd]  }
0x34: {  	[tilespmem:s4], [sflag:$0x2] =	stream.linear.gather [hbm4b:s20+s12], $0x28, $0x38;
	[tilespmem:$0x1E200] =	vst v63  }
0x35: {  	_ =	swait.ge [sflag:s21], $0x28  }
0x36: {  	[sflag:s21] =	ssyncset.done $0x0  }
0x37: {  	[sflag:s21] =	ssyncadd.s32 $0xFFFFFFD8  }
0x38: {  	_ =	swait.ge [sflag:s21], $0x28  }
0x39: {  	[sflag:s21] =	ssyncset.done $0x0  }
0x3a: {  	[sflag:s21] =	ssyncadd.s32 $0xFFFFFFD8  }
0x3b: {  	v3 =	vld [tilespmem:$0x0];
	_ =	sdelay $0x4  }
0x3c: {  	v4 =	vshll.u32 v3, $0x1  }
0x3d: {  	v3 =	vand.u32 $0x7, v3;
	v4 =	vand.u32 $0xFFFFFFF0, v4  }
0x3e: {  	v3 =	vor.u32 v3, v4  }
0x3f: {  	v4 =	vperm.xlane v3, v0;
	_ =	sdelay $0x1  }
0x40: {  	v3 =	vperm.xlane v3, v2;
	v4 =	vadd.s32 v1, v4;
	_ =	sdelay $0x1  }
0x41: {  	v3 =	vadd.s32 v1, v3;
	_ =	sdelay $0x1  }
0x42: {  	s22 =	simm.s32 $0x200  }
0x43: {  	[tilespmem:s22], [sflag:$0x3] =	stream.indirect_vreg.gather [hbm4b:s5+s12], $0x80, v4, vm0, $0xb8;
	[tilespmem:$0x1E200] =	vst v63  }
0x44: {  	s23 =	simm.s32 $0xA00  }
0x45: {  	[tilespmem:s23], [sflag:$0x3] =	stream.indirect_vreg.gather [hbm4b:s5+s12], $0x80, v3, vm0, $0xb8;
	[tilespmem:$0x1E200] =	vst v63  }
0x46: {  	v3 =	vld [tilespmem:$0x10];
	_ =	sdelay $0x4  }
0x47: {  	v62 =	vshll.u32 v3, $0x1  }
0x48: {  	v3 =	vand.u32 $0x7, v3;
	v4 =	vand.u32 $0xFFFFFFF0, v62  }
0x49: {  	v3 =	vor.u32 v3, v4  }
0x4a: {  	v4 =	vperm.xlane v3, v0;
	_ =	sdelay $0x1  }
0x4b: {  	v3 =	vperm.xlane v3, v2;
	v4 =	vadd.s32 v1, v4;
	_ =	sdelay $0x1  }
0x4c: {  	v3 =	vadd.s32 v1, v3;
	_ =	sdelay $0x1  }
0x4d: {  	s24 =	simm.s32 $0x1200  }
0x4e: {  	[tilespmem:s24], [sflag:$0x3] =	stream.indirect_vreg.gather [hbm4b:s5+s12], $0x80, v4, vm0, $0xb8;
	[tilespmem:$0x1E200] =	vst v63  }
0x4f: {  	s25 =	simm.s32 $0x1A00  }
0x50: {  	[tilespmem:s25], [sflag:$0x3] =	stream.indirect_vreg.gather [hbm4b:s5+s12], $0x80, v3, vm0, $0xb8;
	[tilespmem:$0x1E200] =	vst v63  }
0x51: {  	v3 =	vld.msk [tilespmem:$0x20], $0xff;
	_ =	sdelay $0x4  }
0x52: {  	v63 =	vshll.u32 v3, $0x1  }
0x53: {  	v3 =	vand.u32 $0x7, v3;
	v4 =	vand.u32 $0xFFFFFFF0, v63  }
0x54: {  	v3 =	vor.u32 v3, v4  }
0x55: {  	v3 =	vperm.xlane v3, v0;
	_ =	sdelay $0x1  }
0x56: {  	v3 =	vadd.s32 v1, v3;
	_ =	sdelay $0x3  }
0x57: {  	s26 =	simm.s32 $0x2200  }
0x58: {  	[tilespmem:s26], [sflag:$0x3] =	stream.indirect_vreg.gather [hbm4b:s5+s12], $0x80, v3, vm0, $0xb8;
	[tilespmem:$0x1E200] =	vst v63  }
0x59: {  	s29 =	simm.s32 $0x28;
	s6 =	simm.s32 $0x5200;
	s28 =	rddreg [dreg:$0x1]  }
0x5a: {  	[tilespmem:s6], [sflag:$0x3] =	stream.indirect.gather [hbm4b:s28+s29], $0x80, s17, s29, $0xb8;
	[tilespmem:$0x1E200] =	vst v63  }
0x5b: {  	s31 =	simm.s32 $0x7A00;
	s2 =	simm.s32 $0x0;
	s30 =	rddreg [dreg:$0xe]  }
0x5c: {  	[tilespmem:s31], [sflag:$0x3] =	stream.linear.gather [hbm4b:s30+s12], $0x1400, $0x38;
	[tilespmem:$0x1E200] =	vst v63  }
.LBB2_2:
0x5d: {  	s0 =	simm.s32 $0x2  }
0x5e: {  	_ =	swait.ge [sflag:s0], $0x28  }
0x5f: {  	[sflag:s0] =	ssyncset.done $0x0  }
0x60: {  	[sflag:s0] =	ssyncadd.s32 $0xFFFFFFD8  }
0x61: {  	_ =	swait.ge [sflag:s0], $0x28  }
0x62: {  	[sflag:s0] =	ssyncset.done $0x0  }
0x63: {  	[sflag:s0] =	ssyncadd.s32 $0xFFFFFFD8  }
0x64: {  	v3 =	vld [tilespmem:$0x80];
	_ =	sdelay $0x4  }
0x65: {  	v4 =	vshll.u32 v3, $0x1  }
0x66: {  	v3 =	vand.u32 $0x7, v3;
	v4 =	vand.u32 $0xFFFFFFF0, v4  }
0x67: {  	v3 =	vor.u32 v3, v4  }
0x68: {  	v4 =	vperm.xlane v3, v0;
	_ =	sdelay $0x1  }
0x69: {  	v3 =	vperm.xlane v3, v2;
	v4 =	vadd.s32 v1, v4;
	_ =	sdelay $0x1  }
0x6a: {  	v3 =	vadd.s32 v1, v3;
	_ =	sdelay $0x1  }
0x6b: {  	s20 =	simm.s32 $0x0;
	s1 =	simm.s32 $0x2A00  }
0x6c: {  	[tilespmem:s1], [sflag:$0x4] =	stream.indirect_vreg.gather [hbm4b:s5+s20], $0x80, v4, vm0, $0xb8;
	[tilespmem:$0x1E200] =	vst v63  }
0x6d: {  	s21 =	simm.s32 $0x3200  }
0x6e: {  	[tilespmem:s21], [sflag:$0x4] =	stream.indirect_vreg.gather [hbm4b:s5+s20], $0x80, v3, vm0, $0xb8;
	[tilespmem:$0x1E200] =	vst v63  }
0x6f: {  	v3 =	vld [tilespmem:$0x90];
	_ =	sdelay $0x4  }
0x70: {  	v4 =	vshll.u32 v3, $0x1  }
0x71: {  	v3 =	vand.u32 $0x7, v3;
	v4 =	vand.u32 $0xFFFFFFF0, v4  }
0x72: {  	v3 =	vor.u32 v3, v4  }
0x73: {  	v4 =	vperm.xlane v3, v0;
	_ =	sdelay $0x1  }
0x74: {  	v3 =	vperm.xlane v3, v2;
	v4 =	vadd.s32 v1, v4;
	_ =	sdelay $0x1  }
0x75: {  	v3 =	vadd.s32 v1, v3;
	_ =	sdelay $0x1  }
0x76: {  	s22 =	simm.s32 $0x3A00  }
0x77: {  	[tilespmem:s22], [sflag:$0x4] =	stream.indirect_vreg.gather [hbm4b:s5+s20], $0x80, v4, vm0, $0xb8;
	[tilespmem:$0x1E200] =	vst v63  }
0x78: {  	s23 =	simm.s32 $0x4200  }
0x79: {  	[tilespmem:s23], [sflag:$0x4] =	stream.indirect_vreg.gather [hbm4b:s5+s20], $0x80, v3, vm0, $0xb8;
	[tilespmem:$0x1E200] =	vst v63  }
0x7a: {  	v3 =	vld.msk [tilespmem:$0xA0], $0xff;
	_ =	sdelay $0x4  }
0x7b: {  	v4 =	vshll.u32 v3, $0x1  }
0x7c: {  	v3 =	vand.u32 $0x7, v3;
	v4 =	vand.u32 $0xFFFFFFF0, v4  }
0x7d: {  	v3 =	vor.u32 v3, v4  }
0x7e: {  	v3 =	vperm.xlane v3, v0;
	_ =	sdelay $0x1  }
0x7f: {  	v3 =	vadd.s32 v1, v3;
	_ =	sdelay $0x2  }
0x80: {  	[dreg:$0x15] =	wrdreg s2  }
0x81: {  	s24 =	simm.s32 $0x4A00;
	s3 =	smul.u32 $0x50, s2;
	s6 =	rddreg [dreg:$0x9]  }
0x82: {  	[tilespmem:s24], [sflag:$0x4] =	stream.indirect_vreg.gather [hbm4b:s5+s20], $0x80, v3, vm0, $0xb8;
	[tilespmem:$0x1E200] =	vst v63  }
0x83: {  	s26 =	simm.s32 $0x28;
	s25 =	rddreg [dreg:$0x1];
	s1 =	sadd.s32 s3, s6  }
0x84: {  	[tilespmem:s7], [sflag:$0x4] =	stream.indirect.gather [hbm4b:s25+s26], $0x80, s4, s26, $0xb8;
	[tilespmem:$0x1E200] =	vst v63  }
0x85: {  	s1 =	sshll.u32 s1, $0x4;
	s7 =	rddreg [dreg:$0x4]  }
0x86: {  	s8 =	simm.s32 $0x8E00;
	[dreg:$0x16] =	wrdreg s3;
	s1 =	sadd.s32 s7, s1  }
0x87: {  	[tilespmem:s8], [sflag:$0x4] =	stream.linear.gather [hbm4b:s1+s20], $0x1400, $0x38;
	[tilespmem:$0x1E200] =	vst v63  }
0x88: {  	_ =	swait.ge [sflag:s15], $0x2800  }
0x89: {  	[sflag:s15] =	ssyncset.done $0x0  }
0x8a: {  	[sflag:s15] =	ssyncadd.s32 $0xFFFFD800  }
0x8b: {  	_ =	swait.ge [sflag:s15], $0x1400  }
0x8c: {  	[sflag:s15] =	ssyncset.done $0x0  }
0x8d: {  	[sflag:s15] =	ssyncadd.s32 $0xFFFFEC00  }
0x8e: {  	s0 =	sand.u32 $0x3800, s20;
	_ =	swait.ge [sflag:s15], $0x1400  }
0x8f: {  	s9 =	simm.s32 $0x80;
	s0 =	sor.u32 $0x200, s0;
	[sflag:s15] =	ssyncset.done $0x0  }
0x90: {  	s21 =	simm.s32 $0x5280;
	s1 =	sand.u32 $0x380, s9;
	[sflag:s15] =	ssyncadd.s32 $0xFFFFEC00  }
0x91: {  	s2 =	sadd.s32 s1, s0;
	v3 =	vld [tilespmem:s21+$0x0]  }
0x92: {  	v4 =	vld [tilespmem:s2+$0x400]  }
0x93: {  	s4 =	simm.s32 $0x7A80  }
0x94: {  	v5 =	vld [tilespmem:s4+$0x0];
	_ =	sdelay $0x1  }
0x95: {  	s10 =	simm.s32 $0x0  }
0x96: {  	s1 =	sand.u32 $0x300, s10;
	v3 =	vadd.f32 v3, v4  }
0x97: {  	s25 =	sadd.s32 s1, s0  }
0x98: {  	v4 =	vld [tilespmem:s25+$0x400];
	v3 =	vadd.f32 v5, v3  }
0x99: {  	v5 =	vld [tilespmem:s21+$0xFFFFFF80]  }
0x9a: {  	v3 =	vsub.f32 $0.0e+00, v3  }
0x9b: {  	v6 =	vld [tilespmem:s4+$0xFFFFFF80]  }
0x9c: {  	v3 =	vmul.f32 $1.442695020e+00, v3;
	_ =	sdelay $0x1  }
0x9d: {  	(erf) = vpow2.f32 v3;
	v3 =	vadd.f32 v5, v4;
	_ =	sdelay $0x1  }
0x9e: {  	v3 =	vadd.f32 v6, v3;
	_ =	sdelay $0x1  }
0x9f: {  	v3 =	vsub.f32 $0.0e+00, v3;
	_ =	sdelay $0x1  }
0xa0: {  	v3 =	vmul.f32 $1.442695020e+00, v3;
	_ =	sdelay $0x1  }
0xa1: {  	(erf) = vpow2.f32 v3;
	_ =	sdelay $0x1  }
0xa2: {  	v3 =	vpop (erf)  }
0xa3: {  	v3 =	vadd.f32 $1.000000000e+00, v3;
	_ =	sdelay $0x1  }
0xa4: {  	(erf) = vrcp.f32 v3;
	_ =	sdelay $0x3  }
0xa5: {  	v4 =	vpop (erf)  }
0xa6: {  	v3 =	vld [tilespmem:s2+$0x0];
	v4 =	vadd.f32 $1.000000000e+00, v4;
	_ =	sdelay $0x1  }
0xa7: {  	(erf) = vrcp.f32 v4;
	_ =	sdelay $0x1  }
0xa8: {  	v4 =	vpop (erf)  }
0xa9: {  	v3 =	vmul.f32 v4, v3  }
0xaa: {  	v8 =	vld [tilespmem:s21+$0x10]  }
0xab: {  	v5 =	vld [tilespmem:s25+$0x0];
	[tilespmem:s21+$0x0] =	vst v3  }
0xac: {  	v9 =	vld [tilespmem:s2+$0x410];
	_ =	sdelay $0x1  }
0xad: {  	v11 =	vld [tilespmem:s4+$0x10]  }
0xae: {  	v12 =	vpop (erf)  }
0xaf: {  	v5 =	vmul.f32 v12, v5  }
0xb0: {  	v9 =	vadd.f32 v8, v9  }
0xb1: {  	v7 =	vld [tilespmem:s21+$0xFFFFFF90];
	[tilespmem:s21+$0xFFFFFF80] =	vst v5  }
0xb2: {  	v5 =	vadd.f32 v11, v9;
	v9 =	vld [tilespmem:s25+$0x410];
	_ =	sdelay $0x1  }
0xb3: {  	v11 =	vld [tilespmem:s4+$0xFFFFFF90];
	v5 =	vsub.f32 $0.0e+00, v5;
	_ =	sdelay $0x1  }
0xb4: {  	v5 =	vmul.f32 $1.442695020e+00, v5  }
0xb5: {  	v7 =	vadd.f32 v7, v9  }
0xb6: {  	(erf) = vpow2.f32 v5  }
0xb7: {  	v5 =	vadd.f32 v11, v7;
	_ =	sdelay $0x1  }
0xb8: {  	v5 =	vsub.f32 $0.0e+00, v5;
	_ =	sdelay $0x1  }
0xb9: {  	s11 =	simm.s32 $0x200;
	v5 =	vmul.f32 $1.442695020e+00, v5  }
0xba: {  	s12 =	simm.s32 $0x180;
	s0 =	sand.u32 $0x3800, s11  }
0xbb: {  	s1 =	sand.u32 $0x380, s12;
	s0 =	sor.u32 $0x200, s0;
	(erf) = vpow2.f32 v5  }
0xbc: {  	s1 =	sadd.s32 s1, s0  }
0xbd: {  	s26 =	simm.s32 $0x5380;
	v9 =	vld [tilespmem:s1+$0x400];
	v5 =	vpop (erf)  }
0xbe: {  	v7 =	vld [tilespmem:s26+$0x0];
	v5 =	vadd.f32 $1.000000000e+00, v5  }
0xbf: {  	s28 =	simm.s32 $0x7B80  }
0xc0: {  	(erf) = vrcp.f32 v5;
	v5 =	vld [tilespmem:s28+$0x0];
	_ =	sdelay $0x2  }
0xc1: {  	v7 =	vadd.f32 v7, v9  }
0xc2: {  	v9 =	vpop (erf)  }
0xc3: {  	v5 =	vadd.f32 v5, v7;
	v7 =	vadd.f32 $1.000000000e+00, v9  }
0xc4: {  	s13 =	simm.s32 $0x100  }
0xc5: {  	s3 =	sand.u32 $0x300, s13;
	v11 =	vld [tilespmem:s2+$0x10];
	(erf) = vrcp.f32 v7  }
0xc6: {  	s19 =	sadd.s32 s3, s0;
	v12 =	vld [tilespmem:s26+$0xFFFFFF80];
	v5 =	vsub.f32 $0.0e+00, v5  }
0xc7: {  	v9 =	vld [tilespmem:s19+$0x400]  }
0xc8: {  	v5 =	vmul.f32 $1.442695020e+00, v5  }
0xc9: {  	v13 =	vld [tilespmem:s28+$0xFFFFFF80];
	v7 =	vpop (erf)  }
0xca: {  	v7 =	vmul.f32 v7, v11;
	(erf) = vpow2.f32 v5;
	v5 =	vld [tilespmem:s25+$0x10];
	_ =	sdelay $0x1  }
0xcb: {  	[tilespmem:s21+$0x10] =	vst v7;
	v7 =	vadd.f32 v12, v9;
	v9 =	vld [tilespmem:s21+$0x20]  }
0xcc: {  	v11 =	vld [tilespmem:s2+$0x420]  }
0xcd: {  	v7 =	vadd.f32 v13, v7;
	v12 =	vpop (erf)  }
0xce: {  	v13 =	vld [tilespmem:s4+$0x20];
	v5 =	vmul.f32 v12, v5  }
0xcf: {  	v7 =	vsub.f32 $0.0e+00, v7;
	_ =	sdelay $0x1  }
0xd0: {  	v10 =	vld [tilespmem:s21+$0xFFFFFFA0];
	v7 =	vmul.f32 $1.442695020e+00, v7;
	v9 =	vadd.f32 v9, v11  }
0xd1: {  	v14 =	vld [tilespmem:s26+$0xFFFFFF90];
	[tilespmem:s21+$0xFFFFFF90] =	vst v5;
	v5 =	vpop (erf)  }
0xd2: {  	(erf) = vpow2.f32 v7;
	v7 =	vadd.f32 v13, v9;
	v9 =	vld [tilespmem:s25+$0x420];
	v5 =	vadd.f32 $1.000000000e+00, v5  }
0xd3: {  	v16 =	vld [tilespmem:s26+$0xFFFFFFA0]  }
0xd4: {  	v11 =	vld [tilespmem:s4+$0xFFFFFFA0];
	(erf) = vrcp.f32 v5  }
0xd5: {  	v6 =	vld [tilespmem:s21+$0xFFFFFFD0];
	v7 =	vsub.f32 $0.0e+00, v7  }
0xd6: {  	v4 =	vld [tilespmem:s21+$0xFFFFFFC0]  }
0xd7: {  	v3 =	vld [tilespmem:s21+$0xFFFFFFB0];
	v5 =	vmul.f32 $1.442695020e+00, v7;
	v7 =	vadd.f32 v10, v9  }
0xd8: {  	v8 =	vld [tilespmem:s21+$0xFFFFFFE0]  }
0xd9: {  	(erf) = vpow2.f32 v5;
	v5 =	vadd.f32 v11, v7;
	v11 =	vld [tilespmem:s1+$0x0]  }
0xda: {  	v12 =	vld [tilespmem:s21+$0xFFFFFFF0]  }
0xdb: {  	v13 =	vld [tilespmem:s19+$0x0];
	v9 =	vpop (erf);
	v5 =	vsub.f32 $0.0e+00, v5  }
0xdc: {  	v17 =	vld [tilespmem:s25+$0x20];
	v15 =	vadd.f32 $1.000000000e+00, v9  }
0xdd: {  	v10 =	vld [tilespmem:s26+$0xFFFFFFB0];
	v5 =	vmul.f32 $1.442695020e+00, v5;
	v18 =	vpop (erf)  }
0xde: {  	v7 =	vld [tilespmem:s26+$0xFFFFFFC0];
	(erf) = vrcp.f32 v15;
	v11 =	vmul.f32 v18, v11  }
0xdf: {  	v9 =	vld [tilespmem:s26+$0xFFFFFFD0];
	(erf) = vpow2.f32 v5  }
0xe0: {  	[tilespmem:s26+$0x0] =	vst v11;
	v11 =	vld [tilespmem:s26+$0x10]  }
0xe1: {  	v15 =	vld [tilespmem:s1+$0x410]  }
0xe2: {  	v5 =	vpop (erf)  }
0xe3: {  	v5 =	vadd.f32 $1.000000000e+00, v5;
	_ =	sdelay $0x1  }
0xe4: {  	(erf) = vrcp.f32 v5;
	v5 =	vld [tilespmem:s28+$0x10]  }
0xe5: {  	v11 =	vadd.f32 v11, v15;
	_ =	sdelay $0x1  }
0xe6: {  	v15 =	vpop (erf)  }
0xe7: {  	v13 =	vmul.f32 v15, v13  }
0xe8: {  	v5 =	vadd.f32 v5, v11;
	v11 =	vpop (erf)  }
0xe9: {  	v18 =	vld [tilespmem:s2+$0x20];
	[tilespmem:s26+$0xFFFFFF80] =	vst v13;
	v11 =	vadd.f32 $1.000000000e+00, v11  }
0xea: {  	v5 =	vsub.f32 $0.0e+00, v5;
	v13 =	vld [tilespmem:s19+$0x410]  }
0xeb: {  	(erf) = vrcp.f32 v11  }
0xec: {  	v19 =	vld [tilespmem:s28+$0xFFFFFF90];
	v5 =	vmul.f32 $1.442695020e+00, v5  }
0xed: {  	v11 =	vpop (erf)  }
0xee: {  	(erf) = vpow2.f32 v5;
	v11 =	vmul.f32 v11, v18  }
0xef: {  	v5 =	vadd.f32 v14, v13  }
0xf0: {  	[tilespmem:s21+$0x20] =	vst v11;
	v11 =	vld [tilespmem:s21+$0x30]  }
0xf1: {  	v5 =	vadd.f32 v19, v5;
	v13 =	vld [tilespmem:s2+$0x430];
	_ =	sdelay $0x1  }
0xf2: {  	v14 =	vld [tilespmem:s4+$0x30];
	v5 =	vsub.f32 $0.0e+00, v5  }
0xf3: {  	v18 =	vpop (erf)  }
0xf4: {  	v5 =	vmul.f32 $1.442695020e+00, v5;
	v17 =	vmul.f32 v18, v17  }
0xf5: {  	v11 =	vadd.f32 v11, v13  }
0xf6: {  	s14 =	simm.s32 $0x400;
	(erf) = vpow2.f32 v5;
	v13 =	vpop (erf);
	[tilespmem:s21+$0xFFFFFFA0] =	vst v17  }
0xf7: {  	s17 =	simm.s32 $0x280;
	s24 =	simm.s32 $0x5480;
	s0 =	sand.u32 $0x3800, s14;
	v5 =	vadd.f32 v14, v11;
	v11 =	vadd.f32 $1.000000000e+00, v13;
	v13 =	vld [tilespmem:s25+$0x430]  }
0xf8: {  	s3 =	sand.u32 $0x380, s17;
	s0 =	sor.u32 $0x200, s0;
	v14 =	vld [tilespmem:s24+$0x0]  }
0xf9: {  	s31 =	sadd.s32 s3, s0;
	v17 =	vld [tilespmem:s4+$0xFFFFFFB0];
	v5 =	vsub.f32 $0.0e+00, v5  }
0xfa: {  	(erf) = vrcp.f32 v11;
	v11 =	vld [tilespmem:s31+$0x400]  }
0xfb: {  	s12 =	simm.s32 $0x7C80;
	v5 =	vmul.f32 $1.442695020e+00, v5  }
0xfc: {  	v18 =	vld [tilespmem:s12+$0x0];
	v3 =	vadd.f32 v3, v13  }
0xfd: {  	(erf) = vpow2.f32 v5  }
0xfe: {  	s18 =	simm.s32 $0x200;
	v3 =	vadd.f32 v17, v3  }
0xff: {  	s3 =	sand.u32 $0x300, s18;
	v5 =	vld [tilespmem:s1+$0x10];
	v13 =	vpop (erf);
	v11 =	vadd.f32 v14, v11  }
0x100: {  	s0 =	sadd.s32 s3, s0;
	v13 =	vadd.f32 $1.000000000e+00, v13;
	v3 =	vsub.f32 $0.0e+00, v3  }
0x101: {  	v14 =	vld [tilespmem:s0+$0x400];
	v11 =	vadd.f32 v18, v11  }
0x102: {  	v18 =	vld [tilespmem:s24+$0xFFFFFF80];
	(erf) = vrcp.f32 v13;
	v3 =	vmul.f32 $1.442695020e+00, v3  }
0x103: {  	v17 =	vpop (erf);
	v11 =	vsub.f32 $0.0e+00, v11  }
0x104: {  	v13 =	vld [tilespmem:s12+$0xFFFFFF80];
	v5 =	vmul.f32 v17, v5  }
0x105: {  	v17 =	vld [tilespmem:s19+$0x10];
	v11 =	vmul.f32 $1.442695020e+00, v11;
	(erf) = vpow2.f32 v3  }
0x106: {  	[tilespmem:s26+$0x10] =	vst v5;
	v5 =	vld [tilespmem:s26+$0x20];
	v3 =	vpop (erf)  }
0x107: {  	v14 =	vadd.f32 v18, v14;
	(erf) = vpow2.f32 v11;
	v11 =	vld [tilespmem:s1+$0x420];
	v3 =	vadd.f32 $1.000000000e+00, v3;
	_ =	sdelay $0x1  }
0x108: {  	(erf) = vrcp.f32 v3;
	v3 =	vadd.f32 v13, v14  }
0x109: {  	v18 =	vld [tilespmem:s28+$0x20]  }
0x10a: {  	v14 =	vpop (erf);
	v13 =	vsub.f32 $0.0e+00, v3  }
0x10b: {  	v5 =	vadd.f32 v5, v11;
	v11 =	vmul.f32 v14, v17  }
0x10c: {  	v13 =	vmul.f32 $1.442695020e+00, v13  }
0x10d: {  	v14 =	vld [tilespmem:s2+$0x30];
	v17 =	vpop (erf);
	[tilespmem:s26+$0xFFFFFF90] =	vst v11  }
0x10e: {  	v5 =	vadd.f32 v18, v5;
	v11 =	vadd.f32 $1.000000000e+00, v17;
	(erf) = vpow2.f32 v13;
	v13 =	vld [tilespmem:s19+$0x420];
	_ =	sdelay $0x1  }
0x10f: {  	v17 =	vpop (erf);
	v5 =	vsub.f32 $0.0e+00, v5;
	(erf) = vrcp.f32 v11;
	v11 =	vld [tilespmem:s28+$0xFFFFFFA0]  }
0x110: {  	v17 =	vadd.f32 $1.000000000e+00, v17  }
0x111: {  	v5 =	vmul.f32 $1.442695020e+00, v5;
	v18 =	vpop (erf)  }
0x112: {  	(erf) = vrcp.f32 v17;
	v14 =	vmul.f32 v18, v14;
	v13 =	vadd.f32 v16, v13  }
0x113: {  	v17 =	vld [tilespmem:s25+$0x30]  }
0x114: {  	(erf) = vpow2.f32 v5;
	v5 =	vld [tilespmem:s21+$0x40];
	[tilespmem:s21+$0x30] =	vst v14;
	v11 =	vadd.f32 v11, v13  }
0x115: {  	v13 =	vld [tilespmem:s2+$0x440]  }
0x116: {  	v14 =	vld [tilespmem:s31+$0x0];
	v16 =	vpop (erf);
	v11 =	vsub.f32 $0.0e+00, v11  }
0x117: {  	v18 =	vld [tilespmem:s4+$0x40];
	v16 =	vadd.f32 $1.000000000e+00, v16  }
0x118: {  	v20 =	vpop (erf);
	v11 =	vmul.f32 $1.442695020e+00, v11  }
0x119: {  	v17 =	vmul.f32 v20, v17;
	(erf) = vrcp.f32 v16  }
0x11a: {  	v5 =	vadd.f32 v5, v13;
	(erf) = vpow2.f32 v11  }
0x11b: {  	v19 =	vld [tilespmem:s0+$0x0];
	v20 =	vpop (erf);
	[tilespmem:s21+$0xFFFFFFB0] =	vst v17  }
0x11c: {  	v13 =	vmul.f32 v20, v14;
	v17 =	vld [tilespmem:s25+$0x440];
	v5 =	vadd.f32 v18, v5  }
0x11d: {  	v14 =	vpop (erf);
	v18 =	vld [tilespmem:s24+$0x10]  }
0x11e: {  	v14 =	vadd.f32 $1.000000000e+00, v14;
	v22 =	vld [tilespmem:s4+$0xFFFFFFC0];
	[tilespmem:s24+$0x0] =	vst v13;
	v5 =	vsub.f32 $0.0e+00, v5  }
0x11f: {  	v20 =	vld [tilespmem:s31+$0x410]  }
0x120: {  	(erf) = vrcp.f32 v14;
	v5 =	vmul.f32 $1.442695020e+00, v5  }
0x121: {  	v23 =	vld [tilespmem:s12+$0x10];
	v4 =	vadd.f32 v4, v17  }
0x122: {  	(erf) = vpow2.f32 v5;
	v17 =	vpop (erf)  }
0x123: {  	v4 =	vadd.f32 v22, v4;
	v17 =	vmul.f32 v17, v19;
	v19 =	vpop (erf)  }
0x124: {  	v21 =	vld [tilespmem:s24+$0xFFFFFF90];
	v18 =	vadd.f32 v18, v20;
	v19 =	vadd.f32 $1.000000000e+00, v19  }
0x125: {  	v20 =	vld [tilespmem:s1+$0x20];
	v4 =	vsub.f32 $0.0e+00, v4;
	[tilespmem:s24+$0xFFFFFF80] =	vst v17  }
0x126: {  	v17 =	vadd.f32 v23, v18;
	v18 =	vld [tilespmem:s0+$0x410];
	(erf) = vrcp.f32 v19  }
0x127: {  	v4 =	vmul.f32 $1.442695020e+00, v4  }
0x128: {  	v22 =	vld [tilespmem:s12+$0xFFFFFF90]  }
0x129: {  	v17 =	vsub.f32 $0.0e+00, v17;
	v19 =	vpop (erf)  }
0x12a: {  	v19 =	vmul.f32 v19, v20  }
0x12b: {  	(erf) = vpow2.f32 v4;
	v17 =	vmul.f32 $1.442695020e+00, v17;
	v20 =	vld [tilespmem:s19+$0x20];
	v4 =	vpop (erf);
	v18 =	vadd.f32 v21, v18  }
0x12c: {  	[tilespmem:s26+$0x20] =	vst v19;
	v19 =	vld [tilespmem:s26+$0x30];
	v4 =	vadd.f32 $1.000000000e+00, v4  }
0x12d: {  	(erf) = vpow2.f32 v17;
	v17 =	vld [tilespmem:s1+$0x430];
	v18 =	vadd.f32 v22, v18  }
0x12e: {  	(erf) = vrcp.f32 v4  }
0x12f: {  	v4 =	vld [tilespmem:s28+$0x30];
	v18 =	vsub.f32 $0.0e+00, v18;
	v21 =	vpop (erf)  }
0x130: {  	v20 =	vmul.f32 v21, v20  }
0x131: {  	v18 =	vmul.f32 $1.442695020e+00, v18  }
0x132: {  	v17 =	vadd.f32 v19, v17;
	v19 =	vld [tilespmem:s2+$0x40];
	[tilespmem:s26+$0xFFFFFFA0] =	vst v20  }
0x133: {  	(erf) = vpow2.f32 v18;
	v18 =	vld [tilespmem:s19+$0x430]  }
0x134: {  	s20 =	simm.s32 $0x600;
	v4 =	vadd.f32 v4, v17;
	v20 =	vpop (erf)  }
0x135: {  	s6 =	simm.s32 $0x380;
	s3 =	sand.u32 $0x3800, s20;
	v17 =	vadd.f32 $1.000000000e+00, v20;
	v20 =	vld [tilespmem:s28+$0xFFFFFFB0]  }
0x136: {  	s29 =	simm.s32 $0x5580;
	s6 =	sand.u32 $0x380, s6;
	s3 =	sor.u32 $0x200, s3;
	v21 =	vpop (erf);
	v4 =	vsub.f32 $0.0e+00, v4  }
0x137: {  	s9 =	sadd.s32 s6, s3;
	v22 =	vld [tilespmem:s29+$0x0];
	v21 =	vadd.f32 $1.000000000e+00, v21;
	v23 =	vpop (erf);
	(erf) = vrcp.f32 v17  }
0x138: {  	s23 =	simm.s32 $0x7D80;
	v17 =	vld [tilespmem:s9+$0x400];
	v4 =	vmul.f32 $1.442695020e+00, v4;
	v19 =	vmul.f32 v23, v19;
	v10 =	vadd.f32 v10, v18  }
0x139: {  	(erf) = vrcp.f32 v21;
	v18 =	vld [tilespmem:s23+$0x0]  }
0x13a: {  	v21 =	vld [tilespmem:s21+$0x50];
	(erf) = vpow2.f32 v4;
	[tilespmem:s21+$0x40] =	vst v19;
	v4 =	vadd.f32 v20, v10  }
0x13b: {  	v10 =	vld [tilespmem:s2+$0x450]  }
0x13c: {  	v4 =	vsub.f32 $0.0e+00, v4  }
0x13d: {  	s22 =	simm.s32 $0x300;
	v17 =	vadd.f32 v22, v17;
	v22 =	vld [tilespmem:s4+$0x50]  }
0x13e: {  	s6 =	sand.u32 $0x300, s22;
	v20 =	vld [tilespmem:s31+$0x10];
	v19 =	vpop (erf);
	v4 =	vmul.f32 $1.442695020e+00, v4  }
0x13f: {  	s14 =	sadd.s32 s6, s3;
	v24 =	vld [tilespmem:s29+$0xFFFFFF80];
	v19 =	vadd.f32 $1.000000000e+00, v19;
	v17 =	vadd.f32 v18, v17  }
0x140: {  	v18 =	vld [tilespmem:s14+$0x400];
	v10 =	vadd.f32 v21, v10  }
0x141: {  	(erf) = vrcp.f32 v19;
	v23 =	vpop (erf);
	v17 =	vsub.f32 $0.0e+00, v17  }
0x142: {  	v19 =	vld [tilespmem:s23+$0xFFFFFF80];
	(erf) = vpow2.f32 v4;
	v10 =	vadd.f32 v22, v10;
	v4 =	vpop (erf)  }
0x143: {  	v17 =	vmul.f32 $1.442695020e+00, v17;
	v4 =	vmul.f32 v4, v20  }
0x144: {  	v20 =	vpop (erf);
	v10 =	vsub.f32 $0.0e+00, v10  }
0x145: {  	v21 =	vld [tilespmem:s0+$0x10];
	(erf) = vpow2.f32 v17;
	v17 =	vadd.f32 v24, v18;
	[tilespmem:s24+$0x10] =	vst v4;
	v4 =	vadd.f32 $1.000000000e+00, v20  }
0x146: {  	v18 =	vld [tilespmem:s24+$0x20];
	v10 =	vmul.f32 $1.442695020e+00, v10  }
0x147: {  	v20 =	vld [tilespmem:s31+$0x420];
	(erf) = vrcp.f32 v4;
	v4 =	vadd.f32 v19, v17  }
0x148: {  	v17 =	vld [tilespmem:s12+$0x20]  }
0x149: {  	v19 =	vld [tilespmem:s25+$0x40];
	(erf) = vpow2.f32 v10;
	v22 =	vsub.f32 $0.0e+00, v4  }
0x14a: {  	v10 =	vpop (erf)  }
0x14b: {  	v10 =	vmul.f32 v10, v21;
	v21 =	vpop (erf);
	v22 =	vmul.f32 $1.442695020e+00, v22  }
0x14c: {  	v18 =	vadd.f32 v18, v20;
	v20 =	vld [tilespmem:s1+$0x30];
	v21 =	vadd.f32 $1.000000000e+00, v21  }
0x14d: {  	v16 =	vld [tilespmem:s24+$0xFFFFFFA0];
	[tilespmem:s24+$0xFFFFFF90] =	vst v10;
	(erf) = vpow2.f32 v22  }
0x14e: {  	v10 =	vadd.f32 v17, v18;
	v17 =	vpop (erf);
	v18 =	vmul.f32 v23, v19;
	v19 =	vld [tilespmem:s0+$0x420];
	(erf) = vrcp.f32 v21  }
0x14f: {  	v17 =	vadd.f32 $1.000000000e+00, v17  }
0x150: {  	v10 =	vsub.f32 $0.0e+00, v10;
	[tilespmem:s21+$0xFFFFFFC0] =	vst v18;
	v18 =	vld [tilespmem:s12+$0xFFFFFFA0];
	v22 =	vpop (erf)  }
0x151: {  	(erf) = vrcp.f32 v17;
	v17 =	vmul.f32 v22, v20;
	v20 =	vld [tilespmem:s25+$0x450]  }
0x152: {  	v24 =	vld [tilespmem:s19+$0x30];
	v10 =	vmul.f32 $1.442695020e+00, v10;
	v22 =	vpop (erf)  }
0x153: {  	v23 =	vld [tilespmem:s4+$0xFFFFFFD0];
	v16 =	vadd.f32 v16, v19;
	[tilespmem:s26+$0x30] =	vst v17;
	v17 =	vadd.f32 $1.000000000e+00, v22  }
0x154: {  	(erf) = vpow2.f32 v10;
	v10 =	vld [tilespmem:s26+$0x40]  }
0x155: {  	v22 =	vld [tilespmem:s1+$0x440];
	(erf) = vrcp.f32 v17;
	v17 =	vadd.f32 v18, v16  }
0x156: {  	v19 =	vpop (erf);
	v6 =	vadd.f32 v6, v20  }
0x157: {  	v18 =	vld [tilespmem:s9+$0x0];
	v20 =	vadd.f32 $1.000000000e+00, v19;
	v19 =	vpop (erf);
	v26 =	vsub.f32 $0.0e+00, v17  }
0x158: {  	v24 =	vmul.f32 v19, v24  }
0x159: {  	v27 =	vld [tilespmem:s28+$0x40];
	v6 =	vadd.f32 v23, v6;
	(erf) = vrcp.f32 v20;
	v20 =	vmul.f32 $1.442695020e+00, v26  }
0x15a: {  	v10 =	vadd.f32 v10, v22;
	v22 =	vld [tilespmem:s2+$0x50]  }
0x15b: {  	v15 =	vld [tilespmem:s26+$0xFFFFFFE0];
	v23 =	vpop (erf);
	[tilespmem:s26+$0xFFFFFFB0] =	vst v24;
	v6 =	vsub.f32 $0.0e+00, v6;
	(erf) = vpow2.f32 v20  }
0x15c: {  	v18 =	vmul.f32 v23, v18;
	v20 =	vld [tilespmem:s19+$0x440]  }
0x15d: {  	v24 =	vld [tilespmem:s28+$0xFFFFFFC0];
	v23 =	vpop (erf);
	v6 =	vmul.f32 $1.442695020e+00, v6  }
0x15e: {  	v10 =	vadd.f32 v27, v10;
	[tilespmem:s29+$0x0] =	vst v18;
	v18 =	vadd.f32 $1.000000000e+00, v23;
	v23 =	vld [tilespmem:s29+$0x10];
	v26 =	vpop (erf)  }
0x15f: {  	(erf) = vpow2.f32 v6;
	v6 =	vld [tilespmem:s9+$0x410];
	v22 =	vmul.f32 v26, v22  }
0x160: {  	v10 =	vsub.f32 $0.0e+00, v10  }
0x161: {  	v25 =	vld [tilespmem:s14+$0x0]  }
0x162: {  	v27 =	vld [tilespmem:s21+$0x60];
	(erf) = vrcp.f32 v18;
	v18 =	vmul.f32 $1.442695020e+00, v10;
	v7 =	vadd.f32 v7, v20  }
0x163: {  	v20 =	vld [tilespmem:s23+$0x10];
	[tilespmem:s21+$0x50] =	vst v22;
	v22 =	vpop (erf)  }
0x164: {  	(erf) = vpow2.f32 v18;
	v7 =	vadd.f32 v24, v7;
	v18 =	vld [tilespmem:s2+$0x460];
	v6 =	vadd.f32 v23, v6;
	v23 =	vpop (erf)  }
0x165: {  	v23 =	vadd.f32 $1.000000000e+00, v23  }
0x166: {  	v24 =	vld [tilespmem:s4+$0x60];
	v22 =	vmul.f32 v22, v25;
	v25 =	vsub.f32 $0.0e+00, v7  }
0x167: {  	v26 =	vld [tilespmem:s31+$0x20]  }
0x168: {  	v21 =	vld [tilespmem:s29+$0xFFFFFF90];
	v6 =	vadd.f32 v20, v6;
	[tilespmem:s29+$0xFFFFFF80] =	vst v22;
	v20 =	vmul.f32 $1.442695020e+00, v25  }
0x169: {  	v22 =	vld [tilespmem:s14+$0x410];
	(erf) = vrcp.f32 v23;
	v18 =	vadd.f32 v27, v18;
	v23 =	vpop (erf)  }
0x16a: {  	v6 =	vsub.f32 $0.0e+00, v6;
	(erf) = vpow2.f32 v20;
	v20 =	vadd.f32 $1.000000000e+00, v23  }
0x16b: {  	s17 =	simm.s32 $0x7E80;
	v25 =	vld [tilespmem:s23+$0xFFFFFF90];
	v18 =	vadd.f32 v24, v18;
	v23 =	vpop (erf)  }
0x16c: {  	v29 =	vld [tilespmem:s17+$0x0];
	v6 =	vmul.f32 $1.442695020e+00, v6;
	v23 =	vmul.f32 v23, v26  }
0x16d: {  	v24 =	vld [tilespmem:s0+$0x20];
	v18 =	vsub.f32 $0.0e+00, v18;
	(erf) = vrcp.f32 v20  }
0x16e: {  	s7 =	simm.s32 $0x800;
	[tilespmem:s24+$0x20] =	vst v23;
	(erf) = vpow2.f32 v6;
	v6 =	vadd.f32 v21, v22;
	v21 =	vld [tilespmem:s24+$0x30];
	v20 =	vpop (erf)  }
0x16f: {  	s8 =	simm.s32 $0x480;
	s18 =	simm.s32 $0x5680;
	v18 =	vmul.f32 $1.442695020e+00, v18;
	v22 =	vld [tilespmem:s31+$0x430];
	v20 =	vadd.f32 $1.000000000e+00, v20  }
0x170: {  	s13 =	simm.s32 $0x400;
	s11 =	sand.u32 $0x380, s8;
	s3 =	sand.u32 $0x3800, s7;
	v30 =	vld [tilespmem:s18+$0xFFFFFF80];
	v6 =	vadd.f32 v25, v6  }
0x171: {  	s8 =	simm.s32 $0x5780;
	s6 =	sand.u32 $0x300, s13;
	s10 =	sor.u32 $0x200, s3;
	v23 =	vld [tilespmem:s12+$0x30];
	(erf) = vrcp.f32 v20  }
0x172: {  	s3 =	sadd.s32 s11, s10;
	s11 =	sadd.s32 s6, s10;
	s6 =	simm.s32 $0x7F80;
	v35 =	vld [tilespmem:s8+$0x0];
	v6 =	vsub.f32 $0.0e+00, v6;
	(erf) = vpow2.f32 v18  }
0x173: {  	v45 =	vld [tilespmem:s6+$0x0];
	v18 =	vpop (erf)  }
0x174: {  	v37 =	vld [tilespmem:s8+$0xFFFFFF80];
	v18 =	vmul.f32 v18, v24;
	v6 =	vmul.f32 $1.442695020e+00, v6;
	v22 =	vadd.f32 v21, v22  }
0x175: {  	v28 =	vld [tilespmem:s26+$0x50];
	v24 =	vpop (erf)  }
0x176: {  	v25 =	vld [tilespmem:s1+$0x40];
	v24 =	vadd.f32 $1.000000000e+00, v24;
	(erf) = vpow2.f32 v6;
	v6 =	vadd.f32 v23, v22  }
0x177: {  	v11 =	vld [tilespmem:s24+$0xFFFFFFB0];
	v21 =	vpop (erf);
	[tilespmem:s24+$0xFFFFFFA0] =	vst v18  }
0x178: {  	v22 =	vld [tilespmem:s0+$0x430];
	v18 =	vpop (erf);
	v6 =	vsub.f32 $0.0e+00, v6  }
0x179: {  	v27 =	vld [tilespmem:s18+$0x0];
	v18 =	vadd.f32 $1.000000000e+00, v18  }
0x17a: {  	v23 =	vld [tilespmem:s12+$0xFFFFFFB0];
	(erf) = vrcp.f32 v24;
	v6 =	vmul.f32 $1.442695020e+00, v6;
	v24 =	vpop (erf)  }
0x17b: {  	(erf) = vrcp.f32 v18;
	v18 =	vmul.f32 v24, v25;
	v24 =	vpop (erf);
	v25 =	vld [tilespmem:s3+$0x400]  }
0x17c: {  	v3 =	vld [tilespmem:s26+$0xFFFFFFF0];
	v24 =	vadd.f32 $1.000000000e+00, v24  }
0x17d: {  	v13 =	vld [tilespmem:s24+$0xFFFFFFD0];
	(erf) = vpow2.f32 v6;
	v6 =	vadd.f32 v11, v22;
	[tilespmem:s26+$0x40] =	vst v18  }
0x17e: {  	v11 =	vld [tilespmem:s1+$0x450];
	(erf) = vrcp.f32 v24  }
0x17f: {  	v18 =	vld [tilespmem:s9+$0x10];
	v6 =	vadd.f32 v23, v6  }
0x180: {  	v22 =	vpop (erf);
	v23 =	vld [tilespmem:s28+$0x50];
	v24 =	vadd.f32 v27, v25  }
0x181: {  	v14 =	vld [tilespmem:s24+$0xFFFFFFC0];
	v22 =	vadd.f32 $1.000000000e+00, v22;
	v6 =	vsub.f32 $0.0e+00, v6  }
0x182: {  	v25 =	vld [tilespmem:s11+$0x400];
	v24 =	vadd.f32 v29, v24  }
0x183: {  	v27 =	vpop (erf);
	(erf) = vrcp.f32 v22;
	v22 =	vld [tilespmem:s2+$0x60];
	v31 =	vmul.f32 $1.442695020e+00, v6;
	v11 =	vadd.f32 v28, v11  }
0x184: {  	v26 =	vld [tilespmem:s19+$0x40];
	v28 =	vpop (erf);
	v24 =	vsub.f32 $0.0e+00, v24  }
0x185: {  	(erf) = vpow2.f32 v31;
	v18 =	vmul.f32 v28, v18;
	v28 =	vld [tilespmem:s17+$0xFFFFFF80];
	v11 =	vadd.f32 v23, v11  }
0x186: {  	v29 =	vld [tilespmem:s14+$0x10];
	v23 =	vpop (erf);
	v24 =	vmul.f32 $1.442695020e+00, v24  }
0x187: {  	[tilespmem:s29+$0x10] =	vst v18;
	v18 =	vadd.f32 v30, v25;
	v30 =	vld [tilespmem:s29+$0x20];
	v11 =	vsub.f32 $0.0e+00, v11;
	v25 =	vpop (erf)  }
0x188: {  	v23 =	vadd.f32 $1.000000000e+00, v23;
	v22 =	vmul.f32 v25, v22;
	(erf) = vpow2.f32 v24;
	v24 =	vld [tilespmem:s9+$0x420]  }
0x189: {  	v25 =	vld [tilespmem:s21+$0x70];
	v11 =	vmul.f32 $1.442695020e+00, v11  }
0x18a: {  	v18 =	vadd.f32 v28, v18;
	v28 =	vld [tilespmem:s23+$0x20];
	(erf) = vrcp.f32 v23;
	[tilespmem:s21+$0x60] =	vst v22  }
0x18b: {  	(erf) = vpow2.f32 v11;
	v11 =	vld [tilespmem:s2+$0x470]  }
0x18c: {  	v5 =	vld [tilespmem:s24+$0xFFFFFFE0];
	v22 =	vpop (erf)  }
0x18d: {  	v18 =	vsub.f32 $0.0e+00, v18;
	v22 =	vmul.f32 v22, v29;
	v29 =	vld [tilespmem:s4+$0x70];
	v24 =	vadd.f32 v30, v24  }
0x18e: {  	v4 =	vld [tilespmem:s24+$0xFFFFFFF0];
	v26 =	vmul.f32 v27, v26;
	v27 =	vpop (erf)  }
0x18f: {  	v18 =	vmul.f32 $1.442695020e+00, v18;
	v27 =	vadd.f32 $1.000000000e+00, v27;
	[tilespmem:s29+$0xFFFFFF90] =	vst v22;
	v22 =	vadd.f32 v28, v24;
	v24 =	vld [tilespmem:s31+$0x30]  }
0x190: {  	v16 =	vld [tilespmem:s29+$0xFFFFFFA0];
	[tilespmem:s26+$0xFFFFFFC0] =	vst v26;
	v11 =	vadd.f32 v25, v11  }
0x191: {  	v31 =	vld [tilespmem:s19+$0x450];
	(erf) = vpow2.f32 v18  }
0x192: {  	v18 =	vld [tilespmem:s14+$0x420];
	(erf) = vrcp.f32 v27;
	v25 =	vpop (erf);
	v22 =	vsub.f32 $0.0e+00, v22;
	v11 =	vadd.f32 v29, v11  }
0x193: {  	v23 =	vld [tilespmem:s0+$0x30];
	v25 =	vadd.f32 $1.000000000e+00, v25;
	v27 =	vpop (erf)  }
0x194: {  	v26 =	vld [tilespmem:s23+$0xFFFFFFA0];
	v29 =	vmul.f32 $1.442695020e+00, v22;
	v32 =	vpop (erf);
	v11 =	vsub.f32 $0.0e+00, v11;
	v24 =	vmul.f32 v27, v24  }
0x195: {  	(erf) = vrcp.f32 v25;
	v27 =	vld [tilespmem:s28+$0xFFFFFFD0];
	v25 =	vadd.f32 $1.000000000e+00, v32  }
0x196: {  	(erf) = vpow2.f32 v29;
	v11 =	vmul.f32 $1.442695020e+00, v11;
	[tilespmem:s24+$0x30] =	vst v24;
	v24 =	vld [tilespmem:s24+$0x40]  }
0x197: {  	v16 =	vadd.f32 v16, v18;
	(erf) = vrcp.f32 v25;
	v25 =	vld [tilespmem:s31+$0x440]  }
0x198: {  	v17 =	vld [tilespmem:s29+$0xFFFFFFB0];
	v9 =	vadd.f32 v9, v31  }
0x199: {  	v16 =	vadd.f32 v26, v16;
	v31 =	vld [tilespmem:s12+$0x40]  }
0x19a: {  	v19 =	vld [tilespmem:s29+$0xFFFFFFC0];
	(erf) = vpow2.f32 v11;
	v9 =	vadd.f32 v27, v9;
	v11 =	vpop (erf)  }
0x19b: {  	v29 =	vld [tilespmem:s3+$0x0];
	v26 =	vsub.f32 $0.0e+00, v16;
	v11 =	vadd.f32 $1.000000000e+00, v11;
	v27 =	vpop (erf)  }
0x19c: {  	v10 =	vld [tilespmem:s29+$0xFFFFFFD0];
	v9 =	vsub.f32 $0.0e+00, v9;
	v23 =	vmul.f32 v27, v23;
	v24 =	vadd.f32 v24, v25  }
0x19d: {  	v20 =	vld [tilespmem:s25+$0x50];
	v26 =	vmul.f32 $1.442695020e+00, v26  }
0x19e: {  	v25 =	vld [tilespmem:s1+$0x50];
	(erf) = vrcp.f32 v11;
	v9 =	vmul.f32 $1.442695020e+00, v9;
	v24 =	vadd.f32 v31, v24  }
0x19f: {  	v30 =	vld [tilespmem:s11+$0x0];
	v27 =	vpop (erf);
	(erf) = vpow2.f32 v26;
	[tilespmem:s24+$0xFFFFFFB0] =	vst v23  }
0x1a0: {  	v26 =	vmul.f32 v27, v29;
	v27 =	vld [tilespmem:s0+$0x440];
	(erf) = vpow2.f32 v9;
	v23 =	vpop (erf);
	v9 =	vsub.f32 $0.0e+00, v24  }
0x1a1: {  	v29 =	vld [tilespmem:s12+$0xFFFFFFC0];
	v23 =	vadd.f32 $1.000000000e+00, v23  }
0x1a2: {  	[tilespmem:s18+$0x0] =	vst v26;
	v26 =	vld [tilespmem:s18+$0x10];
	v31 =	vpop (erf);
	v9 =	vmul.f32 $1.442695020e+00, v9  }
0x1a3: {  	v33 =	vld [tilespmem:s17+$0x10];
	v24 =	vpop (erf);
	(erf) = vrcp.f32 v23;
	v23 =	vmul.f32 v31, v25  }
0x1a4: {  	v24 =	vadd.f32 $1.000000000e+00, v24;
	v25 =	vld [tilespmem:s3+$0x410]  }
0x1a5: {  	v31 =	vld [tilespmem:s26+$0x60];
	[tilespmem:s26+$0x50] =	vst v23  }
0x1a6: {  	v14 =	vadd.f32 v14, v27;
	(erf) = vrcp.f32 v24;
	v24 =	vld [tilespmem:s1+$0x460]  }
0x1a7: {  	v27 =	vld [tilespmem:s9+$0x20];
	(erf) = vpow2.f32 v9;
	v9 =	vpop (erf)  }
0x1a8: {  	v14 =	vadd.f32 v29, v14;
	v29 =	vld [tilespmem:s28+$0x60];
	v23 =	vpop (erf)  }
0x1a9: {  	v7 =	vld [tilespmem:s29+$0xFFFFFFE0];
	v20 =	vmul.f32 v21, v20;
	v30 =	vmul.f32 v9, v30;
	v21 =	vadd.f32 $1.000000000e+00, v23  }
0x1aa: {  	v51 =	vld [tilespmem:s26+$0x70];
	v25 =	vadd.f32 v26, v25  }
0x1ab: {  	v28 =	vld [tilespmem:s18+$0xFFFFFF90];
	v26 =	vpop (erf);
	[tilespmem:s18+$0xFFFFFF80] =	vst v30;
	(erf) = vrcp.f32 v21;
	v21 =	vadd.f32 v31, v24  }
0x1ac: {  	[tilespmem:s21+$0xFFFFFFD0] =	vst v20;
	v14 =	vsub.f32 $0.0e+00, v14;
	v25 =	vadd.f32 v33, v25;
	v20 =	vld [tilespmem:s11+$0x410];
	v24 =	vpop (erf)  }
0x1ad: {  	v6 =	vld [tilespmem:s29+$0xFFFFFFF0];
	v24 =	vmul.f32 v24, v27;
	v21 =	vadd.f32 v29, v21  }
0x1ae: {  	v14 =	vmul.f32 $1.442695020e+00, v14;
	v27 =	vld [tilespmem:s17+$0xFFFFFF90]  }
0x1af: {  	v40 =	vld [tilespmem:s14+$0x20];
	v31 =	vsub.f32 $0.0e+00, v25;
	v21 =	vsub.f32 $0.0e+00, v21  }
0x1b0: {  	v30 =	vld [tilespmem:s25+$0x460];
	v26 =	vadd.f32 $1.000000000e+00, v26;
	(erf) = vpow2.f32 v14;
	v25 =	vpop (erf)  }
0x1b1: {  	v14 =	vld [tilespmem:s4+$0xFFFFFFE0];
	v29 =	vmul.f32 $1.442695020e+00, v31;
	[tilespmem:s29+$0x20] =	vst v24;
	v20 =	vadd.f32 v28, v20;
	v24 =	vpop (erf);
	v21 =	vmul.f32 $1.442695020e+00, v21  }
0x1b2: {  	(erf) = vrcp.f32 v26;
	v31 =	vld [tilespmem:s29+$0x30];
	v24 =	vadd.f32 $1.000000000e+00, v24  }
0x1b3: {  	(erf) = vpow2.f32 v29;
	v28 =	vld [tilespmem:s9+$0x430];
	v20 =	vadd.f32 v27, v20  }
0x1b4: {  	v63 =	vld [tilespmem:s29+$0x40];
	(erf) = vrcp.f32 v24  }
0x1b5: {  	v24 =	vld [tilespmem:s23+$0x30];
	v20 =	vsub.f32 $0.0e+00, v20;
	(erf) = vpow2.f32 v21;
	v21 =	vpop (erf)  }
0x1b6: {  	v22 =	vld [tilespmem:s18+$0xFFFFFFA0];
	v8 =	vadd.f32 v8, v30;
	v21 =	vmul.f32 v21, v40  }
0x1b7: {  	v18 =	vld [tilespmem:s18+$0xFFFFFFB0];
	v20 =	vmul.f32 $1.442695020e+00, v20  }
0x1b8: {  	v16 =	vld [tilespmem:s18+$0xFFFFFFC0];
	v14 =	vadd.f32 v14, v8;
	v28 =	vadd.f32 v31, v28;
	[tilespmem:s29+$0xFFFFFFA0] =	vst v21  }
0x1b9: {  	(erf) = vpow2.f32 v20;
	v20 =	vld [tilespmem:s14+$0x430]  }
0x1ba: {  	v14 =	vsub.f32 $0.0e+00, v14;
	v31 =	vpop (erf);
	v21 =	vld [tilespmem:s31+$0x40];
	v24 =	vadd.f32 v24, v28  }
0x1bb: {  	v28 =	vadd.f32 $1.000000000e+00, v31;
	v31 =	vpop (erf);
	v41 =	vld [tilespmem:s23+$0xFFFFFFB0]  }
0x1bc: {  	s20 =	simm.s32 $0xA00;
	v11 =	vld [tilespmem:s18+$0xFFFFFFD0];
	v14 =	vmul.f32 $1.442695020e+00, v14;
	v42 =	vpop (erf);
	v24 =	vsub.f32 $0.0e+00, v24  }
0x1bd: {  	s7 =	simm.s32 $0x580;
	v26 =	vld [tilespmem:s2+$0x70];
	s2 =	sand.u32 $0x3800, s20;
	(erf) = vrcp.f32 v28;
	v28 =	vadd.f32 $1.000000000e+00, v42  }
0x1be: {  	s22 =	sand.u32 $0x380, s7;
	v46 =	vld [tilespmem:s3+$0x10];
	s13 =	sor.u32 $0x200, s2;
	(erf) = vpow2.f32 v14;
	v43 =	vpop (erf);
	v24 =	vmul.f32 $1.442695020e+00, v24;
	v17 =	vadd.f32 v17, v20  }
0x1bf: {  	v9 =	vld [tilespmem:s18+$0xFFFFFFE0];
	s2 =	sadd.s32 s22, s13;
	(erf) = vrcp.f32 v28;
	v21 =	vmul.f32 v43, v21;
	v44 =	vpop (erf)  }
0x1c0: {  	v28 =	vld [tilespmem:s2+$0x400];
	v20 =	vadd.f32 $1.000000000e+00, v44;
	v17 =	vadd.f32 v41, v17  }
0x1c1: {  	v14 =	vld [tilespmem:s24+$0x50];
	(erf) = vpow2.f32 v24;
	[tilespmem:s24+$0x40] =	vst v21  }
0x1c2: {  	v21 =	vld [tilespmem:s31+$0x450];
	(erf) = vrcp.f32 v20;
	v17 =	vsub.f32 $0.0e+00, v17  }
0x1c3: {  	v23 =	vld [tilespmem:s19+$0x50];
	s20 =	simm.s32 $0x500  }
0x1c4: {  	s20 =	sand.u32 $0x300, s20;
	v24 =	vpop (erf);
	v36 =	vld [tilespmem:s12+$0x50];
	v17 =	vmul.f32 $1.442695020e+00, v17  }
0x1c5: {  	v30 =	vld [tilespmem:s11+$0x10];
	s13 =	sadd.s32 s20, s13;
	v28 =	vadd.f32 v35, v28;
	v24 =	vadd.f32 $1.000000000e+00, v24  }
0x1c6: {  	v20 =	vld [tilespmem:s13+$0x400];
	v47 =	vpop (erf)  }
0x1c7: {  	v28 =	vadd.f32 v45, v28;
	(erf) = vrcp.f32 v24;
	v24 =	vld [tilespmem:s1+$0x60];
	v38 =	vpop (erf);
	v14 =	vadd.f32 v14, v21  }
0x1c8: {  	v29 =	vld [tilespmem:s0+$0x40];
	(erf) = vpow2.f32 v17;
	v17 =	vpop (erf)  }
0x1c9: {  	v21 =	vld [tilespmem:s6+$0xFFFFFF80];
	v39 =	vsub.f32 $0.0e+00, v28;
	v14 =	vadd.f32 v36, v14;
	v17 =	vmul.f32 v17, v46  }
0x1ca: {  	v8 =	vld [tilespmem:s18+$0xFFFFFFF0];
	v48 =	vadd.f32 $1.000000000e+00, v38;
	v49 =	vpop (erf)  }
0x1cb: {  	v50 =	vmul.f32 $1.442695020e+00, v39;
	v52 =	vpop (erf);
	v14 =	vsub.f32 $0.0e+00, v14;
	[tilespmem:s18+$0x10] =	vst v17;
	v17 =	vld [tilespmem:s18+$0x20]  }
0x1cc: {  	v20 =	vadd.f32 v37, v20;
	(erf) = vrcp.f32 v48;
	v24 =	vmul.f32 v52, v24;
	v53 =	vld [tilespmem:s3+$0x420]  }
0x1cd: {  	v27 =	vld [tilespmem:s25+$0x60];
	v32 =	vadd.f32 $1.000000000e+00, v49;
	(erf) = vpow2.f32 v50;
	v14 =	vmul.f32 $1.442695020e+00, v14  }
0x1ce: {  	v40 =	vld [tilespmem:s9+$0x30];
	v20 =	vadd.f32 v21, v20;
	[tilespmem:s26+$0x60] =	vst v24  }
0x1cf: {  	(erf) = vrcp.f32 v32;
	v24 =	vld [tilespmem:s1+$0x470]  }
0x1d0: {  	v54 =	vld [tilespmem:s17+$0x20];
	v20 =	vsub.f32 $0.0e+00, v20;
	(erf) = vpow2.f32 v14  }
0x1d1: {  	v55 =	vld [tilespmem:s28+$0x70];
	v14 =	vpop (erf);
	v33 =	vadd.f32 v17, v53  }
0x1d2: {  	v34 =	vld [tilespmem:s14+$0x30];
	v56 =	vmul.f32 $1.442695020e+00, v20;
	v14 =	vmul.f32 v14, v30;
	v30 =	vpop (erf)  }
0x1d3: {  	v42 =	vld [tilespmem:s2+$0x0];
	v30 =	vadd.f32 $1.000000000e+00, v30  }
0x1d4: {  	v29 =	vmul.f32 v47, v29;
	v38 =	vld [tilespmem:s13+$0x0];
	(erf) = vpow2.f32 v56;
	[tilespmem:s18+$0xFFFFFF90] =	vst v14;
	v24 =	vadd.f32 v51, v24  }
0x1d5: {  	v14 =	vadd.f32 v54, v33;
	v33 =	vpop (erf);
	(erf) = vrcp.f32 v30;
	v30 =	vld [tilespmem:s11+$0x420]  }
0x1d6: {  	v28 =	vld [tilespmem:s8+$0xFFFFFF90];
	[tilespmem:s24+$0xFFFFFFC0] =	vst v29;
	v24 =	vadd.f32 v55, v24;
	v57 =	vpop (erf)  }
0x1d7: {  	v61 =	vld [tilespmem:s0+$0x450];
	v14 =	vsub.f32 $0.0e+00, v14;
	v29 =	vadd.f32 $1.000000000e+00, v57  }
0x1d8: {  	v58 =	vld [tilespmem:s17+$0xFFFFFFA0];
	v59 =	vpop (erf);
	v24 =	vsub.f32 $0.0e+00, v24  }
0x1d9: {  	v36 =	vld [tilespmem:s0+$0x50];
	v60 =	vmul.f32 $1.442695020e+00, v14;
	v62 =	vpop (erf);
	(erf) = vrcp.f32 v29  }
0x1da: {  	v29 =	vadd.f32 $1.000000000e+00, v62;
	v24 =	vmul.f32 $1.442695020e+00, v24;
	v22 =	vadd.f32 v22, v30;
	v30 =	vld [tilespmem:s12+$0xFFFFFFD0]  }
0x1db: {  	v46 =	vld [tilespmem:s24+$0x60];
	v35 =	vmul.f32 v59, v40;
	(erf) = vpow2.f32 v60  }
0x1dc: {  	v23 =	vmul.f32 v31, v23;
	v21 =	vld [tilespmem:s8+$0xFFFFFFA0];
	(erf) = vrcp.f32 v29  }
0x1dd: {  	v52 =	vld [tilespmem:s3+$0x20];
	v13 =	vadd.f32 v13, v61;
	[tilespmem:s29+$0x30] =	vst v35;
	v31 =	vpop (erf);
	v22 =	vadd.f32 v58, v22  }
0x1de: {  	[tilespmem:s26+$0xFFFFFFD0] =	vst v23;
	v29 =	vld [tilespmem:s9+$0x440];
	v23 =	vadd.f32 $1.000000000e+00, v31;
	(erf) = vpow2.f32 v24;
	v24 =	vpop (erf)  }
0x1df: {  	v20 =	vld [tilespmem:s8+$0xFFFFFFB0];
	v22 =	vsub.f32 $0.0e+00, v22;
	v24 =	vmul.f32 v24, v34;
	v13 =	vadd.f32 v30, v13  }
0x1e0: {  	v31 =	vld [tilespmem:s23+$0x40]  }
0x1e1: {  	(erf) = vrcp.f32 v23;
	v22 =	vmul.f32 $1.442695020e+00, v22;
	[tilespmem:s29+$0xFFFFFFB0] =	vst v24;
	v13 =	vsub.f32 $0.0e+00, v13;
	v24 =	vld [tilespmem:s31+$0x50]  }
0x1e2: {  	v17 =	vld [tilespmem:s8+$0xFFFFFFC0]  }
0x1e3: {  	v29 =	vadd.f32 v63, v29;
	v23 =	vpop (erf);
	(erf) = vpow2.f32 v22;
	v22 =	vld [tilespmem:s14+$0x440];
	v13 =	vmul.f32 $1.442695020e+00, v13  }
0x1e4: {  	v56 =	vld [tilespmem:s28+$0xFFFFFFE0];
	v43 =	vpop (erf)  }
0x1e5: {  	v44 =	vld [tilespmem:s23+$0xFFFFFFC0];
	v37 =	vmul.f32 v23, v42;
	v45 =	vpop (erf);
	(erf) = vpow2.f32 v13;
	v13 =	vadd.f32 v31, v29  }
0x1e6: {  	v54 =	vld [tilespmem:s1+$0x70];
	v24 =	vmul.f32 v45, v24  }
0x1e7: {  	v34 =	vadd.f32 $1.000000000e+00, v43;
	[tilespmem:s8+$0x0] =	vst v37;
	v29 =	vld [tilespmem:s8+$0x10];
	v47 =	vpop (erf);
	v13 =	vsub.f32 $0.0e+00, v13  }
0x1e8: {  	v31 =	vld [tilespmem:s2+$0x410];
	v19 =	vadd.f32 v19, v22;
	[tilespmem:s24+$0x50] =	vst v24;
	v24 =	vadd.f32 $1.000000000e+00, v47  }
0x1e9: {  	v32 =	vld [tilespmem:s11+$0x20];
	(erf) = vrcp.f32 v34;
	v49 =	vmul.f32 $1.442695020e+00, v13  }
0x1ea: {  	v50 =	vpop (erf);
	v22 =	vld [tilespmem:s6+$0x10];
	v19 =	vadd.f32 v44, v19;
	(erf) = vrcp.f32 v24  }
0x1eb: {  	v48 =	vld [tilespmem:s31+$0x460];
	v24 =	vmul.f32 v50, v38;
	(erf) = vpow2.f32 v49  }
0x1ec: {  	v14 =	vld [tilespmem:s8+$0xFFFFFFD0];
	v51 =	vpop (erf);
	v19 =	vsub.f32 $0.0e+00, v19  }
0x1ed: {  	v53 =	vld [tilespmem:s12+$0x60];
	v29 =	vadd.f32 v29, v31;
	v37 =	vadd.f32 $1.000000000e+00, v51  }
0x1ee: {  	v30 =	vld [tilespmem:s19+$0x460];
	v19 =	vmul.f32 $1.442695020e+00, v19  }
0x1ef: {  	v27 =	vmul.f32 v33, v27;
	v23 =	vld [tilespmem:s14+$0x40];
	[tilespmem:s8+$0xFFFFFF80] =	vst v24;
	v29 =	vadd.f32 v22, v29;
	(erf) = vrcp.f32 v37;
	v24 =	vpop (erf)  }
0x1f0: {  	v41 =	vld [tilespmem:s13+$0x410];
	v57 =	vadd.f32 v46, v48;
	(erf) = vpow2.f32 v19;
	v19 =	vadd.f32 $1.000000000e+00, v24  }
0x1f1: {  	v25 =	vmul.f32 v25, v26;
	v13 =	vld [tilespmem:s8+$0xFFFFFFE0]  }
0x1f2: {  	v31 =	vld [tilespmem:s6+$0xFFFFFF90];
	v55 =	vpop (erf);
	v26 =	vadd.f32 v53, v57;
	(erf) = vrcp.f32 v19;
	v19 =	vsub.f32 $0.0e+00, v29  }
0x1f3: {  	[tilespmem:s21+$0xFFFFFFE0] =	vst v27;
	v22 =	vld [tilespmem:s19+$0x60];
	v37 =	vmul.f32 v55, v52;
	v27 =	vpop (erf)  }
0x1f4: {  	v15 =	vadd.f32 v15, v30;
	v24 =	vld [tilespmem:s13+$0x10];
	v26 =	vsub.f32 $0.0e+00, v26;
	v19 =	vmul.f32 $1.442695020e+00, v19;
	v30 =	vpop (erf)  }
0x1f5: {  	v29 =	vld [tilespmem:s18+$0x30];
	[tilespmem:s18+$0x20] =	vst v37;
	v28 =	vadd.f32 v28, v41;
	v30 =	vadd.f32 $1.000000000e+00, v30  }
0x1f6: {  	v58 =	vld [tilespmem:s3+$0x430];
	v61 =	vmul.f32 $1.442695020e+00, v26;
	(erf) = vpow2.f32 v19  }
0x1f7: {  	v28 =	vadd.f32 v31, v28;
	v31 =	vld [tilespmem:s25+$0x470];
	(erf) = vrcp.f32 v30  }
0x1f8: {  	v59 =	vld [tilespmem:s17+$0x30];
	v19 =	vadd.f32 v56, v15;
	(erf) = vpow2.f32 v61  }
0x1f9: {  	v26 =	vld [tilespmem:s4+$0xFFFFFFF0];
	v28 =	vsub.f32 $0.0e+00, v28;
	v60 =	vpop (erf)  }
0x1fa: {  	v15 =	vld [tilespmem:s8+$0xFFFFFFF0];
	v62 =	vsub.f32 $0.0e+00, v19;
	v32 =	vmul.f32 v60, v32  }
0x1fb: {  	[tilespmem:s21+$0x70] =	vst v25;
	v27 =	vmul.f32 v27, v54;
	v19 =	vld [tilespmem:s25+$0x70];
	v28 =	vmul.f32 $1.442695020e+00, v28;
	v33 =	vadd.f32 v29, v58;
	v30 =	vpop (erf)  }
0x1fc: {  	v31 =	vadd.f32 v12, v31;
	v63 =	vadd.f32 $1.000000000e+00, v30;
	[tilespmem:s18+$0xFFFFFFA0] =	vst v32;
	v30 =	vld [tilespmem:s9+$0x40];
	v25 =	vpop (erf);
	v32 =	vmul.f32 $1.442695020e+00, v62  }
0x1fd: {  	s30 =	simm.s32 $0xC00;
	(erf) = vpow2.f32 v28;
	v33 =	vadd.f32 v59, v33;
	v29 =	vld [tilespmem:s11+$0x430];
	v12 =	vmul.f32 v25, v36  }
0x1fe: {  	s1 =	simm.s32 $0x5780;
	s4 =	simm.s32 $0x7F80;
	[tilespmem:s26+$0x70] =	vst v27;
	s25 =	simm.s32 $0xA;
	v27 =	vld [tilespmem:s17+$0xFFFFFFB0];
	(erf) = vrcp.f32 v63  }
.LBB2_3:
0x1ff: {  	s20 =	sand.u32 $0x3800, s30;
	s7 =	sadd.s32 $0x100, s7;
	v28 =	vpop (erf);
	v25 =	vld [tilespmem:s11+$0x30];
	v33 =	vsub.f32 $0.0e+00, v33;
	[tilespmem:s24+$0xFFFFFFD0] =	vst v12;
	(erf) = vpow2.f32 v32;
	v12 =	vadd.f32 v26, v31  }
0x200: {  	s8 =	sadd.s32 $0x100, s8;
	s22 =	sor.u32 $0x200, s20;
	s20 =	sand.u32 $0x380, s7;
	v26 =	vadd.f32 $1.000000000e+00, v28;
	v28 =	vld [tilespmem:s29+$0x50];
	v31 =	vpop (erf)  }
0x201: {  	s10 =	sadd.s32 $0xFFFFFF80, s7;
	s20 =	sadd.s32 s20, s22;
	v32 =	vld [tilespmem:s8+$0x0];
	v33 =	vmul.f32 $1.442695020e+00, v33;
	v30 =	vmul.f32 v31, v30;
	v31 =	vpop (erf);
	v12 =	vsub.f32 $0.0e+00, v12  }
0x202: {  	s6 =	sadd.s32 $0x100, s6;
	s10 =	sand.u32 $0x300, s10;
	v34 =	vld [tilespmem:s20+$0x400];
	(erf) = vrcp.f32 v26;
	v26 =	vadd.f32 v18, v29;
	v29 =	vadd.f32 $1.000000000e+00, v31;
	v18 =	vmovc v20  }
0x203: {  	s22 =	sadd.s32 s10, s22;
	v20 =	vld [tilespmem:s6+$0x0];
	(erf) = vpow2.f32 v33;
	[tilespmem:s29+$0x40] =	vst v30;
	v30 =	vmul.f32 $1.442695020e+00, v12  }
0x204: {  	s25 =	sadd.s32 $0x2, s25;
	v26 =	vadd.f32 v27, v26;
	v27 =	vld [tilespmem:s9+$0x450];
	(erf) = vrcp.f32 v29  }
0x205: {  	p0 =	slt.u32 s25, $0x26;
	v29 =	vld [tilespmem:s22+$0x400];
	(erf) = vpow2.f32 v30  }
0x206: {  	v12 =	vpop (erf);
	v26 =	vsub.f32 $0.0e+00, v26;
	v30 =	vld [tilespmem:s23+$0x50]  }
0x207: {  	v31 =	vadd.f32 v32, v34;
	v12 =	vadd.f32 $1.000000000e+00, v12;
	v32 =	vld [tilespmem:s2+$0x10];
	v33 =	vpop (erf)  }
0x208: {  	v34 =	vld [tilespmem:s8+$0xFFFFFF80];
	v35 =	vmul.f32 $1.442695020e+00, v26;
	v23 =	vmul.f32 v33, v23;
	v33 =	vpop (erf)  }
0x209: {  	v20 =	vadd.f32 v20, v31;
	(erf) = vrcp.f32 v12;
	v12 =	vadd.f32 v28, v27;
	v28 =	vld [tilespmem:s31+$0x60]  }
0x20a: {  	v31 =	vld [tilespmem:s6+$0xFFFFFF80];
	(erf) = vpow2.f32 v35;
	[tilespmem:s29+$0xFFFFFFC0] =	vst v23;
	v23 =	vadd.f32 $1.000000000e+00, v33  }
0x20b: {  	v27 =	vld [tilespmem:s22+$0x0];
	v20 =	vsub.f32 $0.0e+00, v20;
	v26 =	vpop (erf);
	v30 =	vadd.f32 v30, v12  }
0x20c: {  	v12 =	vld [tilespmem:s8+$0xFFFFFF90];
	v26 =	vmul.f32 v26, v32;
	v32 =	vpop (erf);
	(erf) = vrcp.f32 v23  }
0x20d: {  	v23 =	vadd.f32 v34, v29;
	v20 =	vmul.f32 $1.442695020e+00, v20;
	v29 =	vsub.f32 $0.0e+00, v30;
	v30 =	vld [tilespmem:s24+$0x70];
	v33 =	vpop (erf)  }
0x20e: {  	v32 =	vadd.f32 $1.000000000e+00, v32;
	[tilespmem:s1+$0x10] =	vst v26;
	v26 =	vld [tilespmem:s1+$0x20];
	v28 =	vmul.f32 v33, v28;
	v33 =	vpop (erf)  }
0x20f: {  	v23 =	vadd.f32 v31, v23;
	(erf) = vpow2.f32 v20;
	v31 =	vld [tilespmem:s2+$0x420];
	v34 =	vmul.f32 $1.442695020e+00, v29  }
0x210: {  	v35 =	vadd.f32 $1.000000000e+00, v33;
	v29 =	vld [tilespmem:s4+$0x20];
	(erf) = vrcp.f32 v32;
	[tilespmem:s24+$0x60] =	vst v28  }
0x211: {  	v23 =	vsub.f32 $0.0e+00, v23;
	(erf) = vpow2.f32 v34;
	v32 =	vld [tilespmem:s31+$0x470]  }
0x212: {  	v33 =	vld [tilespmem:s8+$0xFFFFFFA0];
	v20 =	vpop (erf);
	(erf) = vrcp.f32 v35  }
0x213: {  	v35 =	vmul.f32 $1.442695020e+00, v23;
	v24 =	vmul.f32 v20, v24;
	v28 =	vpop (erf);
	v34 =	vld [tilespmem:s12+$0x70]  }
0x214: {  	v20 =	vld [tilespmem:s8+$0xFFFFFFB0];
	v26 =	vadd.f32 v26, v31;
	v28 =	vadd.f32 $1.000000000e+00, v28  }
0x215: {  	v31 =	vld [tilespmem:s8+$0xFFFFFFC0];
	(erf) = vpow2.f32 v35;
	[tilespmem:s1+$0xFFFFFF90] =	vst v24;
	v23 =	vpop (erf)  }
0x216: {  	v24 =	vadd.f32 v29, v26;
	v29 =	vld [tilespmem:s3+$0x30];
	(erf) = vrcp.f32 v28;
	v26 =	vadd.f32 v30, v32  }
0x217: {  	v22 =	vmul.f32 v23, v22;
	v28 =	vld [tilespmem:s13+$0x420]  }
0x218: {  	v23 =	vpop (erf);
	v30 =	vld [tilespmem:s4+$0xFFFFFFA0];
	v24 =	vsub.f32 $0.0e+00, v24;
	v32 =	vadd.f32 v34, v26  }
0x219: {  	v23 =	vadd.f32 $1.000000000e+00, v23;
	v26 =	vld [tilespmem:s13+$0x20];
	v34 =	vpop (erf);
	[tilespmem:s26+$0xFFFFFFE0] =	vst v22  }
0x21a: {  	v22 =	vmul.f32 $1.442695020e+00, v24;
	v24 =	vld [tilespmem:s14+$0x450];
	v35 =	vpop (erf);
	v32 =	vsub.f32 $0.0e+00, v32  }
0x21b: {  	v36 =	vld [tilespmem:s8+$0xFFFFFFD0];
	(erf) = vrcp.f32 v23;
	v23 =	vmul.f32 v34, v29;
	v35 =	vadd.f32 $1.000000000e+00, v35;
	v34 =	vpop (erf)  }
0x21c: {  	v28 =	vadd.f32 v21, v28;
	(erf) = vpow2.f32 v22;
	v22 =	vld [tilespmem:s23+$0xFFFFFFD0];
	v37 =	vmul.f32 $1.442695020e+00, v32;
	v21 =	vmovc v33  }
0x21d: {  	v19 =	vmul.f32 v34, v19;
	[tilespmem:s18+$0x30] =	vst v23;
	v23 =	vld [tilespmem:s18+$0x40];
	(erf) = vrcp.f32 v35  }
0x21e: {  	v29 =	vpop (erf);
	v30 =	vadd.f32 v30, v28;
	v33 =	vld [tilespmem:s3+$0x440];
	(erf) = vpow2.f32 v37  }
0x21f: {  	v29 =	vadd.f32 $1.000000000e+00, v29;
	v32 =	vpop (erf);
	v28 =	vld [tilespmem:s14+$0x50];
	v24 =	vadd.f32 v10, v24;
	[tilespmem:s21+$0xFFFFFFF0] =	vst v19;
	v10 =	vmov v11;
	s21 =	smov.u32 s26;
	s26 =	smov.u32 s24;
	s24 =	smov.u32 s29  }
0x220: {  	v11 =	vmovc v14;
	s29 =	smov.u32 s18;
	s18 =	smov.u32 s1;
	s1 =	smov.u32 s8;
	v19 =	vsub.f32 $0.0e+00, v30;
	v25 =	vmul.f32 v32, v25;
	v30 =	vld [tilespmem:s17+$0x40];
	v14 =	vmov v36  }
0x221: {  	v32 =	vld [tilespmem:s20+$0x0];
	(erf) = vrcp.f32 v29;
	v22 =	vadd.f32 v22, v24  }
0x222: {  	v19 =	vmul.f32 $1.442695020e+00, v19;
	[tilespmem:s29+$0xFFFFFFB0] =	vst v25;
	v24 =	vld [tilespmem:s0+$0x460]  }
0x223: {  	v23 =	vadd.f32 v23, v33;
	v22 =	vsub.f32 $0.0e+00, v22;
	v25 =	vld [tilespmem:s9+$0x50]  }
0x224: {  	v29 =	vpop (erf);
	(erf) = vpow2.f32 v19;
	v19 =	vld [tilespmem:s11+$0x440]  }
0x225: {  	v33 =	vpop (erf);
	v34 =	vld [tilespmem:s17+$0xFFFFFFC0];
	v30 =	vadd.f32 v30, v23;
	v36 =	vmul.f32 $1.442695020e+00, v22  }
0x226: {  	v29 =	vmul.f32 v29, v32;
	v23 =	vld [tilespmem:s11+$0x40];
	v32 =	vpop (erf)  }
0x227: {  	v37 =	vadd.f32 $1.000000000e+00, v33;
	v30 =	vsub.f32 $0.0e+00, v30;
	v35 =	vld [tilespmem:s24+$0x60];
	(erf) = vpow2.f32 v36;
	v22 =	vpop (erf)  }
0x228: {  	[tilespmem:s8+$0x0] =	vst v29;
	v29 =	vld [tilespmem:s8+$0x10];
	v25 =	vmul.f32 v32, v25;
	v32 =	vadd.f32 v5, v24;
	v22 =	vadd.f32 $1.000000000e+00, v22;
	v5 =	vmovc v7  }
0x229: {  	v24 =	vld [tilespmem:s20+$0x410];
	(erf) = vrcp.f32 v37;
	v19 =	vadd.f32 v16, v19;
	v30 =	vmul.f32 $1.442695020e+00, v30;
	v16 =	vmovc v17;
	v17 =	vmovc v31  }
0x22a: {  	v7 =	vmov v9;
	v9 =	vmov v13;
	v31 =	vld [tilespmem:s6+$0x10];
	v33 =	vpop (erf);
	[tilespmem:s24+$0x50] =	vst v25;
	(erf) = vrcp.f32 v22  }
0x22b: {  	v27 =	vmul.f32 v33, v27;
	v19 =	vadd.f32 v34, v19;
	(erf) = vpow2.f32 v30;
	v25 =	vld [tilespmem:s9+$0x460]  }
0x22c: {  	v13 =	vld [tilespmem:s8+$0xFFFFFFE0]  }
0x22d: {  	[tilespmem:s8+$0xFFFFFF80] =	vst v27;
	v22 =	vpop (erf);
	v19 =	vsub.f32 $0.0e+00, v19;
	v27 =	vld [tilespmem:s23+$0x60]  }
0x22e: {  	v34 =	vadd.f32 v29, v24;
	v22 =	vadd.f32 $1.000000000e+00, v22;
	v29 =	vld [tilespmem:s2+$0x20]  }
0x22f: {  	v19 =	vmul.f32 $1.442695020e+00, v19;
	v30 =	vld [tilespmem:s31+$0x70];
	s31 =	smov.u32 s9;
	s9 =	smov.u32 s3;
	s3 =	smov.u32 s2  }
0x230: {  	s2 =	smov.u32 s20;
	v33 =	vld [tilespmem:s22+$0x410];
	v31 =	vadd.f32 v31, v34;
	(erf) = vrcp.f32 v22;
	v22 =	vadd.f32 v35, v25;
	v24 =	vpop (erf)  }
0x231: {  	v25 =	vld [tilespmem:s6+$0xFFFFFF90];
	(erf) = vpow2.f32 v19;
	v19 =	vadd.f32 $1.000000000e+00, v24  }
0x232: {  	v24 =	vld [tilespmem:s22+$0x10];
	v31 =	vsub.f32 $0.0e+00, v31;
	v34 =	vpop (erf);
	v22 =	vadd.f32 v27, v22  }
0x233: {  	v27 =	vmul.f32 v34, v29;
	(erf) = vrcp.f32 v19;
	v19 =	vld [tilespmem:s12+$0xFFFFFFE0];
	v29 =	vpop (erf)  }
0x234: {  	v31 =	vmul.f32 $1.442695020e+00, v31;
	v34 =	vpop (erf);
	v35 =	vsub.f32 $0.0e+00, v22;
	v22 =	vld [tilespmem:s0+$0x60];
	v29 =	vmul.f32 v29, v30  }
0x235: {  	v12 =	vadd.f32 v12, v33;
	[tilespmem:s18+$0x20] =	vst v27;
	v27 =	vld [tilespmem:s18+$0x30];
	v30 =	vadd.f32 $1.000000000e+00, v34  }
0x236: {  	(erf) = vpow2.f32 v31;
	v31 =	vld [tilespmem:s3+$0x430];
	v33 =	vmul.f32 $1.442695020e+00, v35;
	[tilespmem:s26+$0x70] =	vst v29  }
0x237: {  	v12 =	vadd.f32 v25, v12;
	(erf) = vrcp.f32 v30;
	v25 =	vld [tilespmem:s19+$0x470]  }
0x238: {  	v34 =	vld [tilespmem:s4+$0x30];
	(erf) = vpow2.f32 v33;
	v19 =	vadd.f32 v19, v32  }
0x239: {  	v12 =	vsub.f32 $0.0e+00, v12;
	v35 =	vld [tilespmem:s8+$0xFFFFFFF0];
	v29 =	vpop (erf)  }
.Ltmp2:
0x23a: {  	v29 =	vmul.f32 v29, v26;
	v30 =	vpop (erf);
	v32 =	vsub.f32 $0.0e+00, v19;
	v26 =	vld [tilespmem:s28+$0xFFFFFFF0];
	s28 =	smov.u32 s12;
	s12 =	smov.u32 s23;
	(pc) =	sbr.rel @p0 .LBB2_3-.Ltmp2, $4  }
0x23b: {  	s23 =	smov.u32 s17;
	s17 =	smov.u32 s4;
	s4 =	smov.u32 s6;
	v12 =	vmul.f32 $1.442695020e+00, v12;
	v27 =	vadd.f32 v27, v31;
	v36 =	vadd.f32 $1.000000000e+00, v30;
	v19 =	vld [tilespmem:s19+$0x70]  }
0x23c: {  	s19 =	smov.u32 s0;
	s0 =	smov.u32 s14;
	s14 =	smov.u32 s11;
	[tilespmem:s18+$0xFFFFFFA0] =	vst v29;
	v30 =	vld [tilespmem:s9+$0x40];
	v37 =	vpop (erf);
	v32 =	vmul.f32 $1.442695020e+00, v32;
	v31 =	vadd.f32 v3, v25;
	v3 =	vmov v4  }
0x23d: {  	s11 =	smov.u32 s13;
	v4 =	vmovc v6;
	v6 =	vmovc v8;
	(erf) = vpow2.f32 v12;
	v29 =	vld [tilespmem:s13+$0x430];
	v33 =	vadd.f32 v34, v27;
	v12 =	vmul.f32 v37, v28;
	s13 =	smov.u32 s22  }
0x23e: {  	s30 =	sadd.s32 $0x200, s30;
	v8 =	vmov v15;
	v27 =	vld [tilespmem:s17+$0xFFFFFFB0];
	(erf) = vrcp.f32 v36;
	v15 =	vmov v35  }
0x23f: {  	v25 =	vpop (erf);
	v28 =	vsub.f32 $0.0e+00, v33  }
0x240: {  	v25 =	vadd.f32 $1.000000000e+00, v25  }
0x241: {  	(erf) = vpow2.f32 v32;
	v62 =	vpop (erf);
	v28 =	vmul.f32 $1.442695020e+00, v28  }
0x242: {  	v30 =	vmul.f32 v62, v30;
	v63 =	vpop (erf);
	(erf) = vrcp.f32 v25  }
0x243: {  	v26 =	vadd.f32 v26, v31;
	v32 =	vadd.f32 $1.000000000e+00, v63  }
0x244: {  	v25 =	vld [tilespmem:s29+$0x50];
	(erf) = vpow2.f32 v28;
	[tilespmem:s29+$0x40] =	vst v30  }
0x245: {  	v26 =	vsub.f32 $0.0e+00, v26;
	v18 =	vadd.f32 v18, v29;
	v28 =	vld [tilespmem:s9+$0x450];
	(erf) = vrcp.f32 v32  }
0x246: {  	v30 =	vld [tilespmem:s2+$0x10]  }
0x247: {  	v26 =	vmul.f32 $1.442695020e+00, v26;
	v29 =	vld [tilespmem:s23+$0x50];
	v18 =	vadd.f32 v27, v18  }
0x248: {  	v27 =	vpop (erf)  }
0x249: {  	v18 =	vsub.f32 $0.0e+00, v18;
	(erf) = vpow2.f32 v26;
	v31 =	vpop (erf);
	v26 =	vadd.f32 $1.000000000e+00, v27  }
0x24a: {  	v36 =	vpop (erf);
	v25 =	vadd.f32 v25, v28;
	v28 =	vld [tilespmem:s31+$0x60]  }
0x24b: {  	v18 =	vmul.f32 $1.442695020e+00, v18;
	v27 =	vpop (erf)  }
0x24c: {  	v25 =	vadd.f32 v29, v25;
	(erf) = vrcp.f32 v26;
	v27 =	vmul.f32 v27, v30  }
0x24d: {  	v26 =	vpop (erf);
	(erf) = vpow2.f32 v18;
	v18 =	vadd.f32 $1.000000000e+00, v36  }
0x24e: {  	v25 =	vsub.f32 $0.0e+00, v25;
	v30 =	vpop (erf);
	[tilespmem:s1+$0x10] =	vst v27;
	v27 =	vld [tilespmem:s1+$0x20]  }
0x24f: {  	v26 =	vadd.f32 $1.000000000e+00, v26;
	v28 =	vmul.f32 v30, v28;
	(erf) = vrcp.f32 v18;
	v18 =	vld [tilespmem:s2+$0x420]  }
0x250: {  	v29 =	vld [tilespmem:s24+$0x70];
	v25 =	vmul.f32 $1.442695020e+00, v25  }
0x251: {  	v30 =	vld [tilespmem:s4+$0x20];
	(erf) = vrcp.f32 v26;
	[tilespmem:s24+$0x60] =	vst v28  }
0x252: {  	(erf) = vpow2.f32 v25;
	v25 =	vld [tilespmem:s31+$0x470];
	_ =	sdelay $0x1  }
0x253: {  	v28 =	vpop (erf);
	v18 =	vadd.f32 v27, v18  }
0x254: {  	v26 =	vld [tilespmem:s12+$0x70];
	v27 =	vadd.f32 $1.000000000e+00, v28;
	v28 =	vpop (erf)  }
0x255: {  	v24 =	vmul.f32 v28, v24;
	v18 =	vadd.f32 v30, v18  }
0x256: {  	v23 =	vmul.f32 v31, v23;
	v28 =	vpop (erf);
	v25 =	vadd.f32 v29, v25  }
0x257: {  	v37 =	vld [tilespmem:s3+$0x30];
	v28 =	vadd.f32 $1.000000000e+00, v28;
	[tilespmem:s1+$0xFFFFFF90] =	vst v24;
	v18 =	vsub.f32 $0.0e+00, v18  }
0x258: {  	[tilespmem:s29+$0xFFFFFFC0] =	vst v23;
	v23 =	vld [tilespmem:s13+$0x420]  }
0x259: {  	(erf) = vrcp.f32 v27;
	v27 =	vld [tilespmem:s14+$0x450];
	v25 =	vadd.f32 v26, v25;
	v24 =	vpop (erf);
	v18 =	vmul.f32 $1.442695020e+00, v18  }
0x25a: {  	(erf) = vrcp.f32 v28;
	v29 =	vld [tilespmem:s4+$0xFFFFFFA0];
	v26 =	vpop (erf)  }
0x25b: {  	v25 =	vsub.f32 $0.0e+00, v25;
	v28 =	vpop (erf);
	(erf) = vpow2.f32 v18;
	v18 =	vld [tilespmem:s23+$0xFFFFFFD0]  }
0x25c: {  	v26 =	vmul.f32 v26, v37;
	v28 =	vadd.f32 $1.000000000e+00, v28  }
0x25d: {  	v25 =	vmul.f32 $1.442695020e+00, v25;
	v21 =	vadd.f32 v21, v23  }
0x25e: {  	v10 =	vadd.f32 v10, v27;
	[tilespmem:s18+$0x30] =	vst v26;
	v26 =	vld [tilespmem:s18+$0x40];
	(erf) = vrcp.f32 v28  }
0x25f: {  	v23 =	vld [tilespmem:s3+$0x440];
	(erf) = vpow2.f32 v25;
	v21 =	vadd.f32 v29, v21  }
0x260: {  	v25 =	vld [tilespmem:s11+$0x30];
	v18 =	vadd.f32 v18, v10  }
0x261: {  	v27 =	vld [tilespmem:s17+$0x40];
	v21 =	vsub.f32 $0.0e+00, v21  }
0x262: {  	v18 =	vsub.f32 $0.0e+00, v18  }
0x263: {  	v10 =	vpop (erf);
	v21 =	vmul.f32 $1.442695020e+00, v21  }
0x264: {  	v28 =	vpop (erf);
	v23 =	vadd.f32 v26, v23;
	v26 =	vld [tilespmem:s9+$0x50];
	v18 =	vmul.f32 $1.442695020e+00, v18  }
0x265: {  	v25 =	vmul.f32 v28, v25  }
0x266: {  	v28 =	vpop (erf);
	v23 =	vadd.f32 v27, v23  }
0x267: {  	(erf) = vpow2.f32 v21;
	[tilespmem:s18+$0xFFFFFFB0] =	vst v25;
	v21 =	vpop (erf)  }
0x268: {  	v25 =	vadd.f32 $1.000000000e+00, v28;
	v27 =	vld [tilespmem:s11+$0x440];
	v23 =	vsub.f32 $0.0e+00, v23;
	(erf) = vpow2.f32 v18;
	v18 =	vpop (erf)  }
0x269: {  	v21 =	vmul.f32 v21, v26;
	v18 =	vadd.f32 $1.000000000e+00, v18  }
0x26a: {  	v28 =	vld [tilespmem:s17+$0xFFFFFFC0];
	(erf) = vrcp.f32 v25;
	v23 =	vmul.f32 $1.442695020e+00, v23  }
0x26b: {  	v25 =	vld [tilespmem:s29+$0x60];
	[tilespmem:s29+$0x50] =	vst v21;
	(erf) = vrcp.f32 v18  }
0x26c: {  	v18 =	vld [tilespmem:s9+$0x460];
	(erf) = vpow2.f32 v23  }
0x26d: {  	v16 =	vadd.f32 v16, v27  }
0x26e: {  	v21 =	vld [tilespmem:s23+$0x60]  }
0x26f: {  	v23 =	vld [tilespmem:s2+$0x20];
	v16 =	vadd.f32 v28, v16;
	_ =	sdelay $0x1  }
0x270: {  	v26 =	vpop (erf);
	v16 =	vsub.f32 $0.0e+00, v16;
	v18 =	vadd.f32 v25, v18  }
0x271: {  	v26 =	vadd.f32 $1.000000000e+00, v26;
	v25 =	vpop (erf)  }
0x272: {  	v27 =	vpop (erf);
	v16 =	vmul.f32 $1.442695020e+00, v16;
	v18 =	vadd.f32 v21, v18  }
0x273: {  	[tilespmem:s24+$0xFFFFFFD0] =	vst v12;
	(erf) = vrcp.f32 v26;
	v21 =	vmul.f32 v27, v23;
	v12 =	vpop (erf)  }
0x274: {  	v26 =	vld [tilespmem:s12+$0xFFFFFFE0];
	(erf) = vpow2.f32 v16;
	v16 =	vadd.f32 $1.000000000e+00, v25;
	v18 =	vsub.f32 $0.0e+00, v18;
	v25 =	vpop (erf)  }
0x275: {  	v23 =	vld [tilespmem:s0+$0x460];
	v25 =	vadd.f32 $1.000000000e+00, v25  }
0x276: {  	[tilespmem:s1+$0x20] =	vst v21;
	v21 =	vld [tilespmem:s1+$0x30];
	(erf) = vrcp.f32 v16;
	v18 =	vmul.f32 $1.442695020e+00, v18  }
0x277: {  	v16 =	vld [tilespmem:s2+$0x430];
	(erf) = vrcp.f32 v25  }
0x278: {  	(erf) = vpow2.f32 v18;
	v18 =	vld [tilespmem:s13+$0x20]  }
0x279: {  	v25 =	vld [tilespmem:s4+$0x30];
	_ =	sdelay $0x1  }
0x27a: {  	v5 =	vadd.f32 v5, v23  }
0x27b: {  	v16 =	vadd.f32 v21, v16;
	v21 =	vmul.f32 v24, v22;
	v22 =	vpop (erf)  }
0x27c: {  	v23 =	vld [tilespmem:s3+$0x40];
	v5 =	vadd.f32 v26, v5;
	v18 =	vmul.f32 v22, v18  }
0x27d: {  	v24 =	vpop (erf);
	v16 =	vadd.f32 v25, v16  }
0x27e: {  	v5 =	vsub.f32 $0.0e+00, v5;
	[tilespmem:s26+$0xFFFFFFE0] =	vst v21;
	v21 =	vadd.f32 $1.000000000e+00, v24  }
0x27f: {  	v22 =	vld [tilespmem:s19+$0x470];
	v24 =	vpop (erf);
	v16 =	vsub.f32 $0.0e+00, v16;
	[tilespmem:s1+$0xFFFFFFA0] =	vst v18  }
0x280: {  	v5 =	vmul.f32 $1.442695020e+00, v5;
	(erf) = vrcp.f32 v21;
	v21 =	vld [tilespmem:s13+$0x430];
	v18 =	vpop (erf)  }
0x281: {  	v25 =	vld [tilespmem:s28+$0xFFFFFFF0];
	v16 =	vmul.f32 $1.442695020e+00, v16;
	v18 =	vmul.f32 v18, v23;
	v23 =	vpop (erf)  }
0x282: {  	(erf) = vpow2.f32 v5;
	v26 =	vld [tilespmem:s4+$0xFFFFFFB0];
	v23 =	vadd.f32 $1.000000000e+00, v23  }
0x283: {  	v5 =	vld [tilespmem:s18+$0x50];
	(erf) = vpow2.f32 v16;
	[tilespmem:s18+$0x40] =	vst v18  }
0x284: {  	v3 =	vadd.f32 v3, v22;
	v16 =	vld [tilespmem:s3+$0x450];
	(erf) = vrcp.f32 v23  }
0x285: {  	v18 =	vadd.f32 v20, v21  }
0x286: {  	v3 =	vadd.f32 v25, v3;
	v20 =	vld [tilespmem:s17+$0x50]  }
0x287: {  	v18 =	vadd.f32 v26, v18  }
0x288: {  	v3 =	vsub.f32 $0.0e+00, v3  }
0x289: {  	v18 =	vsub.f32 $0.0e+00, v18;
	v5 =	vadd.f32 v5, v16;
	v16 =	vld [tilespmem:s9+$0x60]  }
0x28a: {  	v21 =	vpop (erf);
	v3 =	vmul.f32 $1.442695020e+00, v3  }
0x28b: {  	v22 =	vpop (erf);
	v18 =	vmul.f32 $1.442695020e+00, v18;
	v5 =	vadd.f32 v20, v5  }
0x28c: {  	(erf) = vpow2.f32 v3;
	v20 =	vpop (erf)  }
0x28d: {  	v3 =	vadd.f32 $1.000000000e+00, v22;
	(erf) = vpow2.f32 v18;
	v5 =	vsub.f32 $0.0e+00, v5;
	v22 =	vpop (erf)  }
0x28e: {  	v18 =	vadd.f32 $1.000000000e+00, v20;
	v16 =	vmul.f32 v22, v16  }
0x28f: {  	(erf) = vrcp.f32 v3;
	v3 =	vld [tilespmem:s29+$0x70];
	v5 =	vmul.f32 $1.442695020e+00, v5  }
0x290: {  	(erf) = vrcp.f32 v18;
	[tilespmem:s29+$0x60] =	vst v16;
	v16 =	vld [tilespmem:s11+$0x40]  }
0x291: {  	(erf) = vpow2.f32 v5;
	v5 =	vld [tilespmem:s9+$0x470];
	_ =	sdelay $0x1  }
0x292: {  	v18 =	vld [tilespmem:s23+$0x70];
	_ =	sdelay $0x1  }
0x293: {  	v20 =	vld [tilespmem:s2+$0x30];
	v22 =	vpop (erf)  }
0x294: {  	v16 =	vmul.f32 v21, v16;
	v21 =	vadd.f32 $1.000000000e+00, v22;
	v3 =	vadd.f32 v3, v5;
	v5 =	vpop (erf)  }
0x295: {  	v5 =	vadd.f32 $1.000000000e+00, v5  }
0x296: {  	v22 =	vpop (erf);
	(erf) = vrcp.f32 v21;
	v3 =	vadd.f32 v18, v3  }
0x297: {  	v18 =	vpop (erf);
	(erf) = vrcp.f32 v5  }
0x298: {  	[tilespmem:s18+$0xFFFFFFC0] =	vst v16;
	v21 =	vld [tilespmem:s13+$0x30];
	v18 =	vmul.f32 v18, v20;
	v16 =	vpop (erf);
	v3 =	vsub.f32 $0.0e+00, v3  }
0x299: {  	v5 =	vld [tilespmem:s11+$0x450];
	v16 =	vadd.f32 $1.000000000e+00, v16  }
0x29a: {  	[tilespmem:s1+$0x30] =	vst v18;
	v18 =	vld [tilespmem:s1+$0x40];
	v3 =	vmul.f32 $1.442695020e+00, v3  }
0x29b: {  	(erf) = vrcp.f32 v16;
	v16 =	vld [tilespmem:s2+$0x440]  }
0x29c: {  	v20 =	vld [tilespmem:s17+$0xFFFFFFD0];
	(erf) = vpow2.f32 v3;
	_ =	sdelay $0x1  }
0x29d: {  	v23 =	vld [tilespmem:s4+$0x40]  }
0x29e: {  	v5 =	vadd.f32 v11, v5;
	v3 =	vpop (erf)  }
0x29f: {  	v11 =	vadd.f32 v18, v16;
	v16 =	vpop (erf)  }
0x2a0: {  	v5 =	vadd.f32 v20, v5;
	v16 =	vmul.f32 v16, v21;
	_ =	sdelay $0x1  }
0x2a1: {  	v5 =	vsub.f32 $0.0e+00, v5;
	v11 =	vadd.f32 v23, v11  }
0x2a2: {  	[tilespmem:s1+$0xFFFFFFB0] =	vst v16;
	v18 =	vpop (erf)  }
0x2a3: {  	v5 =	vmul.f32 $1.442695020e+00, v5;
	v11 =	vsub.f32 $0.0e+00, v11;
	v20 =	vld [tilespmem:s13+$0x440];
	v16 =	vpop (erf)  }
0x2a4: {  	v16 =	vadd.f32 $1.000000000e+00, v16  }
0x2a5: {  	(erf) = vpow2.f32 v5;
	v5 =	vmul.f32 $1.442695020e+00, v11;
	v11 =	vld [tilespmem:s4+$0xFFFFFFC0]  }
0x2a6: {  	(erf) = vrcp.f32 v16  }
0x2a7: {  	(erf) = vpow2.f32 v5;
	v5 =	vld [tilespmem:s3+$0x50]  }
0x2a8: {  	v16 =	vadd.f32 v17, v20;
	v17 =	vld [tilespmem:s14+$0x50];
	_ =	sdelay $0x1  }
0x2a9: {  	v11 =	vadd.f32 v11, v16;
	_ =	sdelay $0x1  }
0x2aa: {  	v11 =	vsub.f32 $0.0e+00, v11;
	v16 =	vmul.f32 v18, v5  }
0x2ab: {  	v17 =	vmul.f32 v24, v17  }
0x2ac: {  	v20 =	vld [tilespmem:s18+$0x60];
	v18 =	vpop (erf);
	v11 =	vmul.f32 $1.442695020e+00, v11;
	[tilespmem:s18+$0x50] =	vst v16  }
0x2ad: {  	v16 =	vadd.f32 $1.000000000e+00, v18;
	[tilespmem:s29+$0xFFFFFFD0] =	vst v17;
	v5 =	vpop (erf);
	v17 =	vld [tilespmem:s3+$0x460]  }
0x2ae: {  	(erf) = vpow2.f32 v11;
	v18 =	vpop (erf)  }
0x2af: {  	(erf) = vrcp.f32 v16;
	v16 =	vld [tilespmem:s17+$0x60];
	v11 =	vadd.f32 $1.000000000e+00, v18;
	_ =	sdelay $0x1  }
0x2b0: {  	v18 =	vld [tilespmem:s14+$0x460];
	(erf) = vrcp.f32 v11  }
0x2b1: {  	v21 =	vld [tilespmem:s23+$0xFFFFFFE0];
	v17 =	vadd.f32 v20, v17  }
0x2b2: {  	v11 =	vld [tilespmem:s0+$0x60]  }
0x2b3: {  	v16 =	vadd.f32 v16, v17;
	_ =	sdelay $0x1  }
0x2b4: {  	v7 =	vadd.f32 v7, v18;
	v17 =	vld [tilespmem:s2+$0x40];
	v16 =	vsub.f32 $0.0e+00, v16;
	_ =	sdelay $0x1  }
0x2b5: {  	v11 =	vmul.f32 v22, v11;
	v7 =	vadd.f32 v21, v7;
	v18 =	vpop (erf)  }
0x2b6: {  	v20 =	vpop (erf)  }
0x2b7: {  	[tilespmem:s24+$0xFFFFFFE0] =	vst v11;
	v11 =	vmul.f32 $1.442695020e+00, v16;
	v7 =	vsub.f32 $0.0e+00, v7;
	v16 =	vpop (erf)  }
0x2b8: {  	v18 =	vadd.f32 $1.000000000e+00, v18;
	v21 =	vld [tilespmem:s0+$0x470];
	v16 =	vmul.f32 v16, v17  }
0x2b9: {  	(erf) = vpow2.f32 v11;
	v7 =	vmul.f32 $1.442695020e+00, v7;
	v11 =	vld [tilespmem:s1+$0x50]  }
0x2ba: {  	v17 =	vld [tilespmem:s12+$0xFFFFFFF0];
	(erf) = vrcp.f32 v18;
	[tilespmem:s1+$0x40] =	vst v16  }
0x2bb: {  	(erf) = vpow2.f32 v7;
	v7 =	vld [tilespmem:s2+$0x450];
	_ =	sdelay $0x1  }
0x2bc: {  	v16 =	vld [tilespmem:s4+$0x50]  }
0x2bd: {  	v4 =	vadd.f32 v4, v21;
	_ =	sdelay $0x1  }
0x2be: {  	v4 =	vadd.f32 v17, v4;
	v7 =	vadd.f32 v11, v7;
	_ =	sdelay $0x1  }
0x2bf: {  	v4 =	vsub.f32 $0.0e+00, v4;
	v11 =	vpop (erf);
	v7 =	vadd.f32 v16, v7  }
0x2c0: {  	v11 =	vadd.f32 $1.000000000e+00, v11;
	v16 =	vpop (erf)  }
0x2c1: {  	v4 =	vmul.f32 $1.442695020e+00, v4;
	v17 =	vpop (erf);
	v7 =	vsub.f32 $0.0e+00, v7  }
0x2c2: {  	(erf) = vrcp.f32 v11;
	v11 =	vadd.f32 $1.000000000e+00, v17  }
0x2c3: {  	(erf) = vpow2.f32 v4;
	v4 =	vmul.f32 $1.442695020e+00, v7  }
0x2c4: {  	(erf) = vrcp.f32 v11  }
0x2c5: {  	(erf) = vpow2.f32 v4;
	_ =	sdelay $0x1  }
0x2c6: {  	v4 =	vld [tilespmem:s3+$0x60]  }
0x2c7: {  	v7 =	vld [tilespmem:s13+$0x40];
	_ =	sdelay $0x2  }
0x2c8: {  	v11 =	vpop (erf)  }
0x2c9: {  	v17 =	vpop (erf);
	v4 =	vmul.f32 v11, v4  }
0x2ca: {  	v7 =	vmul.f32 v16, v7;
	v11 =	vpop (erf)  }
0x2cb: {  	v16 =	vld [tilespmem:s18+$0x70];
	v17 =	vadd.f32 $1.000000000e+00, v17;
	[tilespmem:s18+$0x60] =	vst v4;
	v18 =	vpop (erf)  }
0x2cc: {  	[tilespmem:s1+$0xFFFFFFC0] =	vst v7;
	v7 =	vld [tilespmem:s3+$0x470];
	v4 =	vadd.f32 $1.000000000e+00, v18  }
0x2cd: {  	(erf) = vrcp.f32 v17;
	v17 =	vld [tilespmem:s13+$0x450]  }
0x2ce: {  	(erf) = vrcp.f32 v4  }
0x2cf: {  	v4 =	vld [tilespmem:s17+$0x70]  }
0x2d0: {  	v18 =	vld [tilespmem:s4+$0xFFFFFFD0];
	_ =	sdelay $0x1  }
0x2d1: {  	v7 =	vadd.f32 v16, v7;
	v14 =	vadd.f32 v14, v17  }
0x2d2: {  	v16 =	vld [tilespmem:s2+$0x50]  }
0x2d3: {  	v4 =	vadd.f32 v4, v7  }
0x2d4: {  	v7 =	vadd.f32 v18, v14  }
0x2d5: {  	v14 =	vpop (erf);
	v4 =	vsub.f32 $0.0e+00, v4  }
0x2d6: {  	v7 =	vsub.f32 $0.0e+00, v7;
	v17 =	vpop (erf)  }
0x2d7: {  	v4 =	vmul.f32 $1.442695020e+00, v4;
	v16 =	vmul.f32 v17, v16  }
0x2d8: {  	v7 =	vmul.f32 $1.442695020e+00, v7  }
0x2d9: {  	v17 =	vld [tilespmem:s1+$0x60];
	(erf) = vpow2.f32 v4;
	[tilespmem:s1+$0x50] =	vst v16  }
0x2da: {  	(erf) = vpow2.f32 v7;
	v4 =	vld [tilespmem:s2+$0x460];
	_ =	sdelay $0x1  }
0x2db: {  	v7 =	vld [tilespmem:s4+$0x60]  }
0x2dc: {  	v16 =	vld [tilespmem:s11+$0x50];
	_ =	sdelay $0x1  }
0x2dd: {  	v4 =	vadd.f32 v17, v4;
	_ =	sdelay $0x1  }
0x2de: {  	v4 =	vadd.f32 v7, v4  }
0x2df: {  	v7 =	vmul.f32 v20, v16;
	v16 =	vpop (erf)  }
0x2e0: {  	v16 =	vadd.f32 $1.000000000e+00, v16;
	v17 =	vpop (erf);
	v4 =	vsub.f32 $0.0e+00, v4  }
0x2e1: {  	[tilespmem:s18+$0xFFFFFFD0] =	vst v7;
	v7 =	vadd.f32 $1.000000000e+00, v17  }
0x2e2: {  	v17 =	vld [tilespmem:s11+$0x460];
	(erf) = vrcp.f32 v16;
	v4 =	vmul.f32 $1.442695020e+00, v4  }
0x2e3: {  	(erf) = vrcp.f32 v7  }
0x2e4: {  	v7 =	vld [tilespmem:s17+$0xFFFFFFE0];
	(erf) = vpow2.f32 v4;
	_ =	sdelay $0x2  }
0x2e5: {  	v4 =	vadd.f32 v9, v17  }
0x2e6: {  	v9 =	vld [tilespmem:s14+$0x60]  }
0x2e7: {  	v4 =	vadd.f32 v7, v4;
	_ =	sdelay $0x1  }
0x2e8: {  	v7 =	vpop (erf);
	v4 =	vsub.f32 $0.0e+00, v4  }
0x2e9: {  	v16 =	vpop (erf)  }
0x2ea: {  	v9 =	vmul.f32 v11, v9;
	v4 =	vmul.f32 $1.442695020e+00, v4;
	v11 =	vpop (erf)  }
0x2eb: {  	v11 =	vadd.f32 $1.000000000e+00, v11  }
0x2ec: {  	[tilespmem:s29+$0xFFFFFFE0] =	vst v9;
	(erf) = vpow2.f32 v4  }
0x2ed: {  	v4 =	vld [tilespmem:s14+$0x470];
	(erf) = vrcp.f32 v11;
	_ =	sdelay $0x1  }
0x2ee: {  	v9 =	vld [tilespmem:s23+$0xFFFFFFF0];
	_ =	sdelay $0x2  }
0x2ef: {  	v4 =	vadd.f32 v6, v4;
	v6 =	vld [tilespmem:s2+$0x60];
	_ =	sdelay $0x1  }
0x2f0: {  	v4 =	vadd.f32 v9, v4  }
0x2f1: {  	v9 =	vpop (erf)  }
0x2f2: {  	v4 =	vsub.f32 $0.0e+00, v4;
	v11 =	vpop (erf)  }
0x2f3: {  	v6 =	vmul.f32 v11, v6  }
0x2f4: {  	v4 =	vmul.f32 $1.442695020e+00, v4  }
0x2f5: {  	v11 =	vld [tilespmem:s1+$0x70];
	[tilespmem:s1+$0x60] =	vst v6  }
0x2f6: {  	(erf) = vpow2.f32 v4;
	v4 =	vld [tilespmem:s2+$0x470];
	_ =	sdelay $0x1  }
0x2f7: {  	v6 =	vld [tilespmem:s4+$0x70];
	_ =	sdelay $0x2  }
0x2f8: {  	v17 =	vld [tilespmem:s13+$0x50];
	v4 =	vadd.f32 v11, v4;
	_ =	sdelay $0x1  }
0x2f9: {  	v4 =	vadd.f32 v6, v4;
	_ =	sdelay $0x1  }
0x2fa: {  	v6 =	vadd.f32 $1.000000000e+00, v9;
	v9 =	vpop (erf);
	v4 =	vsub.f32 $0.0e+00, v4  }
0x2fb: {  	v11 =	vmul.f32 v16, v17;
	v9 =	vadd.f32 $1.000000000e+00, v9  }
0x2fc: {  	(erf) = vrcp.f32 v6;
	v4 =	vmul.f32 $1.442695020e+00, v4  }
0x2fd: {  	[tilespmem:s1+$0xFFFFFFD0] =	vst v11;
	(erf) = vrcp.f32 v9  }
0x2fe: {  	(erf) = vpow2.f32 v4;
	v4 =	vld [tilespmem:s13+$0x460];
	_ =	sdelay $0x1  }
0x2ff: {  	v6 =	vld [tilespmem:s4+$0xFFFFFFE0]  }
0x300: {  	v9 =	vld [tilespmem:s11+$0x60];
	_ =	sdelay $0x1  }
0x301: {  	v4 =	vadd.f32 v13, v4;
	_ =	sdelay $0x1  }
0x302: {  	v11 =	vpop (erf);
	v4 =	vadd.f32 v6, v4  }
0x303: {  	v6 =	vmul.f32 v11, v9;
	v9 =	vpop (erf)  }
0x304: {  	v11 =	vpop (erf);
	v4 =	vsub.f32 $0.0e+00, v4  }
0x305: {  	[tilespmem:s18+$0xFFFFFFE0] =	vst v6;
	v6 =	vadd.f32 $1.000000000e+00, v11  }
0x306: {  	v11 =	vld [tilespmem:s11+$0x470];
	v4 =	vmul.f32 $1.442695020e+00, v4  }
0x307: {  	(erf) = vrcp.f32 v6  }
0x308: {  	v6 =	vld [tilespmem:s17+$0xFFFFFFF0];
	(erf) = vpow2.f32 v4;
	_ =	sdelay $0x2  }
0x309: {  	v4 =	vadd.f32 v8, v11;
	_ =	sdelay $0x1  }
0x30a: {  	v4 =	vadd.f32 v6, v4;
	_ =	sdelay $0x1  }
0x30b: {  	v4 =	vsub.f32 $0.0e+00, v4  }
0x30c: {  	v6 =	vpop (erf)  }
0x30d: {  	v4 =	vmul.f32 $1.442695020e+00, v4;
	v8 =	vpop (erf)  }
0x30e: {  	v8 =	vadd.f32 $1.000000000e+00, v8  }
0x30f: {  	(erf) = vpow2.f32 v4  }
0x310: {  	(erf) = vrcp.f32 v8;
	_ =	sdelay $0x4  }
0x311: {  	v4 =	vld [tilespmem:s13+$0x60];
	_ =	sdelay $0x2  }
0x312: {  	v8 =	vpop (erf)  }
0x313: {  	v11 =	vpop (erf)  }
0x314: {  	v4 =	vmul.f32 v11, v4;
	_ =	sdelay $0x1  }
0x315: {  	[tilespmem:s1+$0xFFFFFFE0] =	vst v4  }
0x316: {  	v4 =	vld [tilespmem:s13+$0x470];
	_ =	sdelay $0x1  }
0x317: {  	v11 =	vld [tilespmem:s4+$0xFFFFFFF0];
	_ =	sdelay $0x2  }
0x318: {  	v4 =	vadd.f32 v15, v4;
	_ =	sdelay $0x1  }
0x319: {  	v4 =	vadd.f32 v11, v4;
	_ =	sdelay $0x1  }
0x31a: {  	v4 =	vsub.f32 $0.0e+00, v4  }
0x31b: {  	v8 =	vadd.f32 $1.000000000e+00, v8  }
0x31c: {  	v4 =	vmul.f32 $1.442695020e+00, v4  }
0x31d: {  	(erf) = vrcp.f32 v8  }
0x31e: {  	(erf) = vpow2.f32 v4;
	_ =	sdelay $0x7  }
0x31f: {  	v8 =	vld [tilespmem:s31+$0x70];
	v4 =	vpop (erf)  }
0x320: {  	v13 =	vld [tilespmem:s19+$0x70];
	v11 =	vpop (erf)  }
0x321: {  	v11 =	vadd.f32 $1.000000000e+00, v11  }
0x322: {  	v16 =	vld [tilespmem:s0+$0x70]  }
0x323: {  	v10 =	vmul.f32 v10, v19;
	v15 =	vld [tilespmem:s9+$0x70];
	(erf) = vrcp.f32 v11  }
0x324: {  	v8 =	vmul.f32 v12, v8;
	v12 =	vld [tilespmem:s14+$0x70]  }
0x325: {  	[tilespmem:s21+$0xFFFFFFF0] =	vst v10;
	v3 =	vmul.f32 v3, v13;
	v11 =	vld [tilespmem:s3+$0x70]  }
0x326: {  	[tilespmem:s24+$0x70] =	vst v8;
	v8 =	vld [tilespmem:s11+$0x70]  }
0x327: {  	v10 =	vld [tilespmem:s2+$0x70];
	[tilespmem:s26+$0xFFFFFFF0] =	vst v3;
	v3 =	vmul.f32 v14, v16  }
0x328: {  	v13 =	vld [tilespmem:s13+$0x70];
	v5 =	vmul.f32 v5, v15  }
0x329: {  	[tilespmem:s24+$0xFFFFFFF0] =	vst v3;
	v3 =	vmul.f32 v9, v12  }
0x32a: {  	[tilespmem:s29+$0x70] =	vst v5;
	v5 =	vmul.f32 v7, v11  }
0x32b: {  	[tilespmem:s29+$0xFFFFFFF0] =	vst v3;
	v3 =	vmul.f32 v4, v8  }
0x32c: {  	[tilespmem:s18+$0x70] =	vst v5;
	v5 =	vmul.f32 v6, v10;
	v4 =	vpop (erf)  }
0x32d: {  	[tilespmem:s18+$0xFFFFFFF0] =	vst v3;
	v4 =	vmul.f32 v4, v13  }
0x32e: {  	s25 =	simm.s32 $0x28;
	s6 =	simm.s32 $0x5;
	[tilespmem:s1+$0x70] =	vst v5  }
0x32f: {  	s23 =	rddreg [dreg:$0x2];
	s26 =	simm.s32 $0x5200;
	s24 =	simm.s32 $0x100;
	[tilespmem:s1+$0xFFFFFFF0] =	vst v4  }
0x330: {  	[spmem:s23] =	stream.indirect.scatter.add.f32 [tilespmem:s26], [sflag:$0x5], $0x80, s24, s25, $0xb8;
	[tilespmem:$0x1E200] =	vst v63  }
0x331: {  	s4 =	rddreg [dreg:$0x15];
	_ =	swait.ge [sflag:s6], $0x1400  }
0x332: {  	s0 =	rddreg [dreg:$0xf]  }
0x333: {  	p0 =	seq.s32 s4, $0x7C;
	s1 =	rddreg [dreg:$0x16]  }
0x334: {  	s0 =	sadd.s32 @!p0 s1, s0  }
0x335: {  	[sflag:s6] =	ssyncset.done $0x0;
	s2 =	rddreg [dreg:$0x5];
	s1 =	sshrl.u32 @!p0 s0, $0x3  }
0x336: {  	s3 =	simm.s32 @!p0 $0x0;
	[sflag:s6] =	ssyncadd.s32 $0xFFFFEC00;
	s2 =	sadd.s32 @!p0 s2, s1  }
0x337: {  	[tilespmem:s3], [sflag:$0x1] =	stream.linear.gather @!p0 [hbm4b:s2+s3], $0x28, $0x38;
	[tilespmem:$0x1E200] =	vst v63  }
0x338: {  	s2 =	rddreg [dreg:$0x6]  }
0x339: {  	s1 =	sadd.s32 @!p0 s2, s1;
	s2 =	simm.s32 @!p0 $0x100  }
0x33a: {  	[tilespmem:s2], [sflag:$0x1] =	stream.linear.gather @!p0 [hbm4b:s1+s3], $0x28, $0x38;
	[tilespmem:$0x1E200] =	vst v63  }
0x33b: {  	s1 =	simm.s32 @!p0 $0x1  }
0x33c: {  	_ =	swait.ge @!p0 [sflag:s1], $0x28  }
0x33d: {  	[sflag:s1] =	ssyncset.done @!p0 $0x0  }
0x33e: {  	[sflag:s1] =	ssyncadd.s32 @!p0 $0xFFFFFFD8  }
0x33f: {  	_ =	swait.ge @!p0 [sflag:s1], $0x28  }
0x340: {  	[sflag:s1] =	ssyncset.done @!p0 $0x0  }
0x341: {  	[sflag:s1] =	ssyncadd.s32 @!p0 $0xFFFFFFD8  }
0x342: {  	v3 =	vld @!p0 [tilespmem:$0x0];
	_ =	sdelay $0x4  }
0x343: {  	v4 =	vshll.u32 @!p0 v3, $0x1  }
0x344: {  	v5 =	vlaneseq.u32 @!p0;
	v3 =	vand.u32 @!p0 $0x7, v3;
	v4 =	vand.u32 @!p0 $0xFFFFFFF0, v4  }
0x345: {  	v6 =	vshrl.u32 @!p0 v5, $0x3;
	v3 =	vor.u32 @!p0 v3, v4;
	v4 =	vand.u32 @!p0 $0x7, v5  }
0x346: {  	v6 =	vmul.u32 @!p0 $0x8, v6;
	v7 =	vperm.xlane @!p0 v3, v4  }
0x347: {  	v5 =	vor.u32 @!p0 $0x8, v5  }
0x348: {  	v3 =	vperm.xlane @!p0 v3, v5;
	v7 =	vadd.s32 @!p0 v6, v7;
	_ =	sdelay $0x1  }
0x349: {  	v3 =	vadd.s32 @!p0 v6, v3;
	_ =	sdelay $0x1  }
0x34a: {  	vm1 =	vmmov @!p0 $0xffff;
	s1 =	simm.s32 @!p0 $0x200  }
0x34b: {  	[tilespmem:s1], [sflag:$0x3] =	stream.indirect_vreg.gather @!p0 [hbm4b:s5+s3], $0x80, v7, vm1, $0xb8;
	[tilespmem:$0x1E200] =	vst v63  }
0x34c: {  	s1 =	simm.s32 @!p0 $0xA00  }
0x34d: {  	[tilespmem:s1], [sflag:$0x3] =	stream.indirect_vreg.gather @!p0 [hbm4b:s5+s3], $0x80, v3, vm1, $0xb8;
	[tilespmem:$0x1E200] =	vst v63  }
0x34e: {  	v3 =	vld @!p0 [tilespmem:$0x10];
	_ =	sdelay $0x4  }
0x34f: {  	v7 =	vshll.u32 @!p0 v3, $0x1  }
0x350: {  	v3 =	vand.u32 @!p0 $0x7, v3;
	v7 =	vand.u32 @!p0 $0xFFFFFFF0, v7  }
0x351: {  	v3 =	vor.u32 @!p0 v3, v7  }
0x352: {  	v7 =	vperm.xlane @!p0 v3, v4;
	_ =	sdelay $0x1  }
0x353: {  	v3 =	vperm.xlane @!p0 v3, v5;
	v7 =	vadd.s32 @!p0 v6, v7;
	_ =	sdelay $0x1  }
0x354: {  	v3 =	vadd.s32 @!p0 v6, v3;
	_ =	sdelay $0x1  }
0x355: {  	s1 =	simm.s32 @!p0 $0x1200  }
0x356: {  	[tilespmem:s1], [sflag:$0x3] =	stream.indirect_vreg.gather @!p0 [hbm4b:s5+s3], $0x80, v7, vm1, $0xb8;
	[tilespmem:$0x1E200] =	vst v63  }
0x357: {  	s1 =	simm.s32 @!p0 $0x1A00  }
0x358: {  	[tilespmem:s1], [sflag:$0x3] =	stream.indirect_vreg.gather @!p0 [hbm4b:s5+s3], $0x80, v3, vm1, $0xb8;
	[tilespmem:$0x1E200] =	vst v63  }
0x359: {  	v3 =	vld.msk @!p0 [tilespmem:$0x20], $0xff;
	_ =	sdelay $0x4  }
0x35a: {  	v5 =	vshll.u32 @!p0 v3, $0x1  }
0x35b: {  	v3 =	vand.u32 @!p0 $0x7, v3;
	v5 =	vand.u32 @!p0 $0xFFFFFFF0, v5  }
0x35c: {  	v3 =	vor.u32 @!p0 v3, v5  }
0x35d: {  	v3 =	vperm.xlane @!p0 v3, v4;
	_ =	sdelay $0x1  }
0x35e: {  	v3 =	vadd.s32 @!p0 v6, v3;
	_ =	sdelay $0x3  }
0x35f: {  	s1 =	simm.s32 @!p0 $0x2200  }
0x360: {  	[tilespmem:s1], [sflag:$0x3] =	stream.indirect_vreg.gather @!p0 [hbm4b:s5+s3], $0x80, v3, vm1, $0xb8;
	[tilespmem:$0x1E200] =	vst v63  }
0x361: {  	s4 =	simm.s32 @!p0 $0x5200;
	s6 =	rddreg [dreg:$0x1];
	s1 =	simm.s32 @!p0 $0x28  }
0x362: {  	[tilespmem:s4], [sflag:$0x3] =	stream.indirect.gather @!p0 [hbm4b:s6+s1], $0x80, s2, s1, $0xb8;
	[tilespmem:$0x1E200] =	vst v63  }
0x363: {  	s0 =	sshll.u32 @!p0 s0, $0x4;
	s1 =	rddreg [dreg:$0x4]  }
0x364: {  	s0 =	sadd.s32 @!p0 s1, s0;
	s1 =	simm.s32 @!p0 $0x7A00  }
0x365: {  	[tilespmem:s1], [sflag:$0x3] =	stream.linear.gather @!p0 [hbm4b:s0+s3], $0x1400, $0x38;
	[tilespmem:$0x1E200] =	vst v63  }
0x366: {  	_ =	swait.ge [sflag:s16], $0x2800  }
0x367: {  	[sflag:s16] =	ssyncset.done $0x0  }
0x368: {  	[sflag:s16] =	ssyncadd.s32 $0xFFFFD800  }
0x369: {  	_ =	swait.ge [sflag:s16], $0x1400  }
0x36a: {  	[sflag:s16] =	ssyncset.done $0x0  }
0x36b: {  	[sflag:s16] =	ssyncadd.s32 $0xFFFFEC00  }
0x36c: {  	s7 =	simm.s32 $0x0;
	s8 =	simm.s32 $0x80;
	_ =	swait.ge [sflag:s16], $0x1400  }
0x36d: {  	s21 =	simm.s32 $0x6680;
	s0 =	sand.u32 $0x3800, s7;
	[sflag:s16] =	ssyncset.done $0x0  }
0x36e: {  	s1 =	sand.u32 $0x380, s8;
	s0 =	sadd.s32 $0x2A00, s0;
	[sflag:s16] =	ssyncadd.s32 $0xFFFFEC00  }
0x36f: {  	s2 =	sadd.s32 s1, s0;
	v3 =	vld [tilespmem:s21+$0x0]  }
0x370: {  	v4 =	vld [tilespmem:s2+$0x400]  }
0x371: {  	s4 =	simm.s32 $0x8E80  }
0x372: {  	v5 =	vld [tilespmem:s4+$0x0];
	_ =	sdelay $0x1  }
0x373: {  	s9 =	simm.s32 $0x0  }
0x374: {  	s1 =	sand.u32 $0x300, s9;
	v3 =	vadd.f32 v3, v4  }
0x375: {  	s25 =	sadd.s32 s1, s0  }
0x376: {  	v4 =	vld [tilespmem:s25+$0x400];
	v3 =	vadd.f32 v5, v3  }
0x377: {  	v5 =	vld [tilespmem:s21+$0xFFFFFF80]  }
0x378: {  	v3 =	vsub.f32 $0.0e+00, v3  }
0x379: {  	v6 =	vld [tilespmem:s4+$0xFFFFFF80]  }
0x37a: {  	v3 =	vmul.f32 $1.442695020e+00, v3;
	_ =	sdelay $0x1  }
0x37b: {  	(erf) = vpow2.f32 v3;
	v3 =	vadd.f32 v5, v4;
	_ =	sdelay $0x1  }
0x37c: {  	v3 =	vadd.f32 v6, v3;
	_ =	sdelay $0x1  }
0x37d: {  	v3 =	vsub.f32 $0.0e+00, v3;
	_ =	sdelay $0x1  }
0x37e: {  	v3 =	vmul.f32 $1.442695020e+00, v3;
	_ =	sdelay $0x1  }
0x37f: {  	(erf) = vpow2.f32 v3;
	_ =	sdelay $0x1  }
0x380: {  	v3 =	vpop (erf)  }
0x381: {  	v3 =	vadd.f32 $1.000000000e+00, v3;
	_ =	sdelay $0x1  }
0x382: {  	(erf) = vrcp.f32 v3;
	_ =	sdelay $0x3  }
0x383: {  	v4 =	vpop (erf)  }
0x384: {  	v3 =	vld [tilespmem:s2+$0x0];
	v4 =	vadd.f32 $1.000000000e+00, v4;
	_ =	sdelay $0x1  }
0x385: {  	(erf) = vrcp.f32 v4;
	_ =	sdelay $0x1  }
0x386: {  	v4 =	vpop (erf)  }
0x387: {  	v3 =	vmul.f32 v4, v3  }
0x388: {  	v8 =	vld [tilespmem:s21+$0x10]  }
0x389: {  	v5 =	vld [tilespmem:s25+$0x0];
	[tilespmem:s21+$0x0] =	vst v3  }
0x38a: {  	v9 =	vld [tilespmem:s2+$0x410];
	_ =	sdelay $0x1  }
0x38b: {  	v11 =	vld [tilespmem:s4+$0x10]  }
0x38c: {  	v12 =	vpop (erf)  }
0x38d: {  	v5 =	vmul.f32 v12, v5  }
0x38e: {  	v9 =	vadd.f32 v8, v9  }
0x38f: {  	v7 =	vld [tilespmem:s21+$0xFFFFFF90];
	[tilespmem:s21+$0xFFFFFF80] =	vst v5  }
0x390: {  	v5 =	vadd.f32 v11, v9;
	v9 =	vld [tilespmem:s25+$0x410];
	_ =	sdelay $0x1  }
0x391: {  	v11 =	vld [tilespmem:s4+$0xFFFFFF90];
	v5 =	vsub.f32 $0.0e+00, v5;
	_ =	sdelay $0x1  }
0x392: {  	v5 =	vmul.f32 $1.442695020e+00, v5  }
0x393: {  	v7 =	vadd.f32 v7, v9  }
0x394: {  	(erf) = vpow2.f32 v5  }
0x395: {  	v5 =	vadd.f32 v11, v7;
	_ =	sdelay $0x1  }
0x396: {  	v5 =	vsub.f32 $0.0e+00, v5;
	_ =	sdelay $0x1  }
0x397: {  	s10 =	simm.s32 $0x200;
	v5 =	vmul.f32 $1.442695020e+00, v5  }
0x398: {  	s11 =	simm.s32 $0x180;
	s0 =	sand.u32 $0x3800, s10  }
0x399: {  	s1 =	sand.u32 $0x380, s11;
	s0 =	sadd.s32 $0x2A00, s0;
	(erf) = vpow2.f32 v5  }
0x39a: {  	s1 =	sadd.s32 s1, s0  }
0x39b: {  	s26 =	simm.s32 $0x6780;
	v9 =	vld [tilespmem:s1+$0x400];
	v5 =	vpop (erf)  }
0x39c: {  	v7 =	vld [tilespmem:s26+$0x0];
	v5 =	vadd.f32 $1.000000000e+00, v5  }
0x39d: {  	s28 =	simm.s32 $0x8F80  }
0x39e: {  	(erf) = vrcp.f32 v5;
	v5 =	vld [tilespmem:s28+$0x0];
	_ =	sdelay $0x2  }
0x39f: {  	v7 =	vadd.f32 v7, v9  }
0x3a0: {  	v9 =	vpop (erf)  }
0x3a1: {  	v5 =	vadd.f32 v5, v7;
	v7 =	vadd.f32 $1.000000000e+00, v9  }
0x3a2: {  	s12 =	simm.s32 $0x100  }
0x3a3: {  	s3 =	sand.u32 $0x300, s12;
	v11 =	vld [tilespmem:s2+$0x10];
	(erf) = vrcp.f32 v7  }
0x3a4: {  	s19 =	sadd.s32 s3, s0;
	v12 =	vld [tilespmem:s26+$0xFFFFFF80];
	v5 =	vsub.f32 $0.0e+00, v5  }
0x3a5: {  	v9 =	vld [tilespmem:s19+$0x400]  }
0x3a6: {  	v5 =	vmul.f32 $1.442695020e+00, v5  }
0x3a7: {  	v13 =	vld [tilespmem:s28+$0xFFFFFF80];
	v7 =	vpop (erf)  }
0x3a8: {  	v7 =	vmul.f32 v7, v11;
	(erf) = vpow2.f32 v5;
	v5 =	vld [tilespmem:s25+$0x10];
	_ =	sdelay $0x1  }
0x3a9: {  	[tilespmem:s21+$0x10] =	vst v7;
	v7 =	vadd.f32 v12, v9;
	v9 =	vld [tilespmem:s21+$0x20]  }
0x3aa: {  	v11 =	vld [tilespmem:s2+$0x420]  }
0x3ab: {  	v7 =	vadd.f32 v13, v7;
	v12 =	vpop (erf)  }
0x3ac: {  	v13 =	vld [tilespmem:s4+$0x20];
	v5 =	vmul.f32 v12, v5  }
0x3ad: {  	v7 =	vsub.f32 $0.0e+00, v7;
	_ =	sdelay $0x1  }
0x3ae: {  	v10 =	vld [tilespmem:s21+$0xFFFFFFA0];
	v7 =	vmul.f32 $1.442695020e+00, v7;
	v9 =	vadd.f32 v9, v11  }
0x3af: {  	v14 =	vld [tilespmem:s26+$0xFFFFFF90];
	[tilespmem:s21+$0xFFFFFF90] =	vst v5;
	v5 =	vpop (erf)  }
0x3b0: {  	(erf) = vpow2.f32 v7;
	v7 =	vadd.f32 v13, v9;
	v9 =	vld [tilespmem:s25+$0x420];
	v5 =	vadd.f32 $1.000000000e+00, v5  }
0x3b1: {  	v16 =	vld [tilespmem:s26+$0xFFFFFFA0]  }
0x3b2: {  	v11 =	vld [tilespmem:s4+$0xFFFFFFA0];
	(erf) = vrcp.f32 v5  }
0x3b3: {  	v6 =	vld [tilespmem:s21+$0xFFFFFFD0];
	v7 =	vsub.f32 $0.0e+00, v7  }
0x3b4: {  	v4 =	vld [tilespmem:s21+$0xFFFFFFC0]  }
0x3b5: {  	v3 =	vld [tilespmem:s21+$0xFFFFFFB0];
	v5 =	vmul.f32 $1.442695020e+00, v7;
	v7 =	vadd.f32 v10, v9  }
0x3b6: {  	v8 =	vld [tilespmem:s21+$0xFFFFFFE0]  }
0x3b7: {  	(erf) = vpow2.f32 v5;
	v5 =	vadd.f32 v11, v7;
	v11 =	vld [tilespmem:s1+$0x0]  }
0x3b8: {  	v12 =	vld [tilespmem:s21+$0xFFFFFFF0]  }
0x3b9: {  	v13 =	vld [tilespmem:s19+$0x0];
	v9 =	vpop (erf);
	v5 =	vsub.f32 $0.0e+00, v5  }
0x3ba: {  	v17 =	vld [tilespmem:s25+$0x20];
	v15 =	vadd.f32 $1.000000000e+00, v9  }
0x3bb: {  	v10 =	vld [tilespmem:s26+$0xFFFFFFB0];
	v5 =	vmul.f32 $1.442695020e+00, v5;
	v18 =	vpop (erf)  }
0x3bc: {  	v7 =	vld [tilespmem:s26+$0xFFFFFFC0];
	(erf) = vrcp.f32 v15;
	v11 =	vmul.f32 v18, v11  }
0x3bd: {  	v9 =	vld [tilespmem:s26+$0xFFFFFFD0];
	(erf) = vpow2.f32 v5  }
0x3be: {  	[tilespmem:s26+$0x0] =	vst v11;
	v11 =	vld [tilespmem:s26+$0x10]  }
0x3bf: {  	v15 =	vld [tilespmem:s1+$0x410]  }
0x3c0: {  	v5 =	vpop (erf)  }
0x3c1: {  	v5 =	vadd.f32 $1.000000000e+00, v5;
	_ =	sdelay $0x1  }
0x3c2: {  	(erf) = vrcp.f32 v5;
	v5 =	vld [tilespmem:s28+$0x10]  }
0x3c3: {  	v11 =	vadd.f32 v11, v15;
	_ =	sdelay $0x1  }
0x3c4: {  	v15 =	vpop (erf)  }
0x3c5: {  	v13 =	vmul.f32 v15, v13  }
0x3c6: {  	v5 =	vadd.f32 v5, v11;
	v11 =	vpop (erf)  }
0x3c7: {  	v18 =	vld [tilespmem:s2+$0x20];
	[tilespmem:s26+$0xFFFFFF80] =	vst v13;
	v11 =	vadd.f32 $1.000000000e+00, v11  }
0x3c8: {  	v5 =	vsub.f32 $0.0e+00, v5;
	v13 =	vld [tilespmem:s19+$0x410]  }
0x3c9: {  	(erf) = vrcp.f32 v11  }
0x3ca: {  	v19 =	vld [tilespmem:s28+$0xFFFFFF90];
	v5 =	vmul.f32 $1.442695020e+00, v5  }
0x3cb: {  	v11 =	vpop (erf)  }
0x3cc: {  	(erf) = vpow2.f32 v5;
	v11 =	vmul.f32 v11, v18  }
0x3cd: {  	v5 =	vadd.f32 v14, v13  }
0x3ce: {  	[tilespmem:s21+$0x20] =	vst v11;
	v11 =	vld [tilespmem:s21+$0x30]  }
0x3cf: {  	v5 =	vadd.f32 v19, v5;
	v13 =	vld [tilespmem:s2+$0x430];
	_ =	sdelay $0x1  }
0x3d0: {  	v14 =	vld [tilespmem:s4+$0x30];
	v5 =	vsub.f32 $0.0e+00, v5  }
0x3d1: {  	v18 =	vpop (erf)  }
0x3d2: {  	v5 =	vmul.f32 $1.442695020e+00, v5;
	v17 =	vmul.f32 v18, v17  }
0x3d3: {  	v11 =	vadd.f32 v11, v13  }
0x3d4: {  	s13 =	simm.s32 $0x400;
	(erf) = vpow2.f32 v5;
	v13 =	vpop (erf);
	[tilespmem:s21+$0xFFFFFFA0] =	vst v17  }
0x3d5: {  	s14 =	simm.s32 $0x280;
	s24 =	simm.s32 $0x6880;
	s0 =	sand.u32 $0x3800, s13;
	v5 =	vadd.f32 v14, v11;
	v11 =	vadd.f32 $1.000000000e+00, v13;
	v13 =	vld [tilespmem:s25+$0x430]  }
0x3d6: {  	s3 =	sand.u32 $0x380, s14;
	s0 =	sadd.s32 $0x2A00, s0;
	v14 =	vld [tilespmem:s24+$0x0]  }
0x3d7: {  	s31 =	sadd.s32 s3, s0;
	v17 =	vld [tilespmem:s4+$0xFFFFFFB0];
	v5 =	vsub.f32 $0.0e+00, v5  }
0x3d8: {  	(erf) = vrcp.f32 v11;
	v11 =	vld [tilespmem:s31+$0x400]  }
0x3d9: {  	s12 =	simm.s32 $0x9080;
	v5 =	vmul.f32 $1.442695020e+00, v5  }
0x3da: {  	v18 =	vld [tilespmem:s12+$0x0];
	v3 =	vadd.f32 v3, v13  }
0x3db: {  	(erf) = vpow2.f32 v5  }
0x3dc: {  	s17 =	simm.s32 $0x200;
	v3 =	vadd.f32 v17, v3  }
0x3dd: {  	s3 =	sand.u32 $0x300, s17;
	v5 =	vld [tilespmem:s1+$0x10];
	v13 =	vpop (erf);
	v11 =	vadd.f32 v14, v11  }
0x3de: {  	s0 =	sadd.s32 s3, s0;
	v13 =	vadd.f32 $1.000000000e+00, v13;
	v3 =	vsub.f32 $0.0e+00, v3  }
0x3df: {  	v14 =	vld [tilespmem:s0+$0x400];
	v11 =	vadd.f32 v18, v11  }
0x3e0: {  	v18 =	vld [tilespmem:s24+$0xFFFFFF80];
	(erf) = vrcp.f32 v13;
	v3 =	vmul.f32 $1.442695020e+00, v3  }
0x3e1: {  	v17 =	vpop (erf);
	v11 =	vsub.f32 $0.0e+00, v11  }
0x3e2: {  	v13 =	vld [tilespmem:s12+$0xFFFFFF80];
	v5 =	vmul.f32 v17, v5  }
0x3e3: {  	v17 =	vld [tilespmem:s19+$0x10];
	v11 =	vmul.f32 $1.442695020e+00, v11;
	(erf) = vpow2.f32 v3  }
0x3e4: {  	[tilespmem:s26+$0x10] =	vst v5;
	v5 =	vld [tilespmem:s26+$0x20];
	v3 =	vpop (erf)  }
0x3e5: {  	v14 =	vadd.f32 v18, v14;
	(erf) = vpow2.f32 v11;
	v11 =	vld [tilespmem:s1+$0x420];
	v3 =	vadd.f32 $1.000000000e+00, v3;
	_ =	sdelay $0x1  }
0x3e6: {  	(erf) = vrcp.f32 v3;
	v3 =	vadd.f32 v13, v14  }
0x3e7: {  	v18 =	vld [tilespmem:s28+$0x20]  }
0x3e8: {  	v14 =	vpop (erf);
	v13 =	vsub.f32 $0.0e+00, v3  }
0x3e9: {  	v5 =	vadd.f32 v5, v11;
	v11 =	vmul.f32 v14, v17  }
0x3ea: {  	v13 =	vmul.f32 $1.442695020e+00, v13  }
0x3eb: {  	v14 =	vld [tilespmem:s2+$0x30];
	v17 =	vpop (erf);
	[tilespmem:s26+$0xFFFFFF90] =	vst v11  }
0x3ec: {  	v5 =	vadd.f32 v18, v5;
	v11 =	vadd.f32 $1.000000000e+00, v17;
	(erf) = vpow2.f32 v13;
	v13 =	vld [tilespmem:s19+$0x420];
	_ =	sdelay $0x1  }
0x3ed: {  	v17 =	vpop (erf);
	v5 =	vsub.f32 $0.0e+00, v5;
	(erf) = vrcp.f32 v11;
	v11 =	vld [tilespmem:s28+$0xFFFFFFA0]  }
0x3ee: {  	v17 =	vadd.f32 $1.000000000e+00, v17  }
0x3ef: {  	v5 =	vmul.f32 $1.442695020e+00, v5;
	v18 =	vpop (erf)  }
0x3f0: {  	(erf) = vrcp.f32 v17;
	v14 =	vmul.f32 v18, v14;
	v13 =	vadd.f32 v16, v13  }
0x3f1: {  	v17 =	vld [tilespmem:s25+$0x30]  }
0x3f2: {  	(erf) = vpow2.f32 v5;
	v5 =	vld [tilespmem:s21+$0x40];
	[tilespmem:s21+$0x30] =	vst v14;
	v11 =	vadd.f32 v11, v13  }
0x3f3: {  	v13 =	vld [tilespmem:s2+$0x440]  }
0x3f4: {  	v14 =	vld [tilespmem:s31+$0x0];
	v16 =	vpop (erf);
	v11 =	vsub.f32 $0.0e+00, v11  }
0x3f5: {  	v18 =	vld [tilespmem:s4+$0x40];
	v16 =	vadd.f32 $1.000000000e+00, v16  }
0x3f6: {  	v20 =	vpop (erf);
	v11 =	vmul.f32 $1.442695020e+00, v11  }
0x3f7: {  	v17 =	vmul.f32 v20, v17;
	(erf) = vrcp.f32 v16  }
0x3f8: {  	v5 =	vadd.f32 v5, v13;
	(erf) = vpow2.f32 v11  }
0x3f9: {  	v19 =	vld [tilespmem:s0+$0x0];
	v20 =	vpop (erf);
	[tilespmem:s21+$0xFFFFFFB0] =	vst v17  }
0x3fa: {  	v13 =	vmul.f32 v20, v14;
	v17 =	vld [tilespmem:s25+$0x440];
	v5 =	vadd.f32 v18, v5  }
0x3fb: {  	v14 =	vpop (erf);
	v18 =	vld [tilespmem:s24+$0x10]  }
0x3fc: {  	v14 =	vadd.f32 $1.000000000e+00, v14;
	v22 =	vld [tilespmem:s4+$0xFFFFFFC0];
	[tilespmem:s24+$0x0] =	vst v13;
	v5 =	vsub.f32 $0.0e+00, v5  }
0x3fd: {  	v20 =	vld [tilespmem:s31+$0x410]  }
0x3fe: {  	(erf) = vrcp.f32 v14;
	v5 =	vmul.f32 $1.442695020e+00, v5  }
0x3ff: {  	v23 =	vld [tilespmem:s12+$0x10];
	v4 =	vadd.f32 v4, v17  }
0x400: {  	(erf) = vpow2.f32 v5;
	v17 =	vpop (erf)  }
0x401: {  	v4 =	vadd.f32 v22, v4;
	v17 =	vmul.f32 v17, v19;
	v19 =	vpop (erf)  }
0x402: {  	v21 =	vld [tilespmem:s24+$0xFFFFFF90];
	v18 =	vadd.f32 v18, v20;
	v19 =	vadd.f32 $1.000000000e+00, v19  }
0x403: {  	v20 =	vld [tilespmem:s1+$0x20];
	v4 =	vsub.f32 $0.0e+00, v4;
	[tilespmem:s24+$0xFFFFFF80] =	vst v17  }
0x404: {  	v17 =	vadd.f32 v23, v18;
	v18 =	vld [tilespmem:s0+$0x410];
	(erf) = vrcp.f32 v19  }
0x405: {  	v4 =	vmul.f32 $1.442695020e+00, v4  }
0x406: {  	v22 =	vld [tilespmem:s12+$0xFFFFFF90]  }
0x407: {  	v17 =	vsub.f32 $0.0e+00, v17;
	v19 =	vpop (erf)  }
0x408: {  	v19 =	vmul.f32 v19, v20  }
0x409: {  	(erf) = vpow2.f32 v4;
	v17 =	vmul.f32 $1.442695020e+00, v17;
	v20 =	vld [tilespmem:s19+$0x20];
	v4 =	vpop (erf);
	v18 =	vadd.f32 v21, v18  }
0x40a: {  	[tilespmem:s26+$0x20] =	vst v19;
	v19 =	vld [tilespmem:s26+$0x30];
	v4 =	vadd.f32 $1.000000000e+00, v4  }
0x40b: {  	(erf) = vpow2.f32 v17;
	v17 =	vld [tilespmem:s1+$0x430];
	v18 =	vadd.f32 v22, v18  }
0x40c: {  	(erf) = vrcp.f32 v4  }
0x40d: {  	v4 =	vld [tilespmem:s28+$0x30];
	v18 =	vsub.f32 $0.0e+00, v18;
	v21 =	vpop (erf)  }
0x40e: {  	v20 =	vmul.f32 v21, v20  }
0x40f: {  	v18 =	vmul.f32 $1.442695020e+00, v18  }
0x410: {  	v17 =	vadd.f32 v19, v17;
	v19 =	vld [tilespmem:s2+$0x40];
	[tilespmem:s26+$0xFFFFFFA0] =	vst v20  }
0x411: {  	(erf) = vpow2.f32 v18;
	v18 =	vld [tilespmem:s19+$0x430]  }
0x412: {  	s18 =	simm.s32 $0x600;
	v4 =	vadd.f32 v4, v17;
	v20 =	vpop (erf)  }
0x413: {  	s20 =	simm.s32 $0x380;
	s3 =	sand.u32 $0x3800, s18;
	v17 =	vadd.f32 $1.000000000e+00, v20;
	v20 =	vld [tilespmem:s28+$0xFFFFFFB0]  }
0x414: {  	s29 =	simm.s32 $0x6980;
	s6 =	sand.u32 $0x380, s20;
	s3 =	sadd.s32 $0x2A00, s3;
	v21 =	vpop (erf);
	v4 =	vsub.f32 $0.0e+00, v4  }
0x415: {  	s9 =	sadd.s32 s6, s3;
	v22 =	vld [tilespmem:s29+$0x0];
	v21 =	vadd.f32 $1.000000000e+00, v21;
	v23 =	vpop (erf);
	(erf) = vrcp.f32 v17  }
0x416: {  	s23 =	simm.s32 $0x9180;
	v17 =	vld [tilespmem:s9+$0x400];
	v4 =	vmul.f32 $1.442695020e+00, v4;
	v19 =	vmul.f32 v23, v19;
	v10 =	vadd.f32 v10, v18  }
0x417: {  	(erf) = vrcp.f32 v21;
	v18 =	vld [tilespmem:s23+$0x0]  }
0x418: {  	v21 =	vld [tilespmem:s21+$0x50];
	(erf) = vpow2.f32 v4;
	[tilespmem:s21+$0x40] =	vst v19;
	v4 =	vadd.f32 v20, v10  }
0x419: {  	v10 =	vld [tilespmem:s2+$0x450]  }
0x41a: {  	v4 =	vsub.f32 $0.0e+00, v4  }
0x41b: {  	s22 =	simm.s32 $0x300;
	v17 =	vadd.f32 v22, v17;
	v22 =	vld [tilespmem:s4+$0x50]  }
0x41c: {  	s6 =	sand.u32 $0x300, s22;
	v20 =	vld [tilespmem:s31+$0x10];
	v19 =	vpop (erf);
	v4 =	vmul.f32 $1.442695020e+00, v4  }
0x41d: {  	s14 =	sadd.s32 s6, s3;
	v24 =	vld [tilespmem:s29+$0xFFFFFF80];
	v19 =	vadd.f32 $1.000000000e+00, v19;
	v17 =	vadd.f32 v18, v17  }
0x41e: {  	v18 =	vld [tilespmem:s14+$0x400];
	v10 =	vadd.f32 v21, v10  }
0x41f: {  	(erf) = vrcp.f32 v19;
	v23 =	vpop (erf);
	v17 =	vsub.f32 $0.0e+00, v17  }
0x420: {  	v19 =	vld [tilespmem:s23+$0xFFFFFF80];
	(erf) = vpow2.f32 v4;
	v10 =	vadd.f32 v22, v10;
	v4 =	vpop (erf)  }
0x421: {  	v17 =	vmul.f32 $1.442695020e+00, v17;
	v4 =	vmul.f32 v4, v20  }
0x422: {  	v20 =	vpop (erf);
	v10 =	vsub.f32 $0.0e+00, v10  }
0x423: {  	v21 =	vld [tilespmem:s0+$0x10];
	(erf) = vpow2.f32 v17;
	v17 =	vadd.f32 v24, v18;
	[tilespmem:s24+$0x10] =	vst v4;
	v4 =	vadd.f32 $1.000000000e+00, v20  }
0x424: {  	v18 =	vld [tilespmem:s24+$0x20];
	v10 =	vmul.f32 $1.442695020e+00, v10  }
0x425: {  	v20 =	vld [tilespmem:s31+$0x420];
	(erf) = vrcp.f32 v4;
	v4 =	vadd.f32 v19, v17  }
0x426: {  	v17 =	vld [tilespmem:s12+$0x20]  }
0x427: {  	v19 =	vld [tilespmem:s25+$0x40];
	(erf) = vpow2.f32 v10;
	v22 =	vsub.f32 $0.0e+00, v4  }
0x428: {  	v10 =	vpop (erf)  }
0x429: {  	v10 =	vmul.f32 v10, v21;
	v21 =	vpop (erf);
	v22 =	vmul.f32 $1.442695020e+00, v22  }
0x42a: {  	v18 =	vadd.f32 v18, v20;
	v20 =	vld [tilespmem:s1+$0x30];
	v21 =	vadd.f32 $1.000000000e+00, v21  }
0x42b: {  	v16 =	vld [tilespmem:s24+$0xFFFFFFA0];
	[tilespmem:s24+$0xFFFFFF90] =	vst v10;
	(erf) = vpow2.f32 v22  }
0x42c: {  	v10 =	vadd.f32 v17, v18;
	v17 =	vpop (erf);
	v18 =	vmul.f32 v23, v19;
	v19 =	vld [tilespmem:s0+$0x420];
	(erf) = vrcp.f32 v21  }
0x42d: {  	v17 =	vadd.f32 $1.000000000e+00, v17  }
0x42e: {  	v10 =	vsub.f32 $0.0e+00, v10;
	[tilespmem:s21+$0xFFFFFFC0] =	vst v18;
	v18 =	vld [tilespmem:s12+$0xFFFFFFA0];
	v22 =	vpop (erf)  }
0x42f: {  	(erf) = vrcp.f32 v17;
	v17 =	vmul.f32 v22, v20;
	v20 =	vld [tilespmem:s25+$0x450]  }
0x430: {  	v24 =	vld [tilespmem:s19+$0x30];
	v10 =	vmul.f32 $1.442695020e+00, v10;
	v22 =	vpop (erf)  }
0x431: {  	v23 =	vld [tilespmem:s4+$0xFFFFFFD0];
	v16 =	vadd.f32 v16, v19;
	[tilespmem:s26+$0x30] =	vst v17;
	v17 =	vadd.f32 $1.000000000e+00, v22  }
0x432: {  	(erf) = vpow2.f32 v10;
	v10 =	vld [tilespmem:s26+$0x40]  }
0x433: {  	v22 =	vld [tilespmem:s1+$0x440];
	(erf) = vrcp.f32 v17;
	v17 =	vadd.f32 v18, v16  }
0x434: {  	v19 =	vpop (erf);
	v6 =	vadd.f32 v6, v20  }
0x435: {  	v18 =	vld [tilespmem:s9+$0x0];
	v20 =	vadd.f32 $1.000000000e+00, v19;
	v19 =	vpop (erf);
	v26 =	vsub.f32 $0.0e+00, v17  }
0x436: {  	v24 =	vmul.f32 v19, v24  }
0x437: {  	v27 =	vld [tilespmem:s28+$0x40];
	v6 =	vadd.f32 v23, v6;
	(erf) = vrcp.f32 v20;
	v20 =	vmul.f32 $1.442695020e+00, v26  }
0x438: {  	v10 =	vadd.f32 v10, v22;
	v22 =	vld [tilespmem:s2+$0x50]  }
0x439: {  	v15 =	vld [tilespmem:s26+$0xFFFFFFE0];
	v23 =	vpop (erf);
	[tilespmem:s26+$0xFFFFFFB0] =	vst v24;
	v6 =	vsub.f32 $0.0e+00, v6;
	(erf) = vpow2.f32 v20  }
0x43a: {  	v18 =	vmul.f32 v23, v18;
	v20 =	vld [tilespmem:s19+$0x440]  }
0x43b: {  	v24 =	vld [tilespmem:s28+$0xFFFFFFC0];
	v23 =	vpop (erf);
	v6 =	vmul.f32 $1.442695020e+00, v6  }
0x43c: {  	v10 =	vadd.f32 v27, v10;
	[tilespmem:s29+$0x0] =	vst v18;
	v18 =	vadd.f32 $1.000000000e+00, v23;
	v23 =	vld [tilespmem:s29+$0x10];
	v26 =	vpop (erf)  }
0x43d: {  	(erf) = vpow2.f32 v6;
	v6 =	vld [tilespmem:s9+$0x410];
	v22 =	vmul.f32 v26, v22  }
0x43e: {  	v10 =	vsub.f32 $0.0e+00, v10  }
0x43f: {  	v25 =	vld [tilespmem:s14+$0x0]  }
0x440: {  	v27 =	vld [tilespmem:s21+$0x60];
	(erf) = vrcp.f32 v18;
	v18 =	vmul.f32 $1.442695020e+00, v10;
	v7 =	vadd.f32 v7, v20  }
0x441: {  	v20 =	vld [tilespmem:s23+$0x10];
	[tilespmem:s21+$0x50] =	vst v22;
	v22 =	vpop (erf)  }
0x442: {  	(erf) = vpow2.f32 v18;
	v7 =	vadd.f32 v24, v7;
	v18 =	vld [tilespmem:s2+$0x460];
	v6 =	vadd.f32 v23, v6;
	v23 =	vpop (erf)  }
0x443: {  	v23 =	vadd.f32 $1.000000000e+00, v23  }
0x444: {  	v24 =	vld [tilespmem:s4+$0x60];
	v22 =	vmul.f32 v22, v25;
	v25 =	vsub.f32 $0.0e+00, v7  }
0x445: {  	v26 =	vld [tilespmem:s31+$0x20]  }
0x446: {  	v21 =	vld [tilespmem:s29+$0xFFFFFF90];
	v6 =	vadd.f32 v20, v6;
	[tilespmem:s29+$0xFFFFFF80] =	vst v22;
	v20 =	vmul.f32 $1.442695020e+00, v25  }
0x447: {  	v22 =	vld [tilespmem:s14+$0x410];
	(erf) = vrcp.f32 v23;
	v18 =	vadd.f32 v27, v18;
	v23 =	vpop (erf)  }
0x448: {  	v6 =	vsub.f32 $0.0e+00, v6;
	(erf) = vpow2.f32 v20;
	v20 =	vadd.f32 $1.000000000e+00, v23  }
0x449: {  	s17 =	simm.s32 $0x9280;
	v25 =	vld [tilespmem:s23+$0xFFFFFF90];
	v18 =	vadd.f32 v24, v18;
	v23 =	vpop (erf)  }
0x44a: {  	v29 =	vld [tilespmem:s17+$0x0];
	v6 =	vmul.f32 $1.442695020e+00, v6;
	v23 =	vmul.f32 v23, v26  }
0x44b: {  	v24 =	vld [tilespmem:s0+$0x20];
	v18 =	vsub.f32 $0.0e+00, v18;
	(erf) = vrcp.f32 v20  }
0x44c: {  	s7 =	simm.s32 $0x800;
	[tilespmem:s24+$0x20] =	vst v23;
	(erf) = vpow2.f32 v6;
	v6 =	vadd.f32 v21, v22;
	v21 =	vld [tilespmem:s24+$0x30];
	v20 =	vpop (erf)  }
0x44d: {  	s8 =	simm.s32 $0x480;
	s18 =	simm.s32 $0x6A80;
	v18 =	vmul.f32 $1.442695020e+00, v18;
	v22 =	vld [tilespmem:s31+$0x430];
	v20 =	vadd.f32 $1.000000000e+00, v20  }
0x44e: {  	s10 =	sand.u32 $0x380, s8;
	s11 =	simm.s32 $0x400;
	s3 =	sand.u32 $0x3800, s7;
	v30 =	vld [tilespmem:s18+$0xFFFFFF80];
	v6 =	vadd.f32 v25, v6  }
0x44f: {  	s8 =	simm.s32 $0x6B80;
	s6 =	sand.u32 $0x300, s11;
	s7 =	sadd.s32 $0x2A00, s3;
	v23 =	vld [tilespmem:s12+$0x30];
	(erf) = vrcp.f32 v20  }
0x450: {  	s11 =	sadd.s32 s6, s7;
	s6 =	simm.s32 $0x9380;
	v35 =	vld [tilespmem:s8+$0x0];
	v6 =	vsub.f32 $0.0e+00, v6;
	(erf) = vpow2.f32 v18  }
0x451: {  	v45 =	vld [tilespmem:s6+$0x0];
	v18 =	vpop (erf)  }
0x452: {  	v37 =	vld [tilespmem:s8+$0xFFFFFF80];
	v18 =	vmul.f32 v18, v24;
	v6 =	vmul.f32 $1.442695020e+00, v6;
	v22 =	vadd.f32 v21, v22  }
0x453: {  	v28 =	vld [tilespmem:s26+$0x50];
	v24 =	vpop (erf)  }
0x454: {  	v25 =	vld [tilespmem:s1+$0x40];
	v24 =	vadd.f32 $1.000000000e+00, v24;
	(erf) = vpow2.f32 v6;
	v6 =	vadd.f32 v23, v22  }
0x455: {  	v11 =	vld [tilespmem:s24+$0xFFFFFFB0];
	v21 =	vpop (erf);
	[tilespmem:s24+$0xFFFFFFA0] =	vst v18  }
0x456: {  	v22 =	vld [tilespmem:s0+$0x430];
	v18 =	vpop (erf);
	v6 =	vsub.f32 $0.0e+00, v6  }
0x457: {  	v27 =	vld [tilespmem:s18+$0x0];
	v18 =	vadd.f32 $1.000000000e+00, v18  }
0x458: {  	s3 =	sadd.s32 s10, s7;
	v23 =	vld [tilespmem:s12+$0xFFFFFFB0];
	(erf) = vrcp.f32 v24;
	v6 =	vmul.f32 $1.442695020e+00, v6;
	v24 =	vpop (erf)  }
0x459: {  	(erf) = vrcp.f32 v18;
	v18 =	vmul.f32 v24, v25;
	v24 =	vpop (erf);
	v25 =	vld [tilespmem:s3+$0x400]  }
0x45a: {  	v3 =	vld [tilespmem:s26+$0xFFFFFFF0];
	v24 =	vadd.f32 $1.000000000e+00, v24  }
0x45b: {  	v13 =	vld [tilespmem:s24+$0xFFFFFFD0];
	(erf) = vpow2.f32 v6;
	v6 =	vadd.f32 v11, v22;
	[tilespmem:s26+$0x40] =	vst v18  }
0x45c: {  	v11 =	vld [tilespmem:s1+$0x450];
	(erf) = vrcp.f32 v24  }
0x45d: {  	v18 =	vld [tilespmem:s9+$0x10];
	v6 =	vadd.f32 v23, v6  }
0x45e: {  	v22 =	vpop (erf);
	v23 =	vld [tilespmem:s28+$0x50];
	v24 =	vadd.f32 v27, v25  }
0x45f: {  	v14 =	vld [tilespmem:s24+$0xFFFFFFC0];
	v22 =	vadd.f32 $1.000000000e+00, v22;
	v6 =	vsub.f32 $0.0e+00, v6  }
0x460: {  	v25 =	vld [tilespmem:s11+$0x400];
	v24 =	vadd.f32 v29, v24  }
0x461: {  	v27 =	vpop (erf);
	(erf) = vrcp.f32 v22;
	v22 =	vld [tilespmem:s2+$0x60];
	v31 =	vmul.f32 $1.442695020e+00, v6;
	v11 =	vadd.f32 v28, v11  }
0x462: {  	v26 =	vld [tilespmem:s19+$0x40];
	v28 =	vpop (erf);
	v24 =	vsub.f32 $0.0e+00, v24  }
0x463: {  	(erf) = vpow2.f32 v31;
	v18 =	vmul.f32 v28, v18;
	v28 =	vld [tilespmem:s17+$0xFFFFFF80];
	v11 =	vadd.f32 v23, v11  }
0x464: {  	v29 =	vld [tilespmem:s14+$0x10];
	v23 =	vpop (erf);
	v24 =	vmul.f32 $1.442695020e+00, v24  }
0x465: {  	[tilespmem:s29+$0x10] =	vst v18;
	v18 =	vadd.f32 v30, v25;
	v30 =	vld [tilespmem:s29+$0x20];
	v11 =	vsub.f32 $0.0e+00, v11;
	v25 =	vpop (erf)  }
0x466: {  	v23 =	vadd.f32 $1.000000000e+00, v23;
	v22 =	vmul.f32 v25, v22;
	(erf) = vpow2.f32 v24;
	v24 =	vld [tilespmem:s9+$0x420]  }
0x467: {  	v25 =	vld [tilespmem:s21+$0x70];
	v11 =	vmul.f32 $1.442695020e+00, v11  }
0x468: {  	v18 =	vadd.f32 v28, v18;
	v28 =	vld [tilespmem:s23+$0x20];
	(erf) = vrcp.f32 v23;
	[tilespmem:s21+$0x60] =	vst v22  }
0x469: {  	(erf) = vpow2.f32 v11;
	v11 =	vld [tilespmem:s2+$0x470]  }
0x46a: {  	v5 =	vld [tilespmem:s24+$0xFFFFFFE0];
	v22 =	vpop (erf)  }
0x46b: {  	v18 =	vsub.f32 $0.0e+00, v18;
	v22 =	vmul.f32 v22, v29;
	v29 =	vld [tilespmem:s4+$0x70];
	v24 =	vadd.f32 v30, v24  }
0x46c: {  	v4 =	vld [tilespmem:s24+$0xFFFFFFF0];
	v26 =	vmul.f32 v27, v26;
	v27 =	vpop (erf)  }
0x46d: {  	v18 =	vmul.f32 $1.442695020e+00, v18;
	v27 =	vadd.f32 $1.000000000e+00, v27;
	[tilespmem:s29+$0xFFFFFF90] =	vst v22;
	v22 =	vadd.f32 v28, v24;
	v24 =	vld [tilespmem:s31+$0x30]  }
0x46e: {  	v16 =	vld [tilespmem:s29+$0xFFFFFFA0];
	[tilespmem:s26+$0xFFFFFFC0] =	vst v26;
	v11 =	vadd.f32 v25, v11  }
0x46f: {  	v31 =	vld [tilespmem:s19+$0x450];
	(erf) = vpow2.f32 v18  }
0x470: {  	v18 =	vld [tilespmem:s14+$0x420];
	(erf) = vrcp.f32 v27;
	v25 =	vpop (erf);
	v22 =	vsub.f32 $0.0e+00, v22;
	v11 =	vadd.f32 v29, v11  }
0x471: {  	v23 =	vld [tilespmem:s0+$0x30];
	v25 =	vadd.f32 $1.000000000e+00, v25;
	v27 =	vpop (erf)  }
0x472: {  	v26 =	vld [tilespmem:s23+$0xFFFFFFA0];
	v29 =	vmul.f32 $1.442695020e+00, v22;
	v38 =	vpop (erf);
	v11 =	vsub.f32 $0.0e+00, v11;
	v24 =	vmul.f32 v27, v24  }
0x473: {  	(erf) = vrcp.f32 v25;
	v27 =	vld [tilespmem:s28+$0xFFFFFFD0];
	v25 =	vadd.f32 $1.000000000e+00, v38  }
0x474: {  	(erf) = vpow2.f32 v29;
	v11 =	vmul.f32 $1.442695020e+00, v11;
	[tilespmem:s24+$0x30] =	vst v24;
	v24 =	vld [tilespmem:s24+$0x40]  }
0x475: {  	v16 =	vadd.f32 v16, v18;
	(erf) = vrcp.f32 v25;
	v25 =	vld [tilespmem:s31+$0x440]  }
0x476: {  	v17 =	vld [tilespmem:s29+$0xFFFFFFB0];
	v9 =	vadd.f32 v9, v31  }
0x477: {  	v16 =	vadd.f32 v26, v16;
	v31 =	vld [tilespmem:s12+$0x40]  }
0x478: {  	v19 =	vld [tilespmem:s29+$0xFFFFFFC0];
	(erf) = vpow2.f32 v11;
	v9 =	vadd.f32 v27, v9;
	v11 =	vpop (erf)  }
0x479: {  	v29 =	vld [tilespmem:s3+$0x0];
	v26 =	vsub.f32 $0.0e+00, v16;
	v11 =	vadd.f32 $1.000000000e+00, v11;
	v27 =	vpop (erf)  }
0x47a: {  	v10 =	vld [tilespmem:s29+$0xFFFFFFD0];
	v9 =	vsub.f32 $0.0e+00, v9;
	v23 =	vmul.f32 v27, v23;
	v24 =	vadd.f32 v24, v25  }
0x47b: {  	v20 =	vld [tilespmem:s25+$0x50];
	v26 =	vmul.f32 $1.442695020e+00, v26  }
0x47c: {  	v25 =	vld [tilespmem:s1+$0x50];
	(erf) = vrcp.f32 v11;
	v9 =	vmul.f32 $1.442695020e+00, v9;
	v24 =	vadd.f32 v31, v24  }
0x47d: {  	v30 =	vld [tilespmem:s11+$0x0];
	v27 =	vpop (erf);
	(erf) = vpow2.f32 v26;
	[tilespmem:s24+$0xFFFFFFB0] =	vst v23  }
0x47e: {  	v26 =	vmul.f32 v27, v29;
	v27 =	vld [tilespmem:s0+$0x440];
	(erf) = vpow2.f32 v9;
	v23 =	vpop (erf);
	v9 =	vsub.f32 $0.0e+00, v24  }
0x47f: {  	v29 =	vld [tilespmem:s12+$0xFFFFFFC0];
	v23 =	vadd.f32 $1.000000000e+00, v23  }
0x480: {  	[tilespmem:s18+$0x0] =	vst v26;
	v26 =	vld [tilespmem:s18+$0x10];
	v31 =	vpop (erf);
	v9 =	vmul.f32 $1.442695020e+00, v9  }
0x481: {  	v40 =	vld [tilespmem:s17+$0x10];
	v24 =	vpop (erf);
	(erf) = vrcp.f32 v23;
	v23 =	vmul.f32 v31, v25  }
0x482: {  	v24 =	vadd.f32 $1.000000000e+00, v24;
	v25 =	vld [tilespmem:s3+$0x410]  }
0x483: {  	v31 =	vld [tilespmem:s26+$0x60];
	[tilespmem:s26+$0x50] =	vst v23  }
0x484: {  	v14 =	vadd.f32 v14, v27;
	(erf) = vrcp.f32 v24;
	v24 =	vld [tilespmem:s1+$0x460]  }
0x485: {  	v27 =	vld [tilespmem:s9+$0x20];
	(erf) = vpow2.f32 v9;
	v9 =	vpop (erf)  }
0x486: {  	v14 =	vadd.f32 v29, v14;
	v29 =	vld [tilespmem:s28+$0x60];
	v23 =	vpop (erf)  }
0x487: {  	v7 =	vld [tilespmem:s29+$0xFFFFFFE0];
	v20 =	vmul.f32 v21, v20;
	v30 =	vmul.f32 v9, v30;
	v21 =	vadd.f32 $1.000000000e+00, v23  }
0x488: {  	v51 =	vld [tilespmem:s26+$0x70];
	v25 =	vadd.f32 v26, v25  }
0x489: {  	v28 =	vld [tilespmem:s18+$0xFFFFFF90];
	v26 =	vpop (erf);
	[tilespmem:s18+$0xFFFFFF80] =	vst v30;
	(erf) = vrcp.f32 v21;
	v21 =	vadd.f32 v31, v24  }
0x48a: {  	[tilespmem:s21+$0xFFFFFFD0] =	vst v20;
	v14 =	vsub.f32 $0.0e+00, v14;
	v25 =	vadd.f32 v40, v25;
	v20 =	vld [tilespmem:s11+$0x410];
	v24 =	vpop (erf)  }
0x48b: {  	v6 =	vld [tilespmem:s29+$0xFFFFFFF0];
	v24 =	vmul.f32 v24, v27;
	v21 =	vadd.f32 v29, v21  }
0x48c: {  	v14 =	vmul.f32 $1.442695020e+00, v14;
	v27 =	vld [tilespmem:s17+$0xFFFFFF90]  }
0x48d: {  	v39 =	vld [tilespmem:s14+$0x20];
	v31 =	vsub.f32 $0.0e+00, v25;
	v21 =	vsub.f32 $0.0e+00, v21  }
0x48e: {  	v30 =	vld [tilespmem:s25+$0x460];
	v26 =	vadd.f32 $1.000000000e+00, v26;
	(erf) = vpow2.f32 v14;
	v25 =	vpop (erf)  }
0x48f: {  	v14 =	vld [tilespmem:s4+$0xFFFFFFE0];
	v29 =	vmul.f32 $1.442695020e+00, v31;
	[tilespmem:s29+$0x20] =	vst v24;
	v20 =	vadd.f32 v28, v20;
	v24 =	vpop (erf);
	v21 =	vmul.f32 $1.442695020e+00, v21  }
0x490: {  	(erf) = vrcp.f32 v26;
	v31 =	vld [tilespmem:s29+$0x30];
	v24 =	vadd.f32 $1.000000000e+00, v24  }
0x491: {  	(erf) = vpow2.f32 v29;
	v28 =	vld [tilespmem:s9+$0x430];
	v20 =	vadd.f32 v27, v20  }
0x492: {  	v63 =	vld [tilespmem:s29+$0x40];
	(erf) = vrcp.f32 v24  }
0x493: {  	v24 =	vld [tilespmem:s23+$0x30];
	v20 =	vsub.f32 $0.0e+00, v20;
	(erf) = vpow2.f32 v21;
	v21 =	vpop (erf)  }
0x494: {  	v22 =	vld [tilespmem:s18+$0xFFFFFFA0];
	v8 =	vadd.f32 v8, v30;
	v21 =	vmul.f32 v21, v39  }
0x495: {  	v18 =	vld [tilespmem:s18+$0xFFFFFFB0];
	v20 =	vmul.f32 $1.442695020e+00, v20  }
0x496: {  	v16 =	vld [tilespmem:s18+$0xFFFFFFC0];
	v14 =	vadd.f32 v14, v8;
	v28 =	vadd.f32 v31, v28;
	[tilespmem:s29+$0xFFFFFFA0] =	vst v21  }
0x497: {  	(erf) = vpow2.f32 v20;
	v20 =	vld [tilespmem:s14+$0x430]  }
0x498: {  	v14 =	vsub.f32 $0.0e+00, v14;
	v31 =	vpop (erf);
	v21 =	vld [tilespmem:s31+$0x40];
	v24 =	vadd.f32 v24, v28  }
0x499: {  	v28 =	vadd.f32 $1.000000000e+00, v31;
	v31 =	vpop (erf);
	v41 =	vld [tilespmem:s23+$0xFFFFFFB0]  }
0x49a: {  	s13 =	simm.s32 $0xA00;
	v11 =	vld [tilespmem:s18+$0xFFFFFFD0];
	v14 =	vmul.f32 $1.442695020e+00, v14;
	v42 =	vpop (erf);
	v24 =	vsub.f32 $0.0e+00, v24  }
0x49b: {  	s7 =	simm.s32 $0x580;
	v26 =	vld [tilespmem:s2+$0x70];
	s2 =	sand.u32 $0x3800, s13;
	(erf) = vrcp.f32 v28;
	v28 =	vadd.f32 $1.000000000e+00, v42  }
0x49c: {  	s20 =	sand.u32 $0x380, s7;
	v46 =	vld [tilespmem:s3+$0x10];
	s10 =	sadd.s32 $0x2A00, s2;
	(erf) = vpow2.f32 v14;
	v43 =	vpop (erf);
	v24 =	vmul.f32 $1.442695020e+00, v24;
	v17 =	vadd.f32 v17, v20  }
0x49d: {  	v9 =	vld [tilespmem:s18+$0xFFFFFFE0];
	s2 =	sadd.s32 s20, s10;
	(erf) = vrcp.f32 v28;
	v21 =	vmul.f32 v43, v21;
	v44 =	vpop (erf)  }
0x49e: {  	v28 =	vld [tilespmem:s2+$0x400];
	v20 =	vadd.f32 $1.000000000e+00, v44;
	v17 =	vadd.f32 v41, v17  }
0x49f: {  	v14 =	vld [tilespmem:s24+$0x50];
	(erf) = vpow2.f32 v24;
	[tilespmem:s24+$0x40] =	vst v21  }
0x4a0: {  	v21 =	vld [tilespmem:s31+$0x450];
	(erf) = vrcp.f32 v20;
	v17 =	vsub.f32 $0.0e+00, v17  }
0x4a1: {  	s22 =	simm.s32 $0x500;
	v23 =	vld [tilespmem:s19+$0x50]  }
0x4a2: {  	s13 =	sand.u32 $0x300, s22;
	v24 =	vpop (erf);
	v36 =	vld [tilespmem:s12+$0x50];
	v17 =	vmul.f32 $1.442695020e+00, v17  }
0x4a3: {  	v30 =	vld [tilespmem:s11+$0x10];
	s13 =	sadd.s32 s13, s10;
	v28 =	vadd.f32 v35, v28;
	v24 =	vadd.f32 $1.000000000e+00, v24  }
0x4a4: {  	v20 =	vld [tilespmem:s13+$0x400];
	v47 =	vpop (erf)  }
0x4a5: {  	v28 =	vadd.f32 v45, v28;
	(erf) = vrcp.f32 v24;
	v24 =	vld [tilespmem:s1+$0x60];
	v38 =	vpop (erf);
	v14 =	vadd.f32 v14, v21  }
0x4a6: {  	v29 =	vld [tilespmem:s0+$0x40];
	(erf) = vpow2.f32 v17;
	v17 =	vpop (erf)  }
0x4a7: {  	v21 =	vld [tilespmem:s6+$0xFFFFFF80];
	v39 =	vsub.f32 $0.0e+00, v28;
	v14 =	vadd.f32 v36, v14;
	v17 =	vmul.f32 v17, v46  }
0x4a8: {  	v40 =	vld [tilespmem:s9+$0x30];
	v48 =	vadd.f32 $1.000000000e+00, v38;
	v49 =	vpop (erf)  }
0x4a9: {  	v50 =	vmul.f32 $1.442695020e+00, v39;
	v52 =	vpop (erf);
	v14 =	vsub.f32 $0.0e+00, v14;
	[tilespmem:s18+$0x10] =	vst v17;
	v17 =	vld [tilespmem:s18+$0x20]  }
0x4aa: {  	v20 =	vadd.f32 v37, v20;
	(erf) = vrcp.f32 v48;
	v24 =	vmul.f32 v52, v24;
	v53 =	vld [tilespmem:s3+$0x420]  }
0x4ab: {  	v8 =	vld [tilespmem:s18+$0xFFFFFFF0];
	v32 =	vadd.f32 $1.000000000e+00, v49;
	(erf) = vpow2.f32 v50;
	v14 =	vmul.f32 $1.442695020e+00, v14  }
0x4ac: {  	v27 =	vld [tilespmem:s25+$0x60];
	v20 =	vadd.f32 v21, v20;
	[tilespmem:s26+$0x60] =	vst v24  }
0x4ad: {  	(erf) = vrcp.f32 v32;
	v24 =	vld [tilespmem:s1+$0x470]  }
0x4ae: {  	v54 =	vld [tilespmem:s17+$0x20];
	v20 =	vsub.f32 $0.0e+00, v20;
	(erf) = vpow2.f32 v14  }
0x4af: {  	v55 =	vld [tilespmem:s28+$0x70];
	v14 =	vpop (erf);
	v33 =	vadd.f32 v17, v53  }
0x4b0: {  	v34 =	vld [tilespmem:s14+$0x30];
	v56 =	vmul.f32 $1.442695020e+00, v20;
	v14 =	vmul.f32 v14, v30;
	v30 =	vpop (erf)  }
0x4b1: {  	v42 =	vld [tilespmem:s2+$0x0];
	v30 =	vadd.f32 $1.000000000e+00, v30  }
0x4b2: {  	v29 =	vmul.f32 v47, v29;
	v38 =	vld [tilespmem:s13+$0x0];
	(erf) = vpow2.f32 v56;
	[tilespmem:s18+$0xFFFFFF90] =	vst v14;
	v24 =	vadd.f32 v51, v24  }
0x4b3: {  	v14 =	vadd.f32 v54, v33;
	v33 =	vpop (erf);
	(erf) = vrcp.f32 v30;
	v30 =	vld [tilespmem:s11+$0x420]  }
0x4b4: {  	v28 =	vld [tilespmem:s8+$0xFFFFFF90];
	[tilespmem:s24+$0xFFFFFFC0] =	vst v29;
	v24 =	vadd.f32 v55, v24;
	v57 =	vpop (erf)  }
0x4b5: {  	v61 =	vld [tilespmem:s0+$0x450];
	v14 =	vsub.f32 $0.0e+00, v14;
	v29 =	vadd.f32 $1.000000000e+00, v57  }
0x4b6: {  	v58 =	vld [tilespmem:s17+$0xFFFFFFA0];
	v59 =	vpop (erf);
	v24 =	vsub.f32 $0.0e+00, v24  }
0x4b7: {  	v36 =	vld [tilespmem:s0+$0x50];
	v60 =	vmul.f32 $1.442695020e+00, v14;
	v62 =	vpop (erf);
	(erf) = vrcp.f32 v29  }
0x4b8: {  	v29 =	vadd.f32 $1.000000000e+00, v62;
	v24 =	vmul.f32 $1.442695020e+00, v24;
	v22 =	vadd.f32 v22, v30;
	v30 =	vld [tilespmem:s12+$0xFFFFFFD0]  }
0x4b9: {  	v46 =	vld [tilespmem:s24+$0x60];
	v35 =	vmul.f32 v59, v40;
	(erf) = vpow2.f32 v60  }
0x4ba: {  	v23 =	vmul.f32 v31, v23;
	v21 =	vld [tilespmem:s8+$0xFFFFFFA0];
	(erf) = vrcp.f32 v29  }
0x4bb: {  	v52 =	vld [tilespmem:s3+$0x20];
	v13 =	vadd.f32 v13, v61;
	[tilespmem:s29+$0x30] =	vst v35;
	v31 =	vpop (erf);
	v22 =	vadd.f32 v58, v22  }
0x4bc: {  	[tilespmem:s26+$0xFFFFFFD0] =	vst v23;
	v29 =	vld [tilespmem:s9+$0x440];
	v23 =	vadd.f32 $1.000000000e+00, v31;
	(erf) = vpow2.f32 v24;
	v24 =	vpop (erf)  }
0x4bd: {  	v20 =	vld [tilespmem:s8+$0xFFFFFFB0];
	v22 =	vsub.f32 $0.0e+00, v22;
	v24 =	vmul.f32 v24, v34;
	v13 =	vadd.f32 v30, v13  }
0x4be: {  	v31 =	vld [tilespmem:s23+$0x40]  }
0x4bf: {  	(erf) = vrcp.f32 v23;
	v22 =	vmul.f32 $1.442695020e+00, v22;
	[tilespmem:s29+$0xFFFFFFB0] =	vst v24;
	v13 =	vsub.f32 $0.0e+00, v13;
	v24 =	vld [tilespmem:s31+$0x50]  }
0x4c0: {  	v17 =	vld [tilespmem:s8+$0xFFFFFFC0]  }
0x4c1: {  	v29 =	vadd.f32 v63, v29;
	v23 =	vpop (erf);
	(erf) = vpow2.f32 v22;
	v22 =	vld [tilespmem:s14+$0x440];
	v13 =	vmul.f32 $1.442695020e+00, v13  }
0x4c2: {  	v56 =	vld [tilespmem:s28+$0xFFFFFFE0];
	v43 =	vpop (erf)  }
0x4c3: {  	v44 =	vld [tilespmem:s23+$0xFFFFFFC0];
	v37 =	vmul.f32 v23, v42;
	v45 =	vpop (erf);
	(erf) = vpow2.f32 v13;
	v13 =	vadd.f32 v31, v29  }
0x4c4: {  	v54 =	vld [tilespmem:s1+$0x70];
	v24 =	vmul.f32 v45, v24  }
0x4c5: {  	v34 =	vadd.f32 $1.000000000e+00, v43;
	[tilespmem:s8+$0x0] =	vst v37;
	v29 =	vld [tilespmem:s8+$0x10];
	v47 =	vpop (erf);
	v13 =	vsub.f32 $0.0e+00, v13  }
0x4c6: {  	v31 =	vld [tilespmem:s2+$0x410];
	v19 =	vadd.f32 v19, v22;
	[tilespmem:s24+$0x50] =	vst v24;
	v24 =	vadd.f32 $1.000000000e+00, v47  }
0x4c7: {  	v32 =	vld [tilespmem:s11+$0x20];
	(erf) = vrcp.f32 v34;
	v49 =	vmul.f32 $1.442695020e+00, v13  }
0x4c8: {  	v50 =	vpop (erf);
	v22 =	vld [tilespmem:s6+$0x10];
	v19 =	vadd.f32 v44, v19;
	(erf) = vrcp.f32 v24  }
0x4c9: {  	v48 =	vld [tilespmem:s31+$0x460];
	v24 =	vmul.f32 v50, v38;
	(erf) = vpow2.f32 v49  }
0x4ca: {  	v14 =	vld [tilespmem:s8+$0xFFFFFFD0];
	v51 =	vpop (erf);
	v19 =	vsub.f32 $0.0e+00, v19  }
0x4cb: {  	v53 =	vld [tilespmem:s12+$0x60];
	v29 =	vadd.f32 v29, v31;
	v37 =	vadd.f32 $1.000000000e+00, v51  }
0x4cc: {  	v30 =	vld [tilespmem:s19+$0x460];
	v19 =	vmul.f32 $1.442695020e+00, v19  }
0x4cd: {  	v27 =	vmul.f32 v33, v27;
	v23 =	vld [tilespmem:s14+$0x40];
	[tilespmem:s8+$0xFFFFFF80] =	vst v24;
	v29 =	vadd.f32 v22, v29;
	(erf) = vrcp.f32 v37;
	v24 =	vpop (erf)  }
0x4ce: {  	v41 =	vld [tilespmem:s13+$0x410];
	v57 =	vadd.f32 v46, v48;
	(erf) = vpow2.f32 v19;
	v19 =	vadd.f32 $1.000000000e+00, v24  }
0x4cf: {  	v25 =	vmul.f32 v25, v26;
	v13 =	vld [tilespmem:s8+$0xFFFFFFE0]  }
0x4d0: {  	v31 =	vld [tilespmem:s6+$0xFFFFFF90];
	v55 =	vpop (erf);
	v26 =	vadd.f32 v53, v57;
	(erf) = vrcp.f32 v19;
	v19 =	vsub.f32 $0.0e+00, v29  }
0x4d1: {  	[tilespmem:s21+$0xFFFFFFE0] =	vst v27;
	v22 =	vld [tilespmem:s19+$0x60];
	v37 =	vmul.f32 v55, v52;
	v27 =	vpop (erf)  }
0x4d2: {  	v15 =	vadd.f32 v15, v30;
	v24 =	vld [tilespmem:s13+$0x10];
	v26 =	vsub.f32 $0.0e+00, v26;
	v19 =	vmul.f32 $1.442695020e+00, v19;
	v30 =	vpop (erf)  }
0x4d3: {  	v29 =	vld [tilespmem:s18+$0x30];
	[tilespmem:s18+$0x20] =	vst v37;
	v28 =	vadd.f32 v28, v41;
	v30 =	vadd.f32 $1.000000000e+00, v30  }
0x4d4: {  	v58 =	vld [tilespmem:s3+$0x430];
	v61 =	vmul.f32 $1.442695020e+00, v26;
	(erf) = vpow2.f32 v19  }
0x4d5: {  	v28 =	vadd.f32 v31, v28;
	v31 =	vld [tilespmem:s25+$0x470];
	(erf) = vrcp.f32 v30  }
0x4d6: {  	v59 =	vld [tilespmem:s17+$0x30];
	v19 =	vadd.f32 v56, v15;
	(erf) = vpow2.f32 v61  }
0x4d7: {  	v26 =	vld [tilespmem:s4+$0xFFFFFFF0];
	v28 =	vsub.f32 $0.0e+00, v28;
	v60 =	vpop (erf)  }
0x4d8: {  	v15 =	vld [tilespmem:s8+$0xFFFFFFF0];
	v62 =	vsub.f32 $0.0e+00, v19;
	v32 =	vmul.f32 v60, v32  }
0x4d9: {  	[tilespmem:s21+$0x70] =	vst v25;
	v27 =	vmul.f32 v27, v54;
	v19 =	vld [tilespmem:s25+$0x70];
	v28 =	vmul.f32 $1.442695020e+00, v28;
	v33 =	vadd.f32 v29, v58;
	v30 =	vpop (erf)  }
0x4da: {  	v31 =	vadd.f32 v12, v31;
	v63 =	vadd.f32 $1.000000000e+00, v30;
	[tilespmem:s18+$0xFFFFFFA0] =	vst v32;
	v30 =	vld [tilespmem:s9+$0x40];
	v25 =	vpop (erf);
	v32 =	vmul.f32 $1.442695020e+00, v62  }
0x4db: {  	s30 =	simm.s32 $0xC00;
	(erf) = vpow2.f32 v28;
	v33 =	vadd.f32 v59, v33;
	v29 =	vld [tilespmem:s11+$0x430];
	v12 =	vmul.f32 v25, v36  }
0x4dc: {  	s1 =	simm.s32 $0x6B80;
	s4 =	simm.s32 $0x9380;
	[tilespmem:s26+$0x70] =	vst v27;
	s25 =	simm.s32 $0xA;
	v27 =	vld [tilespmem:s17+$0xFFFFFFB0];
	(erf) = vrcp.f32 v63  }
.LBB2_5:
0x4dd: {  	s10 =	sand.u32 $0x3800, s30;
	s7 =	sadd.s32 $0x100, s7;
	v28 =	vpop (erf);
	v25 =	vld [tilespmem:s11+$0x30];
	v33 =	vsub.f32 $0.0e+00, v33;
	[tilespmem:s24+$0xFFFFFFD0] =	vst v12;
	(erf) = vpow2.f32 v32;
	v12 =	vadd.f32 v26, v31  }
0x4de: {  	s8 =	sadd.s32 $0x100, s8;
	s10 =	sadd.s32 $0x2A00, s10;
	s20 =	sand.u32 $0x380, s7;
	v26 =	vadd.f32 $1.000000000e+00, v28;
	v28 =	vld [tilespmem:s29+$0x50];
	v31 =	vpop (erf)  }
0x4df: {  	s22 =	sadd.s32 $0xFFFFFF80, s7;
	s20 =	sadd.s32 s20, s10;
	v32 =	vld [tilespmem:s8+$0x0];
	v33 =	vmul.f32 $1.442695020e+00, v33;
	v30 =	vmul.f32 v31, v30;
	v31 =	vpop (erf);
	v12 =	vsub.f32 $0.0e+00, v12  }
0x4e0: {  	s6 =	sadd.s32 $0x100, s6;
	s22 =	sand.u32 $0x300, s22;
	v34 =	vld [tilespmem:s20+$0x400];
	(erf) = vrcp.f32 v26;
	v26 =	vadd.f32 v18, v29;
	v29 =	vadd.f32 $1.000000000e+00, v31;
	v18 =	vmovc v20  }
0x4e1: {  	s22 =	sadd.s32 s22, s10;
	v20 =	vld [tilespmem:s6+$0x0];
	(erf) = vpow2.f32 v33;
	[tilespmem:s29+$0x40] =	vst v30;
	v30 =	vmul.f32 $1.442695020e+00, v12  }
0x4e2: {  	s25 =	sadd.s32 $0x2, s25;
	v26 =	vadd.f32 v27, v26;
	v27 =	vld [tilespmem:s9+$0x450];
	(erf) = vrcp.f32 v29  }
0x4e3: {  	p1 =	slt.u32 s25, $0x26;
	v29 =	vld [tilespmem:s22+$0x400];
	(erf) = vpow2.f32 v30  }
0x4e4: {  	v12 =	vpop (erf);
	v26 =	vsub.f32 $0.0e+00, v26;
	v30 =	vld [tilespmem:s23+$0x50]  }
0x4e5: {  	v31 =	vadd.f32 v32, v34;
	v12 =	vadd.f32 $1.000000000e+00, v12;
	v32 =	vld [tilespmem:s2+$0x10];
	v33 =	vpop (erf)  }
0x4e6: {  	v34 =	vld [tilespmem:s8+$0xFFFFFF80];
	v35 =	vmul.f32 $1.442695020e+00, v26;
	v23 =	vmul.f32 v33, v23;
	v33 =	vpop (erf)  }
0x4e7: {  	v20 =	vadd.f32 v20, v31;
	(erf) = vrcp.f32 v12;
	v12 =	vadd.f32 v28, v27;
	v28 =	vld [tilespmem:s31+$0x60]  }
0x4e8: {  	v31 =	vld [tilespmem:s6+$0xFFFFFF80];
	(erf) = vpow2.f32 v35;
	[tilespmem:s29+$0xFFFFFFC0] =	vst v23;
	v23 =	vadd.f32 $1.000000000e+00, v33  }
0x4e9: {  	v27 =	vld [tilespmem:s22+$0x0];
	v20 =	vsub.f32 $0.0e+00, v20;
	v26 =	vpop (erf);
	v30 =	vadd.f32 v30, v12  }
0x4ea: {  	v12 =	vld [tilespmem:s8+$0xFFFFFF90];
	v26 =	vmul.f32 v26, v32;
	v32 =	vpop (erf);
	(erf) = vrcp.f32 v23  }
0x4eb: {  	v23 =	vadd.f32 v34, v29;
	v20 =	vmul.f32 $1.442695020e+00, v20;
	v29 =	vsub.f32 $0.0e+00, v30;
	v30 =	vld [tilespmem:s24+$0x70];
	v33 =	vpop (erf)  }
0x4ec: {  	v32 =	vadd.f32 $1.000000000e+00, v32;
	[tilespmem:s1+$0x10] =	vst v26;
	v26 =	vld [tilespmem:s1+$0x20];
	v28 =	vmul.f32 v33, v28;
	v33 =	vpop (erf)  }
0x4ed: {  	v23 =	vadd.f32 v31, v23;
	(erf) = vpow2.f32 v20;
	v31 =	vld [tilespmem:s2+$0x420];
	v34 =	vmul.f32 $1.442695020e+00, v29  }
0x4ee: {  	v35 =	vadd.f32 $1.000000000e+00, v33;
	v29 =	vld [tilespmem:s4+$0x20];
	(erf) = vrcp.f32 v32;
	[tilespmem:s24+$0x60] =	vst v28  }
0x4ef: {  	v23 =	vsub.f32 $0.0e+00, v23;
	(erf) = vpow2.f32 v34;
	v32 =	vld [tilespmem:s31+$0x470]  }
0x4f0: {  	v33 =	vld [tilespmem:s8+$0xFFFFFFA0];
	v20 =	vpop (erf);
	(erf) = vrcp.f32 v35  }
0x4f1: {  	v35 =	vmul.f32 $1.442695020e+00, v23;
	v24 =	vmul.f32 v20, v24;
	v28 =	vpop (erf);
	v34 =	vld [tilespmem:s12+$0x70]  }
0x4f2: {  	v20 =	vld [tilespmem:s8+$0xFFFFFFB0];
	v26 =	vadd.f32 v26, v31;
	v28 =	vadd.f32 $1.000000000e+00, v28  }
0x4f3: {  	v31 =	vld [tilespmem:s8+$0xFFFFFFC0];
	(erf) = vpow2.f32 v35;
	[tilespmem:s1+$0xFFFFFF90] =	vst v24;
	v23 =	vpop (erf)  }
0x4f4: {  	v24 =	vadd.f32 v29, v26;
	v29 =	vld [tilespmem:s3+$0x30];
	(erf) = vrcp.f32 v28;
	v26 =	vadd.f32 v30, v32  }
0x4f5: {  	v22 =	vmul.f32 v23, v22;
	v28 =	vld [tilespmem:s13+$0x420]  }
0x4f6: {  	v23 =	vpop (erf);
	v30 =	vld [tilespmem:s4+$0xFFFFFFA0];
	v24 =	vsub.f32 $0.0e+00, v24;
	v32 =	vadd.f32 v34, v26  }
0x4f7: {  	v23 =	vadd.f32 $1.000000000e+00, v23;
	v26 =	vld [tilespmem:s13+$0x20];
	v34 =	vpop (erf);
	[tilespmem:s26+$0xFFFFFFE0] =	vst v22  }
0x4f8: {  	v22 =	vmul.f32 $1.442695020e+00, v24;
	v24 =	vld [tilespmem:s14+$0x450];
	v35 =	vpop (erf);
	v32 =	vsub.f32 $0.0e+00, v32  }
0x4f9: {  	v36 =	vld [tilespmem:s8+$0xFFFFFFD0];
	(erf) = vrcp.f32 v23;
	v23 =	vmul.f32 v34, v29;
	v35 =	vadd.f32 $1.000000000e+00, v35;
	v34 =	vpop (erf)  }
0x4fa: {  	v28 =	vadd.f32 v21, v28;
	(erf) = vpow2.f32 v22;
	v22 =	vld [tilespmem:s23+$0xFFFFFFD0];
	v37 =	vmul.f32 $1.442695020e+00, v32;
	v21 =	vmovc v33  }
0x4fb: {  	v19 =	vmul.f32 v34, v19;
	[tilespmem:s18+$0x30] =	vst v23;
	v23 =	vld [tilespmem:s18+$0x40];
	(erf) = vrcp.f32 v35  }
0x4fc: {  	v29 =	vpop (erf);
	v30 =	vadd.f32 v30, v28;
	v33 =	vld [tilespmem:s3+$0x440];
	(erf) = vpow2.f32 v37  }
0x4fd: {  	v29 =	vadd.f32 $1.000000000e+00, v29;
	v32 =	vpop (erf);
	v28 =	vld [tilespmem:s14+$0x50];
	v24 =	vadd.f32 v10, v24;
	[tilespmem:s21+$0xFFFFFFF0] =	vst v19;
	v10 =	vmov v11;
	s21 =	smov.u32 s26;
	s26 =	smov.u32 s24;
	s24 =	smov.u32 s29  }
0x4fe: {  	v11 =	vmovc v14;
	s29 =	smov.u32 s18;
	s18 =	smov.u32 s1;
	s1 =	smov.u32 s8;
	v19 =	vsub.f32 $0.0e+00, v30;
	v25 =	vmul.f32 v32, v25;
	v30 =	vld [tilespmem:s17+$0x40];
	v14 =	vmov v36  }
0x4ff: {  	v32 =	vld [tilespmem:s20+$0x0];
	(erf) = vrcp.f32 v29;
	v22 =	vadd.f32 v22, v24  }
0x500: {  	v19 =	vmul.f32 $1.442695020e+00, v19;
	[tilespmem:s29+$0xFFFFFFB0] =	vst v25;
	v24 =	vld [tilespmem:s0+$0x460]  }
0x501: {  	v23 =	vadd.f32 v23, v33;
	v22 =	vsub.f32 $0.0e+00, v22;
	v25 =	vld [tilespmem:s9+$0x50]  }
0x502: {  	v29 =	vpop (erf);
	(erf) = vpow2.f32 v19;
	v19 =	vld [tilespmem:s11+$0x440]  }
0x503: {  	v33 =	vpop (erf);
	v34 =	vld [tilespmem:s17+$0xFFFFFFC0];
	v30 =	vadd.f32 v30, v23;
	v36 =	vmul.f32 $1.442695020e+00, v22  }
0x504: {  	v29 =	vmul.f32 v29, v32;
	v23 =	vld [tilespmem:s11+$0x40];
	v32 =	vpop (erf)  }
0x505: {  	v37 =	vadd.f32 $1.000000000e+00, v33;
	v30 =	vsub.f32 $0.0e+00, v30;
	v35 =	vld [tilespmem:s24+$0x60];
	(erf) = vpow2.f32 v36;
	v22 =	vpop (erf)  }
0x506: {  	[tilespmem:s8+$0x0] =	vst v29;
	v29 =	vld [tilespmem:s8+$0x10];
	v25 =	vmul.f32 v32, v25;
	v32 =	vadd.f32 v5, v24;
	v22 =	vadd.f32 $1.000000000e+00, v22;
	v5 =	vmovc v7  }
0x507: {  	v24 =	vld [tilespmem:s20+$0x410];
	(erf) = vrcp.f32 v37;
	v19 =	vadd.f32 v16, v19;
	v30 =	vmul.f32 $1.442695020e+00, v30;
	v16 =	vmovc v17;
	v17 =	vmovc v31  }
0x508: {  	v7 =	vmov v9;
	v9 =	vmov v13;
	v31 =	vld [tilespmem:s6+$0x10];
	v33 =	vpop (erf);
	[tilespmem:s24+$0x50] =	vst v25;
	(erf) = vrcp.f32 v22  }
0x509: {  	v27 =	vmul.f32 v33, v27;
	v19 =	vadd.f32 v34, v19;
	(erf) = vpow2.f32 v30;
	v25 =	vld [tilespmem:s9+$0x460]  }
0x50a: {  	v13 =	vld [tilespmem:s8+$0xFFFFFFE0]  }
0x50b: {  	[tilespmem:s8+$0xFFFFFF80] =	vst v27;
	v22 =	vpop (erf);
	v19 =	vsub.f32 $0.0e+00, v19;
	v27 =	vld [tilespmem:s23+$0x60]  }
0x50c: {  	v34 =	vadd.f32 v29, v24;
	v22 =	vadd.f32 $1.000000000e+00, v22;
	v29 =	vld [tilespmem:s2+$0x20]  }
0x50d: {  	v19 =	vmul.f32 $1.442695020e+00, v19;
	v30 =	vld [tilespmem:s31+$0x70];
	s31 =	smov.u32 s9;
	s9 =	smov.u32 s3;
	s3 =	smov.u32 s2  }
0x50e: {  	s2 =	smov.u32 s20;
	v33 =	vld [tilespmem:s22+$0x410];
	v31 =	vadd.f32 v31, v34;
	(erf) = vrcp.f32 v22;
	v22 =	vadd.f32 v35, v25;
	v24 =	vpop (erf)  }
0x50f: {  	v25 =	vld [tilespmem:s6+$0xFFFFFF90];
	(erf) = vpow2.f32 v19;
	v19 =	vadd.f32 $1.000000000e+00, v24  }
0x510: {  	v24 =	vld [tilespmem:s22+$0x10];
	v31 =	vsub.f32 $0.0e+00, v31;
	v34 =	vpop (erf);
	v22 =	vadd.f32 v27, v22  }
0x511: {  	v27 =	vmul.f32 v34, v29;
	(erf) = vrcp.f32 v19;
	v19 =	vld [tilespmem:s12+$0xFFFFFFE0];
	v29 =	vpop (erf)  }
0x512: {  	v31 =	vmul.f32 $1.442695020e+00, v31;
	v34 =	vpop (erf);
	v35 =	vsub.f32 $0.0e+00, v22;
	v22 =	vld [tilespmem:s0+$0x60];
	v29 =	vmul.f32 v29, v30  }
0x513: {  	v12 =	vadd.f32 v12, v33;
	[tilespmem:s18+$0x20] =	vst v27;
	v27 =	vld [tilespmem:s18+$0x30];
	v30 =	vadd.f32 $1.000000000e+00, v34  }
0x514: {  	(erf) = vpow2.f32 v31;
	v31 =	vld [tilespmem:s3+$0x430];
	v33 =	vmul.f32 $1.442695020e+00, v35;
	[tilespmem:s26+$0x70] =	vst v29  }
0x515: {  	v12 =	vadd.f32 v25, v12;
	(erf) = vrcp.f32 v30;
	v25 =	vld [tilespmem:s19+$0x470]  }
0x516: {  	v34 =	vld [tilespmem:s4+$0x30];
	(erf) = vpow2.f32 v33;
	v19 =	vadd.f32 v19, v32  }
0x517: {  	v12 =	vsub.f32 $0.0e+00, v12;
	v35 =	vld [tilespmem:s8+$0xFFFFFFF0];
	v29 =	vpop (erf)  }
.Ltmp3:
0x518: {  	v29 =	vmul.f32 v29, v26;
	v30 =	vpop (erf);
	v32 =	vsub.f32 $0.0e+00, v19;
	v26 =	vld [tilespmem:s28+$0xFFFFFFF0];
	s28 =	smov.u32 s12;
	s12 =	smov.u32 s23;
	(pc) =	sbr.rel @p1 .LBB2_5-.Ltmp3, $4  }
0x519: {  	s23 =	smov.u32 s17;
	s17 =	smov.u32 s4;
	s4 =	smov.u32 s6;
	v12 =	vmul.f32 $1.442695020e+00, v12;
	v27 =	vadd.f32 v27, v31;
	v36 =	vadd.f32 $1.000000000e+00, v30;
	v19 =	vld [tilespmem:s19+$0x70]  }
0x51a: {  	s19 =	smov.u32 s0;
	s0 =	smov.u32 s14;
	s14 =	smov.u32 s11;
	[tilespmem:s18+$0xFFFFFFA0] =	vst v29;
	v30 =	vld [tilespmem:s9+$0x40];
	v37 =	vpop (erf);
	v32 =	vmul.f32 $1.442695020e+00, v32;
	v31 =	vadd.f32 v3, v25;
	v3 =	vmov v4  }
0x51b: {  	s11 =	smov.u32 s13;
	v4 =	vmovc v6;
	v6 =	vmovc v8;
	(erf) = vpow2.f32 v12;
	v29 =	vld [tilespmem:s13+$0x430];
	v33 =	vadd.f32 v34, v27;
	v12 =	vmul.f32 v37, v28;
	s13 =	smov.u32 s22  }
0x51c: {  	s30 =	sadd.s32 $0x200, s30;
	v8 =	vmov v15;
	v27 =	vld [tilespmem:s17+$0xFFFFFFB0];
	(erf) = vrcp.f32 v36;
	v15 =	vmov v35  }
0x51d: {  	v25 =	vpop (erf);
	v28 =	vsub.f32 $0.0e+00, v33  }
0x51e: {  	v25 =	vadd.f32 $1.000000000e+00, v25  }
0x51f: {  	(erf) = vpow2.f32 v32;
	v49 =	vpop (erf);
	v28 =	vmul.f32 $1.442695020e+00, v28  }
0x520: {  	v30 =	vmul.f32 v49, v30;
	v50 =	vpop (erf);
	(erf) = vrcp.f32 v25  }
0x521: {  	v32 =	vadd.f32 $1.000000000e+00, v50  }
0x522: {  	v51 =	vld [tilespmem:s29+$0x50];
	v26 =	vadd.f32 v26, v31;
	(erf) = vpow2.f32 v28;
	[tilespmem:s29+$0x40] =	vst v30  }
0x523: {  	v52 =	vld [tilespmem:s9+$0x450];
	(erf) = vrcp.f32 v32  }
0x524: {  	v26 =	vsub.f32 $0.0e+00, v26;
	v18 =	vadd.f32 v18, v29  }
0x525: {  	v53 =	vld [tilespmem:s23+$0x50]  }
0x526: {  	v54 =	vld [tilespmem:s2+$0x10];
	v26 =	vmul.f32 $1.442695020e+00, v26;
	v18 =	vadd.f32 v27, v18;
	v55 =	vpop (erf)  }
0x527: {  	v56 =	vpop (erf);
	v59 =	vadd.f32 $1.000000000e+00, v55  }
0x528: {  	v58 =	vld [tilespmem:s31+$0x60];
	v18 =	vsub.f32 $0.0e+00, v18;
	(erf) = vpow2.f32 v26;
	v57 =	vpop (erf);
	v25 =	vadd.f32 v51, v52  }
0x529: {  	v60 =	vpop (erf);
	(erf) = vrcp.f32 v59  }
0x52a: {  	v18 =	vmul.f32 $1.442695020e+00, v18;
	v25 =	vadd.f32 v53, v25  }
0x52b: {  	v27 =	vmul.f32 v60, v54;
	v61 =	vpop (erf)  }
0x52c: {  	v63 =	vld [tilespmem:s24+$0x70];
	v62 =	vadd.f32 $1.000000000e+00, v57;
	(erf) = vpow2.f32 v18;
	v25 =	vsub.f32 $0.0e+00, v25;
	v35 =	vpop (erf)  }
0x52d: {  	v36 =	vld [tilespmem:s1+$0x20];
	v26 =	vadd.f32 $1.000000000e+00, v61;
	[tilespmem:s1+$0x10] =	vst v27;
	v28 =	vmul.f32 v35, v58  }
0x52e: {  	(erf) = vrcp.f32 v62;
	v37 =	vld [tilespmem:s2+$0x420];
	v25 =	vmul.f32 $1.442695020e+00, v25  }
0x52f: {  	v38 =	vld [tilespmem:s4+$0x20];
	(erf) = vrcp.f32 v26;
	[tilespmem:s24+$0x60] =	vst v28  }
0x530: {  	(erf) = vpow2.f32 v25;
	v39 =	vld [tilespmem:s31+$0x470]  }
0x531: {  	v41 =	vpop (erf)  }
0x532: {  	v40 =	vld [tilespmem:s12+$0x70];
	v43 =	vpop (erf)  }
0x533: {  	v18 =	vadd.f32 v36, v37;
	v24 =	vmul.f32 v43, v24  }
0x534: {  	v23 =	vmul.f32 v56, v23  }
0x535: {  	v44 =	vld [tilespmem:s3+$0x30];
	v45 =	vpop (erf);
	v18 =	vadd.f32 v38, v18;
	v25 =	vadd.f32 v63, v39  }
0x536: {  	[tilespmem:s29+$0xFFFFFFC0] =	vst v23;
	v42 =	vadd.f32 $1.000000000e+00, v41;
	v28 =	vadd.f32 $1.000000000e+00, v45  }
0x537: {  	[tilespmem:s1+$0xFFFFFF90] =	vst v24;
	v18 =	vsub.f32 $0.0e+00, v18;
	v25 =	vadd.f32 v40, v25;
	v24 =	vpop (erf)  }
0x538: {  	v48 =	vld [tilespmem:s14+$0x450];
	(erf) = vrcp.f32 v42;
	v47 =	vpop (erf)  }
0x539: {  	(erf) = vrcp.f32 v28;
	v46 =	vld [tilespmem:s13+$0x420];
	v18 =	vmul.f32 $1.442695020e+00, v18;
	v25 =	vsub.f32 $0.0e+00, v25;
	v49 =	vpop (erf)  }
0x53a: {  	v52 =	vld [tilespmem:s18+$0x40];
	v26 =	vmul.f32 v47, v44;
	v28 =	vadd.f32 $1.000000000e+00, v49  }
0x53b: {  	v50 =	vld [tilespmem:s4+$0xFFFFFFA0];
	(erf) = vpow2.f32 v18;
	v25 =	vmul.f32 $1.442695020e+00, v25  }
0x53c: {  	v51 =	vld [tilespmem:s23+$0xFFFFFFD0];
	[tilespmem:s18+$0x30] =	vst v26;
	(erf) = vrcp.f32 v28  }
0x53d: {  	v10 =	vadd.f32 v10, v48;
	v53 =	vld [tilespmem:s3+$0x440];
	(erf) = vpow2.f32 v25  }
0x53e: {  	v54 =	vld [tilespmem:s11+$0x30];
	v21 =	vadd.f32 v21, v46  }
0x53f: {  	v55 =	vld [tilespmem:s17+$0x40]  }
0x540: {  	v21 =	vadd.f32 v50, v21  }
0x541: {  	v18 =	vadd.f32 v51, v10;
	v10 =	vpop (erf)  }
0x542: {  	v57 =	vld [tilespmem:s9+$0x50];
	v21 =	vsub.f32 $0.0e+00, v21;
	v56 =	vpop (erf);
	v23 =	vadd.f32 v52, v53  }
0x543: {  	v18 =	vsub.f32 $0.0e+00, v18;
	v25 =	vmul.f32 v56, v54  }
0x544: {  	v21 =	vmul.f32 $1.442695020e+00, v21;
	v58 =	vpop (erf);
	v23 =	vadd.f32 v55, v23  }
0x545: {  	v18 =	vmul.f32 $1.442695020e+00, v18;
	[tilespmem:s18+$0xFFFFFFB0] =	vst v25;
	v59 =	vpop (erf)  }
0x546: {  	(erf) = vpow2.f32 v21;
	v61 =	vld [tilespmem:s11+$0x440];
	v60 =	vadd.f32 $1.000000000e+00, v58;
	v23 =	vsub.f32 $0.0e+00, v23;
	v62 =	vpop (erf)  }
0x547: {  	(erf) = vpow2.f32 v18;
	v21 =	vmul.f32 v59, v57;
	v18 =	vadd.f32 $1.000000000e+00, v62  }
0x548: {  	v63 =	vld [tilespmem:s17+$0xFFFFFFC0];
	(erf) = vrcp.f32 v60;
	v23 =	vmul.f32 $1.442695020e+00, v23  }
0x549: {  	v32 =	vld [tilespmem:s29+$0x60];
	[tilespmem:s29+$0x50] =	vst v21;
	(erf) = vrcp.f32 v18  }
0x54a: {  	v33 =	vld [tilespmem:s9+$0x460];
	(erf) = vpow2.f32 v23  }
0x54b: {  	v16 =	vadd.f32 v16, v61  }
0x54c: {  	v21 =	vld [tilespmem:s23+$0x60]  }
0x54d: {  	v34 =	vld [tilespmem:s2+$0x20];
	v16 =	vadd.f32 v63, v16;
	_ =	sdelay $0x1  }
0x54e: {  	v35 =	vpop (erf);
	v16 =	vsub.f32 $0.0e+00, v16;
	v18 =	vadd.f32 v32, v33  }
0x54f: {  	v36 =	vpop (erf);
	v26 =	vadd.f32 $1.000000000e+00, v35  }
0x550: {  	v16 =	vmul.f32 $1.442695020e+00, v16;
	v37 =	vpop (erf);
	v18 =	vadd.f32 v21, v18  }
0x551: {  	[tilespmem:s24+$0xFFFFFFD0] =	vst v12;
	(erf) = vrcp.f32 v26;
	v38 =	vmul.f32 v37, v34;
	v12 =	vpop (erf)  }
0x552: {  	v42 =	vld [tilespmem:s1+$0x30];
	v40 =	vadd.f32 $1.000000000e+00, v36;
	(erf) = vpow2.f32 v16;
	v18 =	vsub.f32 $0.0e+00, v18;
	v41 =	vpop (erf)  }
0x553: {  	v39 =	vld [tilespmem:s0+$0x460];
	[tilespmem:s1+$0x20] =	vst v38;
	v25 =	vadd.f32 $1.000000000e+00, v41  }
0x554: {  	(erf) = vrcp.f32 v40;
	v43 =	vld [tilespmem:s2+$0x430];
	v18 =	vmul.f32 $1.442695020e+00, v18  }
0x555: {  	v44 =	vld [tilespmem:s12+$0xFFFFFFE0];
	(erf) = vrcp.f32 v25  }
0x556: {  	v45 =	vld [tilespmem:s4+$0x30];
	(erf) = vpow2.f32 v18  }
0x557: {  	v46 =	vld [tilespmem:s13+$0x20]  }
0x558: {  	v5 =	vadd.f32 v5, v39  }
0x559: {  	v16 =	vadd.f32 v42, v43  }
0x55a: {  	v47 =	vmul.f32 v24, v22;
	v49 =	vld [tilespmem:s3+$0x40];
	v5 =	vadd.f32 v44, v5;
	v48 =	vpop (erf)  }
0x55b: {  	v50 =	vpop (erf);
	v16 =	vadd.f32 v45, v16  }
0x55c: {  	[tilespmem:s26+$0xFFFFFFE0] =	vst v47;
	v5 =	vsub.f32 $0.0e+00, v5;
	v18 =	vmul.f32 v48, v46;
	v51 =	vadd.f32 $1.000000000e+00, v50  }
0x55d: {  	v52 =	vld [tilespmem:s19+$0x470];
	v24 =	vpop (erf);
	v16 =	vsub.f32 $0.0e+00, v16  }
0x55e: {  	v53 =	vld [tilespmem:s28+$0xFFFFFFF0];
	v5 =	vmul.f32 $1.442695020e+00, v5;
	[tilespmem:s1+$0xFFFFFFA0] =	vst v18;
	(erf) = vrcp.f32 v51;
	v54 =	vpop (erf)  }
0x55f: {  	v55 =	vld [tilespmem:s13+$0x430];
	v16 =	vmul.f32 $1.442695020e+00, v16;
	v18 =	vmul.f32 v54, v49;
	v56 =	vpop (erf)  }
0x560: {  	v57 =	vld [tilespmem:s18+$0x50];
	(erf) = vpow2.f32 v5;
	v23 =	vadd.f32 $1.000000000e+00, v56  }
0x561: {  	v58 =	vld [tilespmem:s4+$0xFFFFFFB0];
	(erf) = vpow2.f32 v16;
	[tilespmem:s18+$0x40] =	vst v18  }
0x562: {  	v59 =	vld [tilespmem:s3+$0x450];
	(erf) = vrcp.f32 v23  }
0x563: {  	v3 =	vadd.f32 v3, v52  }
0x564: {  	v60 =	vadd.f32 v20, v55;
	v61 =	vld [tilespmem:s17+$0x50]  }
0x565: {  	v3 =	vadd.f32 v53, v3  }
0x566: {  	v18 =	vadd.f32 v58, v60  }
0x567: {  	v62 =	vld [tilespmem:s9+$0x60];
	v3 =	vsub.f32 $0.0e+00, v3;
	v5 =	vadd.f32 v57, v59  }
0x568: {  	v18 =	vsub.f32 $0.0e+00, v18;
	v63 =	vpop (erf)  }
0x569: {  	v3 =	vmul.f32 $1.442695020e+00, v3;
	v25 =	vpop (erf);
	v5 =	vadd.f32 v61, v5  }
0x56a: {  	v18 =	vmul.f32 $1.442695020e+00, v18;
	v26 =	vpop (erf)  }
0x56b: {  	(erf) = vpow2.f32 v3;
	v3 =	vadd.f32 $1.000000000e+00, v25;
	v5 =	vsub.f32 $0.0e+00, v5;
	v27 =	vpop (erf)  }
0x56c: {  	(erf) = vpow2.f32 v18;
	v28 =	vadd.f32 $1.000000000e+00, v26;
	v16 =	vmul.f32 v27, v62  }
0x56d: {  	(erf) = vrcp.f32 v3;
	v5 =	vmul.f32 $1.442695020e+00, v5  }
0x56e: {  	v3 =	vld [tilespmem:s29+$0x70];
	(erf) = vrcp.f32 v28;
	[tilespmem:s29+$0x60] =	vst v16  }
0x56f: {  	(erf) = vpow2.f32 v5;
	v29 =	vld [tilespmem:s9+$0x470];
	_ =	sdelay $0x1  }
0x570: {  	v31 =	vld [tilespmem:s23+$0x70]  }
0x571: {  	v30 =	vld [tilespmem:s11+$0x40];
	_ =	sdelay $0x1  }
0x572: {  	v32 =	vld [tilespmem:s2+$0x30];
	v33 =	vpop (erf);
	v3 =	vadd.f32 v3, v29  }
0x573: {  	v34 =	vpop (erf)  }
0x574: {  	v35 =	vadd.f32 $1.000000000e+00, v33;
	v36 =	vpop (erf);
	v3 =	vadd.f32 v31, v3  }
0x575: {  	v16 =	vmul.f32 v63, v30;
	v5 =	vadd.f32 $1.000000000e+00, v34;
	v37 =	vpop (erf)  }
0x576: {  	(erf) = vrcp.f32 v35;
	v38 =	vpop (erf);
	v3 =	vsub.f32 $0.0e+00, v3  }
0x577: {  	v41 =	vld [tilespmem:s1+$0x40];
	[tilespmem:s18+$0xFFFFFFC0] =	vst v16;
	(erf) = vrcp.f32 v5;
	v18 =	vmul.f32 v37, v32;
	v16 =	vadd.f32 $1.000000000e+00, v38  }
0x578: {  	v39 =	vld [tilespmem:s11+$0x450];
	v3 =	vmul.f32 $1.442695020e+00, v3  }
0x579: {  	v40 =	vld [tilespmem:s17+$0xFFFFFFD0];
	[tilespmem:s1+$0x30] =	vst v18;
	(erf) = vrcp.f32 v16  }
0x57a: {  	v42 =	vld [tilespmem:s2+$0x440];
	(erf) = vpow2.f32 v3  }
0x57b: {  	v43 =	vld [tilespmem:s13+$0x30]  }
0x57c: {  	v44 =	vld [tilespmem:s4+$0x40]  }
0x57d: {  	v5 =	vadd.f32 v11, v39;
	_ =	sdelay $0x1  }
0x57e: {  	v5 =	vadd.f32 v40, v5;
	v45 =	vadd.f32 v41, v42;
	v3 =	vpop (erf)  }
0x57f: {  	v46 =	vpop (erf)  }
0x580: {  	v5 =	vsub.f32 $0.0e+00, v5;
	v11 =	vadd.f32 v44, v45;
	v16 =	vmul.f32 v46, v43  }
0x581: {  	v47 =	vpop (erf)  }
0x582: {  	v5 =	vmul.f32 $1.442695020e+00, v5;
	v11 =	vsub.f32 $0.0e+00, v11;
	[tilespmem:s1+$0xFFFFFFB0] =	vst v16;
	v48 =	vpop (erf)  }
0x583: {  	v49 =	vld [tilespmem:s13+$0x440];
	v16 =	vadd.f32 $1.000000000e+00, v48  }
0x584: {  	(erf) = vpow2.f32 v5;
	v50 =	vmul.f32 $1.442695020e+00, v11  }
0x585: {  	v51 =	vld [tilespmem:s4+$0xFFFFFFC0];
	(erf) = vrcp.f32 v16  }
0x586: {  	(erf) = vpow2.f32 v50;
	_ =	sdelay $0x1  }
0x587: {  	v52 =	vld [tilespmem:s3+$0x50];
	v53 =	vadd.f32 v17, v49;
	_ =	sdelay $0x1  }
0x588: {  	v54 =	vld [tilespmem:s14+$0x50];
	v11 =	vadd.f32 v51, v53;
	_ =	sdelay $0x1  }
0x589: {  	v11 =	vsub.f32 $0.0e+00, v11  }
0x58a: {  	v55 =	vmul.f32 v47, v52;
	v56 =	vpop (erf)  }
0x58b: {  	v11 =	vmul.f32 $1.442695020e+00, v11;
	v5 =	vpop (erf)  }
0x58c: {  	v57 =	vld [tilespmem:s18+$0x60];
	[tilespmem:s18+$0x50] =	vst v55;
	v17 =	vmul.f32 v24, v54;
	v58 =	vadd.f32 $1.000000000e+00, v56;
	v59 =	vpop (erf)  }
0x58d: {  	v60 =	vld [tilespmem:s3+$0x460];
	(erf) = vpow2.f32 v11;
	v61 =	vadd.f32 $1.000000000e+00, v59  }
0x58e: {  	v63 =	vld [tilespmem:s17+$0x60];
	[tilespmem:s29+$0xFFFFFFD0] =	vst v17;
	(erf) = vrcp.f32 v58  }
0x58f: {  	v62 =	vld [tilespmem:s14+$0x460];
	(erf) = vrcp.f32 v61;
	_ =	sdelay $0x1  }
0x590: {  	v25 =	vld [tilespmem:s23+$0xFFFFFFE0]  }
0x591: {  	v24 =	vld [tilespmem:s0+$0x60];
	v17 =	vadd.f32 v57, v60;
	_ =	sdelay $0x1  }
0x592: {  	v26 =	vld [tilespmem:s2+$0x40];
	v16 =	vadd.f32 v63, v17;
	v7 =	vadd.f32 v7, v62;
	_ =	sdelay $0x1  }
0x593: {  	v16 =	vsub.f32 $0.0e+00, v16;
	v7 =	vadd.f32 v25, v7;
	v27 =	vpop (erf)  }
0x594: {  	v11 =	vmul.f32 v36, v24;
	v28 =	vpop (erf)  }
0x595: {  	v29 =	vmul.f32 $1.442695020e+00, v16;
	v7 =	vsub.f32 $0.0e+00, v7;
	v30 =	vpop (erf)  }
0x596: {  	v32 =	vld [tilespmem:s1+$0x50];
	[tilespmem:s24+$0xFFFFFFE0] =	vst v11;
	v18 =	vadd.f32 $1.000000000e+00, v27;
	v16 =	vmul.f32 v30, v26  }
0x597: {  	v31 =	vld [tilespmem:s0+$0x470];
	v7 =	vmul.f32 $1.442695020e+00, v7;
	(erf) = vpow2.f32 v29  }
0x598: {  	v33 =	vld [tilespmem:s12+$0xFFFFFFF0];
	(erf) = vrcp.f32 v18;
	[tilespmem:s1+$0x40] =	vst v16  }
0x599: {  	(erf) = vpow2.f32 v7;
	v34 =	vld [tilespmem:s2+$0x450];
	_ =	sdelay $0x1  }
0x59a: {  	v16 =	vld [tilespmem:s4+$0x50]  }
0x59b: {  	v4 =	vadd.f32 v4, v31;
	_ =	sdelay $0x1  }
0x59c: {  	v4 =	vadd.f32 v33, v4;
	v7 =	vadd.f32 v32, v34;
	_ =	sdelay $0x1  }
0x59d: {  	v4 =	vsub.f32 $0.0e+00, v4;
	v35 =	vpop (erf);
	v7 =	vadd.f32 v16, v7  }
0x59e: {  	v11 =	vadd.f32 $1.000000000e+00, v35;
	v36 =	vpop (erf)  }
0x59f: {  	v4 =	vmul.f32 $1.442695020e+00, v4;
	v37 =	vpop (erf);
	v7 =	vsub.f32 $0.0e+00, v7  }
0x5a0: {  	(erf) = vrcp.f32 v11;
	v38 =	vadd.f32 $1.000000000e+00, v37  }
0x5a1: {  	(erf) = vpow2.f32 v4;
	v39 =	vmul.f32 $1.442695020e+00, v7  }
0x5a2: {  	(erf) = vrcp.f32 v38  }
0x5a3: {  	(erf) = vpow2.f32 v39;
	_ =	sdelay $0x1  }
0x5a4: {  	v41 =	vld [tilespmem:s13+$0x40]  }
0x5a5: {  	v40 =	vld [tilespmem:s3+$0x60];
	_ =	sdelay $0x2  }
0x5a6: {  	v42 =	vpop (erf)  }
0x5a7: {  	v7 =	vmul.f32 v36, v41;
	v43 =	vpop (erf)  }
0x5a8: {  	v4 =	vmul.f32 v42, v40;
	v44 =	vpop (erf)  }
0x5a9: {  	v45 =	vld [tilespmem:s18+$0x70];
	[tilespmem:s1+$0xFFFFFFC0] =	vst v7;
	v17 =	vadd.f32 $1.000000000e+00, v43;
	v46 =	vpop (erf)  }
0x5aa: {  	v49 =	vld [tilespmem:s13+$0x450];
	[tilespmem:s18+$0x60] =	vst v4;
	v47 =	vadd.f32 $1.000000000e+00, v46  }
0x5ab: {  	v48 =	vld [tilespmem:s3+$0x470];
	(erf) = vrcp.f32 v17  }
0x5ac: {  	(erf) = vrcp.f32 v47  }
0x5ad: {  	v50 =	vld [tilespmem:s17+$0x70]  }
0x5ae: {  	v51 =	vld [tilespmem:s4+$0xFFFFFFD0];
	_ =	sdelay $0x1  }
0x5af: {  	v14 =	vadd.f32 v14, v49;
	v7 =	vadd.f32 v45, v48  }
0x5b0: {  	v52 =	vld [tilespmem:s2+$0x50]  }
0x5b1: {  	v4 =	vadd.f32 v50, v7  }
0x5b2: {  	v53 =	vadd.f32 v51, v14  }
0x5b3: {  	v4 =	vsub.f32 $0.0e+00, v4;
	v14 =	vpop (erf)  }
0x5b4: {  	v7 =	vsub.f32 $0.0e+00, v53;
	v54 =	vpop (erf)  }
0x5b5: {  	v4 =	vmul.f32 $1.442695020e+00, v4;
	v16 =	vmul.f32 v54, v52  }
0x5b6: {  	v7 =	vmul.f32 $1.442695020e+00, v7  }
0x5b7: {  	v55 =	vld [tilespmem:s1+$0x60];
	(erf) = vpow2.f32 v4;
	[tilespmem:s1+$0x50] =	vst v16  }
0x5b8: {  	(erf) = vpow2.f32 v7;
	v56 =	vld [tilespmem:s2+$0x460];
	_ =	sdelay $0x1  }
0x5b9: {  	v57 =	vld [tilespmem:s4+$0x60]  }
0x5ba: {  	v58 =	vld [tilespmem:s11+$0x50];
	_ =	sdelay $0x1  }
0x5bb: {  	v4 =	vadd.f32 v55, v56;
	_ =	sdelay $0x1  }
0x5bc: {  	v4 =	vadd.f32 v57, v4  }
0x5bd: {  	v59 =	vmul.f32 v28, v58;
	v60 =	vpop (erf)  }
0x5be: {  	v16 =	vadd.f32 $1.000000000e+00, v60;
	v61 =	vpop (erf);
	v4 =	vsub.f32 $0.0e+00, v4  }
0x5bf: {  	[tilespmem:s18+$0xFFFFFFD0] =	vst v59;
	v62 =	vadd.f32 $1.000000000e+00, v61  }
0x5c0: {  	v63 =	vld [tilespmem:s11+$0x460];
	(erf) = vrcp.f32 v16;
	v4 =	vmul.f32 $1.442695020e+00, v4  }
0x5c1: {  	(erf) = vrcp.f32 v62  }
0x5c2: {  	v16 =	vld [tilespmem:s17+$0xFFFFFFE0];
	(erf) = vpow2.f32 v4;
	_ =	sdelay $0x2  }
0x5c3: {  	v18 =	vadd.f32 v9, v63  }
0x5c4: {  	v20 =	vld [tilespmem:s14+$0x60]  }
0x5c5: {  	v4 =	vadd.f32 v16, v18;
	_ =	sdelay $0x1  }
0x5c6: {  	v21 =	vpop (erf);
	v4 =	vsub.f32 $0.0e+00, v4  }
0x5c7: {  	v22 =	vpop (erf)  }
0x5c8: {  	v9 =	vmul.f32 v44, v20;
	v4 =	vmul.f32 $1.442695020e+00, v4;
	v23 =	vpop (erf)  }
0x5c9: {  	v11 =	vadd.f32 $1.000000000e+00, v23  }
0x5ca: {  	[tilespmem:s29+$0xFFFFFFE0] =	vst v9;
	(erf) = vpow2.f32 v4  }
0x5cb: {  	v24 =	vld [tilespmem:s14+$0x470];
	(erf) = vrcp.f32 v11;
	_ =	sdelay $0x1  }
0x5cc: {  	v9 =	vld [tilespmem:s23+$0xFFFFFFF0];
	_ =	sdelay $0x2  }
0x5cd: {  	v25 =	vld [tilespmem:s2+$0x60];
	v4 =	vadd.f32 v6, v24;
	_ =	sdelay $0x1  }
0x5ce: {  	v4 =	vadd.f32 v9, v4  }
0x5cf: {  	v26 =	vpop (erf)  }
0x5d0: {  	v4 =	vsub.f32 $0.0e+00, v4;
	v11 =	vpop (erf)  }
0x5d1: {  	v6 =	vmul.f32 v11, v25  }
0x5d2: {  	v4 =	vmul.f32 $1.442695020e+00, v4  }
0x5d3: {  	v27 =	vld [tilespmem:s1+$0x70];
	[tilespmem:s1+$0x60] =	vst v6  }
0x5d4: {  	(erf) = vpow2.f32 v4;
	v28 =	vld [tilespmem:s2+$0x470];
	_ =	sdelay $0x1  }
0x5d5: {  	v6 =	vld [tilespmem:s4+$0x70];
	_ =	sdelay $0x2  }
0x5d6: {  	v29 =	vld [tilespmem:s13+$0x50];
	v4 =	vadd.f32 v27, v28;
	_ =	sdelay $0x1  }
0x5d7: {  	v4 =	vadd.f32 v6, v4;
	_ =	sdelay $0x1  }
0x5d8: {  	v30 =	vadd.f32 $1.000000000e+00, v26;
	v31 =	vpop (erf);
	v4 =	vsub.f32 $0.0e+00, v4  }
0x5d9: {  	v32 =	vmul.f32 v22, v29;
	v9 =	vadd.f32 $1.000000000e+00, v31  }
0x5da: {  	(erf) = vrcp.f32 v30;
	v4 =	vmul.f32 $1.442695020e+00, v4  }
0x5db: {  	[tilespmem:s1+$0xFFFFFFD0] =	vst v32;
	(erf) = vrcp.f32 v9  }
0x5dc: {  	v33 =	vld [tilespmem:s13+$0x460];
	(erf) = vpow2.f32 v4;
	_ =	sdelay $0x1  }
0x5dd: {  	v34 =	vld [tilespmem:s4+$0xFFFFFFE0]  }
0x5de: {  	v35 =	vld [tilespmem:s11+$0x60];
	_ =	sdelay $0x1  }
0x5df: {  	v4 =	vadd.f32 v13, v33;
	_ =	sdelay $0x1  }
0x5e0: {  	v36 =	vpop (erf);
	v4 =	vadd.f32 v34, v4  }
0x5e1: {  	v37 =	vmul.f32 v36, v35;
	v38 =	vpop (erf)  }
0x5e2: {  	v4 =	vsub.f32 $0.0e+00, v4;
	v39 =	vpop (erf)  }
0x5e3: {  	[tilespmem:s18+$0xFFFFFFE0] =	vst v37;
	v40 =	vadd.f32 $1.000000000e+00, v39  }
0x5e4: {  	v41 =	vld [tilespmem:s11+$0x470];
	v4 =	vmul.f32 $1.442695020e+00, v4  }
0x5e5: {  	(erf) = vrcp.f32 v40  }
0x5e6: {  	v42 =	vld [tilespmem:s17+$0xFFFFFFF0];
	(erf) = vpow2.f32 v4;
	_ =	sdelay $0x2  }
0x5e7: {  	v43 =	vadd.f32 v8, v41;
	_ =	sdelay $0x1  }
0x5e8: {  	v4 =	vadd.f32 v42, v43;
	_ =	sdelay $0x1  }
0x5e9: {  	v4 =	vsub.f32 $0.0e+00, v4  }
0x5ea: {  	v44 =	vpop (erf)  }
0x5eb: {  	v4 =	vmul.f32 $1.442695020e+00, v4;
	v45 =	vpop (erf)  }
0x5ec: {  	v8 =	vadd.f32 $1.000000000e+00, v45  }
0x5ed: {  	(erf) = vpow2.f32 v4  }
0x5ee: {  	(erf) = vrcp.f32 v8;
	_ =	sdelay $0x4  }
0x5ef: {  	v46 =	vld [tilespmem:s13+$0x60];
	_ =	sdelay $0x2  }
0x5f0: {  	v47 =	vpop (erf)  }
0x5f1: {  	v48 =	vpop (erf)  }
0x5f2: {  	v4 =	vmul.f32 v48, v46;
	_ =	sdelay $0x1  }
0x5f3: {  	[tilespmem:s1+$0xFFFFFFE0] =	vst v4  }
0x5f4: {  	v4 =	vld [tilespmem:s13+$0x470];
	_ =	sdelay $0x1  }
0x5f5: {  	v49 =	vld [tilespmem:s4+$0xFFFFFFF0];
	_ =	sdelay $0x2  }
0x5f6: {  	v4 =	vadd.f32 v15, v4;
	_ =	sdelay $0x1  }
0x5f7: {  	v4 =	vadd.f32 v49, v4;
	_ =	sdelay $0x1  }
0x5f8: {  	v4 =	vsub.f32 $0.0e+00, v4  }
0x5f9: {  	v8 =	vadd.f32 $1.000000000e+00, v47  }
0x5fa: {  	v4 =	vmul.f32 $1.442695020e+00, v4  }
0x5fb: {  	(erf) = vrcp.f32 v8  }
0x5fc: {  	(erf) = vpow2.f32 v4;
	_ =	sdelay $0x7  }
0x5fd: {  	v50 =	vpop (erf)  }
0x5fe: {  	v53 =	vld [tilespmem:s19+$0x70];
	v52 =	vpop (erf)  }
0x5ff: {  	v54 =	vld [tilespmem:s9+$0x70];
	v11 =	vadd.f32 $1.000000000e+00, v52  }
0x600: {  	v55 =	vld [tilespmem:s0+$0x70]  }
0x601: {  	v56 =	vld [tilespmem:s3+$0x70];
	(erf) = vrcp.f32 v11  }
0x602: {  	v10 =	vmul.f32 v10, v19;
	v57 =	vld [tilespmem:s14+$0x70]  }
0x603: {  	v3 =	vmul.f32 v3, v53;
	v58 =	vld [tilespmem:s2+$0x70]  }
0x604: {  	[tilespmem:s21+$0xFFFFFFF0] =	vst v10;
	v51 =	vld [tilespmem:s31+$0x70];
	v5 =	vmul.f32 v5, v54  }
0x605: {  	[tilespmem:s26+$0xFFFFFFF0] =	vst v3;
	v3 =	vmul.f32 v14, v55;
	v59 =	vld [tilespmem:s11+$0x70]  }
0x606: {  	[tilespmem:s29+$0x70] =	vst v5;
	v61 =	vmul.f32 v21, v56;
	v60 =	vld [tilespmem:s13+$0x70]  }
0x607: {  	[tilespmem:s24+$0xFFFFFFF0] =	vst v3;
	v3 =	vmul.f32 v38, v57  }
0x608: {  	[tilespmem:s18+$0x70] =	vst v61;
	v62 =	vmul.f32 v44, v58  }
0x609: {  	[tilespmem:s29+$0xFFFFFFF0] =	vst v3;
	v8 =	vmul.f32 v12, v51  }
0x60a: {  	[tilespmem:s1+$0x70] =	vst v62;
	v3 =	vmul.f32 v50, v59;
	v63 =	vpop (erf)  }
0x60b: {  	[tilespmem:s24+$0x70] =	vst v8;
	v4 =	vmul.f32 v63, v60  }
0x60c: {  	s30 =	rddreg [dreg:$0x2];
	s7 =	simm.s32 $0x6600;
	s31 =	simm.s32 $0x28;
	[tilespmem:s18+$0xFFFFFFF0] =	vst v3  }
.Ltmp4:
0x60d: {  	s2 =	simm.s32 $0x5;
	s4 =	simm.s32 $0x180;
	[tilespmem:s1+$0xFFFFFFF0] =	vst v4;
	(pc) =	sbr.rel @p0 .LBB2_8-.Ltmp4, $4  }
0x60e: {  	[spmem:s30] =	stream.indirect.scatter.add.f32 [tilespmem:s7], [sflag:$0x5], $0x80, s4, s31, $0xb8;
	[tilespmem:$0x1E200] =	vst v63  }
0x60f: {  	_ =	swait.ge [sflag:s2], $0x1400  }
0x610: {  	[sflag:s2] =	ssyncset.done $0x0  }
0x611: {  	[sflag:s2] =	ssyncadd.s32 $0xFFFFEC00  }
0x612: {  	s0 =	rddreg [dreg:$0x10]  }
0x613: {  	s1 =	rddreg [dreg:$0x16]  }
0x614: {  	s29 =	rddreg [dreg:$0x5];
	s0 =	sadd.s32 s1, s0  }
0x615: {  	s2 =	simm.s32 $0x0;
	s3 =	simm.s32 $0x80;
	s0 =	sshrl.u32 s0, $0x3  }
.Ltmp5:
0x616: {  	s30 =	rddreg [dreg:$0x6];
	s1 =	sadd.s32 s29, s0;
	(pc) =	sbr.rel .LBB2_2-.Ltmp5, $4  }
0x617: {  	[tilespmem:s3], [sflag:$0x2] =	stream.linear.gather [hbm4b:s1+s2], $0x28, $0x38;
	[tilespmem:$0x1E200] =	vst v63  }
0x618: {  	s31 =	rddreg [dreg:$0x15];
	s0 =	sadd.s32 s30, s0  }
0x619: {  	[tilespmem:s4], [sflag:$0x2] =	stream.linear.gather [hbm4b:s0+s2], $0x28, $0x38;
	[tilespmem:$0x1E200] =	vst v63  }
0x61a: {  	s2 =	sadd.s32 $0x1, s31  }
.LBB2_9:
0x61b: {  	_ =	sfence.sel $0x180000  }
0x61c: {  	[bflag:$0x0] =	sbarrier.arrive $0xFFFF  }
0x61d: {  	_ =	strace $0x90000047  }
0x61e: {  	s0 =	stileid.u32;
	[bflag:$0x2] =	sbarrier.arrive $0xFFFF  }
0x61f: {  	p0 =	sne.s32 s0, $0x0;
	s0 =	rddreg [dreg:$0x3]  }
0x620: {  	s0 =	sadd.s32 @!p0 $0x100000, s0  }
0x621: {  	[sflag:s0] =	ssyncadd.tile.s32 @!p0 $0x1;
	_ =	shalt  }
.Lfunc_end2:
_tile_overlayer_lowered:
.L_overlay_start_2:
0x622: {  	(tag) =	ssettag $0x2  }
0x623: {  	s0 =	rddreg [dreg:$0x0];
	s2 =	stileid.u32  }
0x624: {  	s1 =	rddreg [dreg:$0x1];
	p0 =	sne.s32 s2, $0x0  }
0x625: {  	s3 =	rddreg [dreg:$0x2];
	[bflag:$0x3] =	sbarrier.arrive $0xFFFF;
	s2 =	simm.s32 @!p0 $0x1C05  }
0x626: {  	[timem:s3], [sflag:s2] =	dma.local @!p0 [hbm:s0], s1  }
0x627: {  	s0 =	simm.s32 @!p0 $0x5  }
0x628: {  	_ =	swait.ge @!p0 [sflag:s0], s1  }
0x629: {  	s1 =	ssub.s32 @!p0 $0x0, s1;
	[sflag:s0] =	ssyncset.done @!p0 $0x0  }
0x62a: {  	[sflag:s0] =	ssyncadd.s32 @!p0 s1  }
0x62b: {  	[bflag:$0x3] =	sbarrier.arrive $0xFFFF  }
0x62c: {  	_ =	shalt  }

</sc_bundles>
